<compile_context>
chip_gen: v7x
topology: tpu7x:2x2x1
jax: 0.10.2.dev20260603
libtpu: 0.0.44.dev20260713+nightly
codegen_flags: <defaults>
</compile_context>

<pallas_src>
import functools

import jax
import jax.numpy as jnp
from jax import lax
from jax.experimental import pallas as pl
from jax.experimental.pallas import tpu as pltpu
from jax.experimental.pallas import tpu_sc as plsc

LANES = 16
NB = 4


@functools.lru_cache(maxsize=None)
def _build_sc_kernel(B, S, V, D):
    info = plsc.get_sparse_core_info()
    NC, NS = info.num_cores, info.num_subcores
    NW = NC * NS
    G = B // NW
    CV = D // LANES
    C1 = 128
    C2 = S - C1
    TS = G // NB

    mesh = plsc.VectorSubcoreMesh(core_axis_name="c", subcore_axis_name="s")

    @functools.partial(
        pl.kernel,
        mesh=mesh,
        compiler_params=pltpu.CompilerParams(use_tc_tiling_on_sc=False),
        out_type=jax.ShapeDtypeStruct((B, S, D), jnp.float32),
        scratch_types=[
            pltpu.VMEM((G, S), jnp.int32),
            pltpu.VMEM((S, D), jnp.float32),
            pltpu.VMEM((NB, S, D), jnp.float32),
            pltpu.SemaphoreType.DMA((NB,)),
            pltpu.SemaphoreType.DMA((NB,)),
        ],
    )
    def k(idx_hbm, table_hbm, pos_hbm, out_hbm, idx_v, pos_v, rows_v, gsem, ssem):
        wid = lax.axis_index("s") * NC + lax.axis_index("c")
        row0 = wid * G
        pltpu.sync_copy(idx_hbm.at[pl.ds(row0, G)], idx_v)
        pltpu.sync_copy(pos_hbm, pos_v)

        def start_gather(g, b):
            pltpu.async_copy(table_hbm.at[idx_v.at[g, pl.ds(0, C1)]],
                             rows_v.at[b, pl.ds(0, C1)], gsem.at[b])
            pltpu.async_copy(table_hbm.at[idx_v.at[g, pl.ds(C1, C2)]],
                             rows_v.at[b, pl.ds(C1, C2)], gsem.at[b])

        def wait_gather(g, b):
            pltpu.make_async_copy(table_hbm.at[idx_v.at[g, pl.ds(0, C1)]],
                                  rows_v.at[b, pl.ds(0, C1)], gsem.at[b]).wait()
            pltpu.make_async_copy(table_hbm.at[idx_v.at[g, pl.ds(C1, C2)]],
                                  rows_v.at[b, pl.ds(C1, C2)], gsem.at[b]).wait()

        def start_store(g, b):
            pltpu.async_copy(rows_v.at[b], out_hbm.at[row0 + g], ssem.at[b])

        def wait_store(g, b):
            pltpu.make_async_copy(rows_v.at[b], out_hbm.at[row0 + g],
                                  ssem.at[b]).wait()

        def add_pos(b):
            def add_body(i, c2):
                for c in range(CV):
                    sl = pl.ds(c * LANES, LANES)
                    rows_v[b, i, sl] = rows_v[b, i, sl] + pos_v[i, sl]
                return c2

            lax.fori_loop(0, S, add_body, 0)

        for b in range(NB):
            start_gather(b, b)

        def super_body(t, carry):
            for b in range(NB):
                g = t * NB + b
                wait_gather(g, b)
                add_pos(b)
                start_store(g, b)
                wait_store(g, b)
                start_gather(g + NB, b)
            return carry

        lax.fori_loop(0, TS - 1, super_body, 0)

        for b in range(NB):
            g = (TS - 1) * NB + b
            wait_gather(g, b)
            add_pos(b)
            start_store(g, b)
        for b in range(NB):
            g = (TS - 1) * NB + b
            wait_store(g, b)

    return k


def kernel(tokens, valid_lens, token_embedding, pos_embedding):
    B, S = tokens.shape
    V, D = token_embedding.shape
    k = _build_sc_kernel(B, S, V, D)
    out = k(tokens.astype(jnp.int32), token_embedding, pos_embedding[0, :S])
    return out

# --- scband reference (transcript-rebuilt; emitter-appended) ---
"""Pipeline reference for scband-pretrain-fuse-model-39840116638190 (READ-ONLY COPY).

The authoritative reference and input builder live on the scoring server;
editing this copy changes nothing except your own understanding.
"""

import jax, jax.numpy as jnp
import numpy as np

VOCAB = 100000
EMBED_DIM = 64
BATCH = 4096
SEQ_LEN = 200
MAX_POS = 512


def setup_inputs(seed: int = 0) -> dict:
    key = jax.random.key(seed)
    k1, k2, k3, k4 = jax.random.split(key, 4)
    tokens = jax.random.randint(k1, (BATCH, SEQ_LEN), 0, VOCAB, dtype=jnp.int64 if jax.config.jax_enable_x64 else jnp.int32)
    valid_lens = jax.random.randint(k2, (BATCH,), 0, SEQ_LEN, dtype=jnp.int64 if jax.config.jax_enable_x64 else jnp.int32)
    # guarantee max(valid_lens) == SEQ_LEN - 1 so the positional slice broadcasts against [B, SEQ_LEN, d]
    valid_lens = valid_lens.at[0].set(SEQ_LEN - 1)
    token_embedding = jax.random.normal(k3, (VOCAB, EMBED_DIM), dtype=jnp.float32) * 0.02
    pos_embedding = jax.random.normal(k4, (1, MAX_POS, EMBED_DIM), dtype=jnp.float32) * 0.02
    return {
        "tokens": tokens,
        "valid_lens": valid_lens,
        "token_embedding": token_embedding,
        "pos_embedding": pos_embedding,
    }


def reference(tokens, valid_lens, token_embedding, pos_embedding):
    # X = self.token_embedding(tokens)
    X = jnp.take(token_embedding, tokens, axis=0)
    # X = X + self.pos_embedding.data[:, :int(valid_lens.max()) + 1, :]
    l = valid_lens.max() + 1
    seq = X.shape[1]
    pos = pos_embedding[:, :seq, :]
    mask = jnp.arange(seq) < l
    X = X + jnp.where(mask[None, :, None], pos, jnp.zeros_like(pos))
    return X

if __name__ == "__main__":
    import jax
    _d = setup_inputs()
    print(jax.jit(kernel)(*tuple(_d.values())))

</pallas_src>

<mosaic_0001>
#map = affine_map<(d0, d1) -> (0, 0)>
#map1 = affine_map<(d0, d1) -> (0, 0, 0)>
module attributes {stable_mosaic.version = 14 : i64} {
  func.func @k(%arg0: i32, %arg1: i32, %arg2: memref<4096x200xi32, #tpu.memory_space<hbm>>, %arg3: memref<100000x64xf32, #tpu.memory_space<hbm>>, %arg4: memref<200x64xf32, #tpu.memory_space<hbm>>, %arg5: memref<4096x200x64xf32, #tpu.memory_space<hbm>>, %arg6: memref<128x200xi32, #tpu.memory_space<vmem>>, %arg7: memref<200x64xf32, #tpu.memory_space<vmem>>, %arg8: memref<4x200x64xf32, #tpu.memory_space<vmem>>, %arg9: memref<4x!tpu.dma_semaphore, #tpu.memory_space<semaphore_mem>>, %arg10: memref<4x!tpu.dma_semaphore, #tpu.memory_space<semaphore_mem>>) attributes {dimension_semantics = [#tpu.dimension_semantics<core_parallel>, #tpu.dimension_semantics<subcore_parallel>], iteration_bounds = array<i64: 2, 16>, scalar_prefetch = 0 : i64, scratch_operands = 5 : i64, tpu.core_type = #tpu.core_type<sc_vector_subcore>, window_params = [{transform_indices = #map}, {transform_indices = #map}, {transform_indices = #map}, {transform_indices = #map1}]} {
    %mul3A = arith.constant 2 : i32
    %mul3A_0 = arith.muli %arg1, %mul3A : i32
    %add3A = arith.addi %mul3A_0, %arg0 : i32
    %mul3A_1 = arith.constant 128 : i32
    %mul3A_2 = arith.muli %add3A, %mul3A_1 : i32
    "tpu.region"() ({
      %run_scoped3A = tpu.sem_alloc : memref<!tpu.dma_semaphore, #tpu.memory_space<semaphore_mem>>
      %dma_start3A_446 = arith.constant 0 : i32
      %dma_start3A_447 = tpu.memref_slice %arg2[%mul3A_2, %dma_start3A_446] : memref<4096x200xi32, #tpu.memory_space<hbm>> -> memref<128x200xi32, #tpu.memory_space<hbm>>
      %dma_start3A_448 = arith.constant 0 : i32
      %dma_start3A_449 = tpu.memref_slice %arg2[%mul3A_2, %dma_start3A_448] : memref<4096x200xi32, #tpu.memory_space<hbm>> -> memref<128x200xi32, #tpu.memory_space<hbm>>
      tpu.enqueue_dma source(%dma_start3A_449 : memref<128x200xi32, #tpu.memory_space<hbm>>) target(%arg6 : memref<128x200xi32, #tpu.memory_space<vmem>>) target_semaphore(%run_scoped3A : memref<!tpu.dma_semaphore, #tpu.memory_space<semaphore_mem>>)
      %dma_wait3A_450 = arith.constant 0 : i32
      %dma_wait3A_451 = tpu.memref_slice %arg2[%mul3A_2, %dma_wait3A_450] : memref<4096x200xi32, #tpu.memory_space<hbm>> -> memref<128x200xi32, #tpu.memory_space<hbm>>
      %dma_wait3A_452 = arith.constant 0 : i32
      %dma_wait3A_453 = tpu.memref_slice %arg2[%mul3A_2, %dma_wait3A_452] : memref<4096x200xi32, #tpu.memory_space<hbm>> -> memref<128x200xi32, #tpu.memory_space<hbm>>
      tpu.wait_dma2 semaphore(%run_scoped3A : memref<!tpu.dma_semaphore, #tpu.memory_space<semaphore_mem>>) src(%dma_wait3A_453 : memref<128x200xi32, #tpu.memory_space<hbm>>) dst(%arg6 : memref<128x200xi32, #tpu.memory_space<vmem>>)
      tpu.yield
    }) : () -> ()
    "tpu.region"() ({
      %run_scoped3A = tpu.sem_alloc : memref<!tpu.dma_semaphore, #tpu.memory_space<semaphore_mem>>
      tpu.enqueue_dma source(%arg4 : memref<200x64xf32, #tpu.memory_space<hbm>>) target(%arg7 : memref<200x64xf32, #tpu.memory_space<vmem>>) target_semaphore(%run_scoped3A : memref<!tpu.dma_semaphore, #tpu.memory_space<semaphore_mem>>)
      tpu.wait_dma2 semaphore(%run_scoped3A : memref<!tpu.dma_semaphore, #tpu.memory_space<semaphore_mem>>) src(%arg4 : memref<200x64xf32, #tpu.memory_space<hbm>>) dst(%arg7 : memref<200x64xf32, #tpu.memory_space<vmem>>)
      tpu.yield
    }) : () -> ()
    %dma_start3A = arith.constant 0 : i32
    %dma_start3A_3 = arith.constant 0 : i32
    %dma_start3A_4 = arith.constant 0 : i32
    %dma_start3A_5 = arith.constant 0 : i32
    %dma_start3A_6 = arith.constant 0 : i32
    %dma_start3A_7 = tpu.memref_slice %arg8[%dma_start3A_3, %dma_start3A_5, %dma_start3A_6] : memref<4x200x64xf32, #tpu.memory_space<vmem>> -> memref<1x128x64xf32, #tpu.memory_space<vmem>>
    %dma_start3A_8 = tpu.memref_squeeze %dma_start3A_7 : memref<1x128x64xf32, #tpu.memory_space<vmem>> -> memref<128x64xf32, #tpu.memory_space<vmem>>
    %dma_start3A_9 = arith.constant 0 : i32
    %dma_start3A_10 = tpu.memref_slice %arg6[%dma_start3A, %dma_start3A_9] : memref<128x200xi32, #tpu.memory_space<vmem>> -> memref<1x128xi32, #tpu.memory_space<vmem>>
    %dma_start3A_11 = tpu.memref_squeeze %dma_start3A_10 : memref<1x128xi32, #tpu.memory_space<vmem>> -> memref<128xi32, #tpu.memory_space<vmem>>
    %dma_start3A_12 = arith.constant 0 : i32
    %dma_start3A_13 = arith.constant 0 : i32
    %dma_start3A_14 = tpu.memref_slice %arg3[%dma_start3A_12, %dma_start3A_13] : memref<100000x64xf32, #tpu.memory_space<hbm>> -> memref<100000x64xf32, #tpu.memory_space<hbm>>
    %dma_start3A_15 = tpu.memref_slice %arg9[%dma_start3A_4] : memref<4x!tpu.dma_semaphore, #tpu.memory_space<semaphore_mem>> -> memref<1x!tpu.dma_semaphore, #tpu.memory_space<semaphore_mem>>
    %dma_start3A_16 = tpu.memref_squeeze %dma_start3A_15 : memref<1x!tpu.dma_semaphore, #tpu.memory_space<semaphore_mem>> -> memref<!tpu.dma_semaphore, #tpu.memory_space<semaphore_mem>>
    tpu.enqueue_indirect_dma source(%dma_start3A_14 : memref<100000x64xf32, #tpu.memory_space<hbm>>) target(%dma_start3A_8 : memref<128x64xf32, #tpu.memory_space<vmem>>) offsets(%dma_start3A_11 : memref<128xi32, #tpu.memory_space<vmem>>) semaphore(%dma_start3A_16 : memref<!tpu.dma_semaphore, #tpu.memory_space<semaphore_mem>>)
    %dma_start3A_17 = arith.constant 0 : i32
    %dma_start3A_18 = arith.constant 0 : i32
    %dma_start3A_19 = arith.constant 0 : i32
    %dma_start3A_20 = arith.constant 128 : i32
    %dma_start3A_21 = arith.constant 0 : i32
    %dma_start3A_22 = tpu.memref_slice %arg8[%dma_start3A_18, %dma_start3A_20, %dma_start3A_21] : memref<4x200x64xf32, #tpu.memory_space<vmem>> -> memref<1x72x64xf32, #tpu.memory_space<vmem>>
    %dma_start3A_23 = tpu.memref_squeeze %dma_start3A_22 : memref<1x72x64xf32, #tpu.memory_space<vmem>> -> memref<72x64xf32, #tpu.memory_space<vmem>>
    %dma_start3A_24 = arith.constant 128 : i32
    %dma_start3A_25 = tpu.memref_slice %arg6[%dma_start3A_17, %dma_start3A_24] : memref<128x200xi32, #tpu.memory_space<vmem>> -> memref<1x72xi32, #tpu.memory_space<vmem>>
    %dma_start3A_26 = tpu.memref_squeeze %dma_start3A_25 : memref<1x72xi32, #tpu.memory_space<vmem>> -> memref<72xi32, #tpu.memory_space<vmem>>
    %dma_start3A_27 = arith.constant 0 : i32
    %dma_start3A_28 = arith.constant 0 : i32
    %dma_start3A_29 = tpu.memref_slice %arg3[%dma_start3A_27, %dma_start3A_28] : memref<100000x64xf32, #tpu.memory_space<hbm>> -> memref<100000x64xf32, #tpu.memory_space<hbm>>
    %dma_start3A_30 = tpu.memref_slice %arg9[%dma_start3A_19] : memref<4x!tpu.dma_semaphore, #tpu.memory_space<semaphore_mem>> -> memref<1x!tpu.dma_semaphore, #tpu.memory_space<semaphore_mem>>
    %dma_start3A_31 = tpu.memref_squeeze %dma_start3A_30 : memref<1x!tpu.dma_semaphore, #tpu.memory_space<semaphore_mem>> -> memref<!tpu.dma_semaphore, #tpu.memory_space<semaphore_mem>>
    tpu.enqueue_indirect_dma source(%dma_start3A_29 : memref<100000x64xf32, #tpu.memory_space<hbm>>) target(%dma_start3A_23 : memref<72x64xf32, #tpu.memory_space<vmem>>) offsets(%dma_start3A_26 : memref<72xi32, #tpu.memory_space<vmem>>) semaphore(%dma_start3A_31 : memref<!tpu.dma_semaphore, #tpu.memory_space<semaphore_mem>>)
    %dma_start3A_32 = arith.constant 1 : i32
    %dma_start3A_33 = arith.constant 1 : i32
    %dma_start3A_34 = arith.constant 1 : i32
    %dma_start3A_35 = arith.constant 0 : i32
    %dma_start3A_36 = arith.constant 0 : i32
    %dma_start3A_37 = tpu.memref_slice %arg8[%dma_start3A_33, %dma_start3A_35, %dma_start3A_36] : memref<4x200x64xf32, #tpu.memory_space<vmem>> -> memref<1x128x64xf32, #tpu.memory_space<vmem>>
    %dma_start3A_38 = tpu.memref_squeeze %dma_start3A_37 : memref<1x128x64xf32, #tpu.memory_space<vmem>> -> memref<128x64xf32, #tpu.memory_space<vmem>>
    %dma_start3A_39 = arith.constant 0 : i32
    %dma_start3A_40 = tpu.memref_slice %arg6[%dma_start3A_32, %dma_start3A_39] : memref<128x200xi32, #tpu.memory_space<vmem>> -> memref<1x128xi32, #tpu.memory_space<vmem>>
    %dma_start3A_41 = tpu.memref_squeeze %dma_start3A_40 : memref<1x128xi32, #tpu.memory_space<vmem>> -> memref<128xi32, #tpu.memory_space<vmem>>
    %dma_start3A_42 = arith.constant 0 : i32
    %dma_start3A_43 = arith.constant 0 : i32
    %dma_start3A_44 = tpu.memref_slice %arg3[%dma_start3A_42, %dma_start3A_43] : memref<100000x64xf32, #tpu.memory_space<hbm>> -> memref<100000x64xf32, #tpu.memory_space<hbm>>
    %dma_start3A_45 = tpu.memref_slice %arg9[%dma_start3A_34] : memref<4x!tpu.dma_semaphore, #tpu.memory_space<semaphore_mem>> -> memref<1x!tpu.dma_semaphore, #tpu.memory_space<semaphore_mem>>
    %dma_start3A_46 = tpu.memref_squeeze %dma_start3A_45 : memref<1x!tpu.dma_semaphore, #tpu.memory_space<semaphore_mem>> -> memref<!tpu.dma_semaphore, #tpu.memory_space<semaphore_mem>>
    tpu.enqueue_indirect_dma source(%dma_start3A_44 : memref<100000x64xf32, #tpu.memory_space<hbm>>) target(%dma_start3A_38 : memref<128x64xf32, #tpu.memory_space<vmem>>) offsets(%dma_start3A_41 : memref<128xi32, #tpu.memory_space<vmem>>) semaphore(%dma_start3A_46 : memref<!tpu.dma_semaphore, #tpu.memory_space<semaphore_mem>>)
    %dma_start3A_47 = arith.constant 1 : i32
    %dma_start3A_48 = arith.constant 1 : i32
    %dma_start3A_49 = arith.constant 1 : i32
    %dma_start3A_50 = arith.constant 128 : i32
    %dma_start3A_51 = arith.constant 0 : i32
    %dma_start3A_52 = tpu.memref_slice %arg8[%dma_start3A_48, %dma_start3A_50, %dma_start3A_51] : memref<4x200x64xf32, #tpu.memory_space<vmem>> -> memref<1x72x64xf32, #tpu.memory_space<vmem>>
    %dma_start3A_53 = tpu.memref_squeeze %dma_start3A_52 : memref<1x72x64xf32, #tpu.memory_space<vmem>> -> memref<72x64xf32, #tpu.memory_space<vmem>>
    %dma_start3A_54 = arith.constant 128 : i32
    %dma_start3A_55 = tpu.memref_slice %arg6[%dma_start3A_47, %dma_start3A_54] : memref<128x200xi32, #tpu.memory_space<vmem>> -> memref<1x72xi32, #tpu.memory_space<vmem>>
    %dma_start3A_56 = tpu.memref_squeeze %dma_start3A_55 : memref<1x72xi32, #tpu.memory_space<vmem>> -> memref<72xi32, #tpu.memory_space<vmem>>
    %dma_start3A_57 = arith.constant 0 : i32
    %dma_start3A_58 = arith.constant 0 : i32
    %dma_start3A_59 = tpu.memref_slice %arg3[%dma_start3A_57, %dma_start3A_58] : memref<100000x64xf32, #tpu.memory_space<hbm>> -> memref<100000x64xf32, #tpu.memory_space<hbm>>
    %dma_start3A_60 = tpu.memref_slice %arg9[%dma_start3A_49] : memref<4x!tpu.dma_semaphore, #tpu.memory_space<semaphore_mem>> -> memref<1x!tpu.dma_semaphore, #tpu.memory_space<semaphore_mem>>
    %dma_start3A_61 = tpu.memref_squeeze %dma_start3A_60 : memref<1x!tpu.dma_semaphore, #tpu.memory_space<semaphore_mem>> -> memref<!tpu.dma_semaphore, #tpu.memory_space<semaphore_mem>>
    tpu.enqueue_indirect_dma source(%dma_start3A_59 : memref<100000x64xf32, #tpu.memory_space<hbm>>) target(%dma_start3A_53 : memref<72x64xf32, #tpu.memory_space<vmem>>) offsets(%dma_start3A_56 : memref<72xi32, #tpu.memory_space<vmem>>) semaphore(%dma_start3A_61 : memref<!tpu.dma_semaphore, #tpu.memory_space<semaphore_mem>>)
    %dma_start3A_62 = arith.constant 2 : i32
    %dma_start3A_63 = arith.constant 2 : i32
    %dma_start3A_64 = arith.constant 2 : i32
    %dma_start3A_65 = arith.constant 0 : i32
    %dma_start3A_66 = arith.constant 0 : i32
    %dma_start3A_67 = tpu.memref_slice %arg8[%dma_start3A_63, %dma_start3A_65, %dma_start3A_66] : memref<4x200x64xf32, #tpu.memory_space<vmem>> -> memref<1x128x64xf32, #tpu.memory_space<vmem>>
    %dma_start3A_68 = tpu.memref_squeeze %dma_start3A_67 : memref<1x128x64xf32, #tpu.memory_space<vmem>> -> memref<128x64xf32, #tpu.memory_space<vmem>>
    %dma_start3A_69 = arith.constant 0 : i32
    %dma_start3A_70 = tpu.memref_slice %arg6[%dma_start3A_62, %dma_start3A_69] : memref<128x200xi32, #tpu.memory_space<vmem>> -> memref<1x128xi32, #tpu.memory_space<vmem>>
    %dma_start3A_71 = tpu.memref_squeeze %dma_start3A_70 : memref<1x128xi32, #tpu.memory_space<vmem>> -> memref<128xi32, #tpu.memory_space<vmem>>
    %dma_start3A_72 = arith.constant 0 : i32
    %dma_start3A_73 = arith.constant 0 : i32
    %dma_start3A_74 = tpu.memref_slice %arg3[%dma_start3A_72, %dma_start3A_73] : memref<100000x64xf32, #tpu.memory_space<hbm>> -> memref<100000x64xf32, #tpu.memory_space<hbm>>
    %dma_start3A_75 = tpu.memref_slice %arg9[%dma_start3A_64] : memref<4x!tpu.dma_semaphore, #tpu.memory_space<semaphore_mem>> -> memref<1x!tpu.dma_semaphore, #tpu.memory_space<semaphore_mem>>
    %dma_start3A_76 = tpu.memref_squeeze %dma_start3A_75 : memref<1x!tpu.dma_semaphore, #tpu.memory_space<semaphore_mem>> -> memref<!tpu.dma_semaphore, #tpu.memory_space<semaphore_mem>>
    tpu.enqueue_indirect_dma source(%dma_start3A_74 : memref<100000x64xf32, #tpu.memory_space<hbm>>) target(%dma_start3A_68 : memref<128x64xf32, #tpu.memory_space<vmem>>) offsets(%dma_start3A_71 : memref<128xi32, #tpu.memory_space<vmem>>) semaphore(%dma_start3A_76 : memref<!tpu.dma_semaphore, #tpu.memory_space<semaphore_mem>>)
    %dma_start3A_77 = arith.constant 2 : i32
    %dma_start3A_78 = arith.constant 2 : i32
    %dma_start3A_79 = arith.constant 2 : i32
    %dma_start3A_80 = arith.constant 128 : i32
    %dma_start3A_81 = arith.constant 0 : i32
    %dma_start3A_82 = tpu.memref_slice %arg8[%dma_start3A_78, %dma_start3A_80, %dma_start3A_81] : memref<4x200x64xf32, #tpu.memory_space<vmem>> -> memref<1x72x64xf32, #tpu.memory_space<vmem>>
    %dma_start3A_83 = tpu.memref_squeeze %dma_start3A_82 : memref<1x72x64xf32, #tpu.memory_space<vmem>> -> memref<72x64xf32, #tpu.memory_space<vmem>>
    %dma_start3A_84 = arith.constant 128 : i32
    %dma_start3A_85 = tpu.memref_slice %arg6[%dma_start3A_77, %dma_start3A_84] : memref<128x200xi32, #tpu.memory_space<vmem>> -> memref<1x72xi32, #tpu.memory_space<vmem>>
    %dma_start3A_86 = tpu.memref_squeeze %dma_start3A_85 : memref<1x72xi32, #tpu.memory_space<vmem>> -> memref<72xi32, #tpu.memory_space<vmem>>
    %dma_start3A_87 = arith.constant 0 : i32
    %dma_start3A_88 = arith.constant 0 : i32
    %dma_start3A_89 = tpu.memref_slice %arg3[%dma_start3A_87, %dma_start3A_88] : memref<100000x64xf32, #tpu.memory_space<hbm>> -> memref<100000x64xf32, #tpu.memory_space<hbm>>
    %dma_start3A_90 = tpu.memref_slice %arg9[%dma_start3A_79] : memref<4x!tpu.dma_semaphore, #tpu.memory_space<semaphore_mem>> -> memref<1x!tpu.dma_semaphore, #tpu.memory_space<semaphore_mem>>
    %dma_start3A_91 = tpu.memref_squeeze %dma_start3A_90 : memref<1x!tpu.dma_semaphore, #tpu.memory_space<semaphore_mem>> -> memref<!tpu.dma_semaphore, #tpu.memory_space<semaphore_mem>>
    tpu.enqueue_indirect_dma source(%dma_start3A_89 : memref<100000x64xf32, #tpu.memory_space<hbm>>) target(%dma_start3A_83 : memref<72x64xf32, #tpu.memory_space<vmem>>) offsets(%dma_start3A_86 : memref<72xi32, #tpu.memory_space<vmem>>) semaphore(%dma_start3A_91 : memref<!tpu.dma_semaphore, #tpu.memory_space<semaphore_mem>>)
    %dma_start3A_92 = arith.constant 3 : i32
    %dma_start3A_93 = arith.constant 3 : i32
    %dma_start3A_94 = arith.constant 3 : i32
    %dma_start3A_95 = arith.constant 0 : i32
    %dma_start3A_96 = arith.constant 0 : i32
    %dma_start3A_97 = tpu.memref_slice %arg8[%dma_start3A_93, %dma_start3A_95, %dma_start3A_96] : memref<4x200x64xf32, #tpu.memory_space<vmem>> -> memref<1x128x64xf32, #tpu.memory_space<vmem>>
    %dma_start3A_98 = tpu.memref_squeeze %dma_start3A_97 : memref<1x128x64xf32, #tpu.memory_space<vmem>> -> memref<128x64xf32, #tpu.memory_space<vmem>>
    %dma_start3A_99 = arith.constant 0 : i32
    %dma_start3A_100 = tpu.memref_slice %arg6[%dma_start3A_92, %dma_start3A_99] : memref<128x200xi32, #tpu.memory_space<vmem>> -> memref<1x128xi32, #tpu.memory_space<vmem>>
    %dma_start3A_101 = tpu.memref_squeeze %dma_start3A_100 : memref<1x128xi32, #tpu.memory_space<vmem>> -> memref<128xi32, #tpu.memory_space<vmem>>
    %dma_start3A_102 = arith.constant 0 : i32
    %dma_start3A_103 = arith.constant 0 : i32
    %dma_start3A_104 = tpu.memref_slice %arg3[%dma_start3A_102, %dma_start3A_103] : memref<100000x64xf32, #tpu.memory_space<hbm>> -> memref<100000x64xf32, #tpu.memory_space<hbm>>
    %dma_start3A_105 = tpu.memref_slice %arg9[%dma_start3A_94] : memref<4x!tpu.dma_semaphore, #tpu.memory_space<semaphore_mem>> -> memref<1x!tpu.dma_semaphore, #tpu.memory_space<semaphore_mem>>
    %dma_start3A_106 = tpu.memref_squeeze %dma_start3A_105 : memref<1x!tpu.dma_semaphore, #tpu.memory_space<semaphore_mem>> -> memref<!tpu.dma_semaphore, #tpu.memory_space<semaphore_mem>>
    tpu.enqueue_indirect_dma source(%dma_start3A_104 : memref<100000x64xf32, #tpu.memory_space<hbm>>) target(%dma_start3A_98 : memref<128x64xf32, #tpu.memory_space<vmem>>) offsets(%dma_start3A_101 : memref<128xi32, #tpu.memory_space<vmem>>) semaphore(%dma_start3A_106 : memref<!tpu.dma_semaphore, #tpu.memory_space<semaphore_mem>>)
    %dma_start3A_107 = arith.constant 3 : i32
    %dma_start3A_108 = arith.constant 3 : i32
    %dma_start3A_109 = arith.constant 3 : i32
    %dma_start3A_110 = arith.constant 128 : i32
    %dma_start3A_111 = arith.constant 0 : i32
    %dma_start3A_112 = tpu.memref_slice %arg8[%dma_start3A_108, %dma_start3A_110, %dma_start3A_111] : memref<4x200x64xf32, #tpu.memory_space<vmem>> -> memref<1x72x64xf32, #tpu.memory_space<vmem>>
    %dma_start3A_113 = tpu.memref_squeeze %dma_start3A_112 : memref<1x72x64xf32, #tpu.memory_space<vmem>> -> memref<72x64xf32, #tpu.memory_space<vmem>>
    %dma_start3A_114 = arith.constant 128 : i32
    %dma_start3A_115 = tpu.memref_slice %arg6[%dma_start3A_107, %dma_start3A_114] : memref<128x200xi32, #tpu.memory_space<vmem>> -> memref<1x72xi32, #tpu.memory_space<vmem>>
    %dma_start3A_116 = tpu.memref_squeeze %dma_start3A_115 : memref<1x72xi32, #tpu.memory_space<vmem>> -> memref<72xi32, #tpu.memory_space<vmem>>
    %dma_start3A_117 = arith.constant 0 : i32
    %dma_start3A_118 = arith.constant 0 : i32
    %dma_start3A_119 = tpu.memref_slice %arg3[%dma_start3A_117, %dma_start3A_118] : memref<100000x64xf32, #tpu.memory_space<hbm>> -> memref<100000x64xf32, #tpu.memory_space<hbm>>
    %dma_start3A_120 = tpu.memref_slice %arg9[%dma_start3A_109] : memref<4x!tpu.dma_semaphore, #tpu.memory_space<semaphore_mem>> -> memref<1x!tpu.dma_semaphore, #tpu.memory_space<semaphore_mem>>
    %dma_start3A_121 = tpu.memref_squeeze %dma_start3A_120 : memref<1x!tpu.dma_semaphore, #tpu.memory_space<semaphore_mem>> -> memref<!tpu.dma_semaphore, #tpu.memory_space<semaphore_mem>>
    tpu.enqueue_indirect_dma source(%dma_start3A_119 : memref<100000x64xf32, #tpu.memory_space<hbm>>) target(%dma_start3A_113 : memref<72x64xf32, #tpu.memory_space<vmem>>) offsets(%dma_start3A_116 : memref<72xi32, #tpu.memory_space<vmem>>) semaphore(%dma_start3A_121 : memref<!tpu.dma_semaphore, #tpu.memory_space<semaphore_mem>>)
    %scan3A = arith.constant 0 : i32
    %scan3A_122 = arith.constant 0 : i32
    %scan3A_123 = arith.constant 31 : i32
    %scan3A_124 = arith.addi %scan3A_122, %scan3A_123 : i32
    %scan3A_125 = arith.constant 1 : i32
    scf.for %scan3A_446 = %scan3A_122 to %scan3A_124 step %scan3A_125  : i32 {
      %mul3A_447 = arith.constant 4 : i32
      %mul3A_448 = arith.muli %scan3A_446, %mul3A_447 : i32
      %add3A_449 = arith.constant 0 : i32
      %add3A_450 = arith.addi %mul3A_448, %add3A_449 : i32
      %dma_wait3A_451 = arith.constant 0 : i32
      %dma_wait3A_452 = arith.constant 0 : i32
      %dma_wait3A_453 = arith.constant 0 : i32
      %dma_wait3A_454 = arith.constant 0 : i32
      %dma_wait3A_455 = tpu.memref_slice %arg8[%dma_wait3A_451, %dma_wait3A_453, %dma_wait3A_454] : memref<4x200x64xf32, #tpu.memory_space<vmem>> -> memref<1x128x64xf32, #tpu.memory_space<vmem>>
      %dma_wait3A_456 = tpu.memref_squeeze %dma_wait3A_455 : memref<1x128x64xf32, #tpu.memory_space<vmem>> -> memref<128x64xf32, #tpu.memory_space<vmem>>
      %dma_wait3A_457 = arith.constant 0 : i32
      %dma_wait3A_458 = tpu.memref_slice %arg6[%add3A_450, %dma_wait3A_457] : memref<128x200xi32, #tpu.memory_space<vmem>> -> memref<1x128xi32, #tpu.memory_space<vmem>>
      %dma_wait3A_459 = tpu.memref_squeeze %dma_wait3A_458 : memref<1x128xi32, #tpu.memory_space<vmem>> -> memref<128xi32, #tpu.memory_space<vmem>>
      %dma_wait3A_460 = arith.constant 0 : i32
      %dma_wait3A_461 = arith.constant 0 : i32
      %dma_wait3A_462 = tpu.memref_slice %arg3[%dma_wait3A_460, %dma_wait3A_461] : memref<100000x64xf32, #tpu.memory_space<hbm>> -> memref<100000x64xf32, #tpu.memory_space<hbm>>
      %dma_wait3A_463 = tpu.memref_slice %arg9[%dma_wait3A_452] : memref<4x!tpu.dma_semaphore, #tpu.memory_space<semaphore_mem>> -> memref<1x!tpu.dma_semaphore, #tpu.memory_space<semaphore_mem>>
      %dma_wait3A_464 = tpu.memref_squeeze %dma_wait3A_463 : memref<1x!tpu.dma_semaphore, #tpu.memory_space<semaphore_mem>> -> memref<!tpu.dma_semaphore, #tpu.memory_space<semaphore_mem>>
      tpu.wait_indirect_dma semaphore(%dma_wait3A_464 : memref<!tpu.dma_semaphore, #tpu.memory_space<semaphore_mem>>) src(%dma_wait3A_462 : memref<100000x64xf32, #tpu.memory_space<hbm>>) dst(%dma_wait3A_456 : memref<128x64xf32, #tpu.memory_space<vmem>>)
      %dma_wait3A_465 = arith.constant 0 : i32
      %dma_wait3A_466 = arith.constant 0 : i32
      %dma_wait3A_467 = arith.constant 128 : i32
      %dma_wait3A_468 = arith.constant 0 : i32
      %dma_wait3A_469 = tpu.memref_slice %arg8[%dma_wait3A_465, %dma_wait3A_467, %dma_wait3A_468] : memref<4x200x64xf32, #tpu.memory_space<vmem>> -> memref<1x72x64xf32, #tpu.memory_space<vmem>>
      %dma_wait3A_470 = tpu.memref_squeeze %dma_wait3A_469 : memref<1x72x64xf32, #tpu.memory_space<vmem>> -> memref<72x64xf32, #tpu.memory_space<vmem>>
      %dma_wait3A_471 = arith.constant 128 : i32
      %dma_wait3A_472 = tpu.memref_slice %arg6[%add3A_450, %dma_wait3A_471] : memref<128x200xi32, #tpu.memory_space<vmem>> -> memref<1x72xi32, #tpu.memory_space<vmem>>
      %dma_wait3A_473 = tpu.memref_squeeze %dma_wait3A_472 : memref<1x72xi32, #tpu.memory_space<vmem>> -> memref<72xi32, #tpu.memory_space<vmem>>
      %dma_wait3A_474 = arith.constant 0 : i32
      %dma_wait3A_475 = arith.constant 0 : i32
      %dma_wait3A_476 = tpu.memref_slice %arg3[%dma_wait3A_474, %dma_wait3A_475] : memref<100000x64xf32, #tpu.memory_space<hbm>> -> memref<100000x64xf32, #tpu.memory_space<hbm>>
      %dma_wait3A_477 = tpu.memref_slice %arg9[%dma_wait3A_466] : memref<4x!tpu.dma_semaphore, #tpu.memory_space<semaphore_mem>> -> memref<1x!tpu.dma_semaphore, #tpu.memory_space<semaphore_mem>>
      %dma_wait3A_478 = tpu.memref_squeeze %dma_wait3A_477 : memref<1x!tpu.dma_semaphore, #tpu.memory_space<semaphore_mem>> -> memref<!tpu.dma_semaphore, #tpu.memory_space<semaphore_mem>>
      tpu.wait_indirect_dma semaphore(%dma_wait3A_478 : memref<!tpu.dma_semaphore, #tpu.memory_space<semaphore_mem>>) src(%dma_wait3A_476 : memref<100000x64xf32, #tpu.memory_space<hbm>>) dst(%dma_wait3A_470 : memref<72x64xf32, #tpu.memory_space<vmem>>)
      %scan3A_479 = arith.constant 0 : i32
      %scan3A_480 = arith.constant 0 : i32
      %scan3A_481 = arith.constant 200 : i32
      %scan3A_482 = arith.addi %scan3A_480, %scan3A_481 : i32
      %scan3A_483 = arith.constant 1 : i32
      scf.for %scan3A_887 = %scan3A_480 to %scan3A_482 step %scan3A_483  : i32 {
        %get3A = arith.constant 0 : i32
        %get3A_888 = arith.index_cast %get3A : i32 to index
        %get3A_889 = arith.index_cast %scan3A_887 : i32 to index
        %get3A_890 = arith.constant 0 : index
        %get3A_891 = tpu.vector_load %arg8[%get3A_888, %get3A_889, %get3A_890] {strides = array<i32>} : memref<4x200x64xf32, #tpu.memory_space<vmem>>, vector<1x1x16xf32>,
        %get3A_892 = vector.shape_cast %get3A_891 : vector<1x1x16xf32> to vector<16xf32>
        %get3A_893 = arith.index_cast %scan3A_887 : i32 to index
        %get3A_894 = arith.constant 0 : index
        %get3A_895 = tpu.vector_load %arg7[%get3A_893, %get3A_894] {strides = array<i32>} : memref<200x64xf32, #tpu.memory_space<vmem>>, vector<1x16xf32>,
        %get3A_896 = vector.shape_cast %get3A_895 : vector<1x16xf32> to vector<16xf32>
        %add3A_897 = arith.addf %get3A_892, %get3A_896 : vector<16xf32>
        %swap3A = arith.constant 0 : i32
        %swap3A_898 = arith.index_cast %swap3A : i32 to index
        %swap3A_899 = arith.index_cast %scan3A_887 : i32 to index
        %swap3A_900 = arith.constant 0 : index
        %swap3A_901 = tpu.vector_load %arg8[%swap3A_898, %swap3A_899, %swap3A_900] {strides = array<i32>} : memref<4x200x64xf32, #tpu.memory_space<vmem>>, vector<1x1x16xf32>,
        %swap3A_902 = vector.shape_cast %swap3A_901 : vector<1x1x16xf32> to vector<16xf32>
        %swap3A_903 = vector.shape_cast %add3A_897 : vector<16xf32> to vector<1x1x16xf32>
        tpu.vector_store %arg8[%swap3A_898, %swap3A_899, %swap3A_900], %swap3A_903 {strides = array<i32>} : memref<4x200x64xf32, #tpu.memory_space<vmem>>, vector<1x1x16xf32>,
        %get3A_904 = arith.constant 0 : i32
        %get3A_905 = arith.index_cast %get3A_904 : i32 to index
        %get3A_906 = arith.index_cast %scan3A_887 : i32 to index
        %get3A_907 = arith.constant 16 : index
        %get3A_908 = tpu.vector_load %arg8[%get3A_905, %get3A_906, %get3A_907] {strides = array<i32>} : memref<4x200x64xf32, #tpu.memory_space<vmem>>, vector<1x1x16xf32>,
        %get3A_909 = vector.shape_cast %get3A_908 : vector<1x1x16xf32> to vector<16xf32>
        %get3A_910 = arith.index_cast %scan3A_887 : i32 to index
        %get3A_911 = arith.constant 16 : index
        %get3A_912 = tpu.vector_load %arg7[%get3A_910, %get3A_911] {strides = array<i32>} : memref<200x64xf32, #tpu.memory_space<vmem>>, vector<1x16xf32>,
        %get3A_913 = vector.shape_cast %get3A_912 : vector<1x16xf32> to vector<16xf32>
        %add3A_914 = arith.addf %get3A_909, %get3A_913 : vector<16xf32>
        %swap3A_915 = arith.constant 0 : i32
        %swap3A_916 = arith.index_cast %swap3A_915 : i32 to index
        %swap3A_917 = arith.index_cast %scan3A_887 : i32 to index
        %swap3A_918 = arith.constant 16 : index
        %swap3A_919 = tpu.vector_load %arg8[%swap3A_916, %swap3A_917, %swap3A_918] {strides = array<i32>} : memref<4x200x64xf32, #tpu.memory_space<vmem>>, vector<1x1x16xf32>,
        %swap3A_920 = vector.shape_cast %swap3A_919 : vector<1x1x16xf32> to vector<16xf32>
        %swap3A_921 = vector.shape_cast %add3A_914 : vector<16xf32> to vector<1x1x16xf32>
        tpu.vector_store %arg8[%swap3A_916, %swap3A_917, %swap3A_918], %swap3A_921 {strides = array<i32>} : memref<4x200x64xf32, #tpu.memory_space<vmem>>, vector<1x1x16xf32>,
        %get3A_922 = arith.constant 0 : i32
        %get3A_923 = arith.index_cast %get3A_922 : i32 to index
        %get3A_924 = arith.index_cast %scan3A_887 : i32 to index
        %get3A_925 = arith.constant 32 : index
        %get3A_926 = tpu.vector_load %arg8[%get3A_923, %get3A_924, %get3A_925] {strides = array<i32>} : memref<4x200x64xf32, #tpu.memory_space<vmem>>, vector<1x1x16xf32>,
        %get3A_927 = vector.shape_cast %get3A_926 : vector<1x1x16xf32> to vector<16xf32>
        %get3A_928 = arith.index_cast %scan3A_887 : i32 to index
        %get3A_929 = arith.constant 32 : index
        %get3A_930 = tpu.vector_load %arg7[%get3A_928, %get3A_929] {strides = array<i32>} : memref<200x64xf32, #tpu.memory_space<vmem>>, vector<1x16xf32>,
        %get3A_931 = vector.shape_cast %get3A_930 : vector<1x16xf32> to vector<16xf32>
        %add3A_932 = arith.addf %get3A_927, %get3A_931 : vector<16xf32>
        %swap3A_933 = arith.constant 0 : i32
        %swap3A_934 = arith.index_cast %swap3A_933 : i32 to index
        %swap3A_935 = arith.index_cast %scan3A_887 : i32 to index
        %swap3A_936 = arith.constant 32 : index
        %swap3A_937 = tpu.vector_load %arg8[%swap3A_934, %swap3A_935, %swap3A_936] {strides = array<i32>} : memref<4x200x64xf32, #tpu.memory_space<vmem>>, vector<1x1x16xf32>,
        %swap3A_938 = vector.shape_cast %swap3A_937 : vector<1x1x16xf32> to vector<16xf32>
        %swap3A_939 = vector.shape_cast %add3A_932 : vector<16xf32> to vector<1x1x16xf32>
        tpu.vector_store %arg8[%swap3A_934, %swap3A_935, %swap3A_936], %swap3A_939 {strides = array<i32>} : memref<4x200x64xf32, #tpu.memory_space<vmem>>, vector<1x1x16xf32>,
        %get3A_940 = arith.constant 0 : i32
        %get3A_941 = arith.index_cast %get3A_940 : i32 to index
        %get3A_942 = arith.index_cast %scan3A_887 : i32 to index
        %get3A_943 = arith.constant 48 : index
        %get3A_944 = tpu.vector_load %arg8[%get3A_941, %get3A_942, %get3A_943] {strides = array<i32>} : memref<4x200x64xf32, #tpu.memory_space<vmem>>, vector<1x1x16xf32>,
        %get3A_945 = vector.shape_cast %get3A_944 : vector<1x1x16xf32> to vector<16xf32>
        %get3A_946 = arith.index_cast %scan3A_887 : i32 to index
        %get3A_947 = arith.constant 48 : index
        %get3A_948 = tpu.vector_load %arg7[%get3A_946, %get3A_947] {strides = array<i32>} : memref<200x64xf32, #tpu.memory_space<vmem>>, vector<1x16xf32>,
        %get3A_949 = vector.shape_cast %get3A_948 : vector<1x16xf32> to vector<16xf32>
        %add3A_950 = arith.addf %get3A_945, %get3A_949 : vector<16xf32>
        %swap3A_951 = arith.constant 0 : i32
        %swap3A_952 = arith.index_cast %swap3A_951 : i32 to index
        %swap3A_953 = arith.index_cast %scan3A_887 : i32 to index
        %swap3A_954 = arith.constant 48 : index
        %swap3A_955 = tpu.vector_load %arg8[%swap3A_952, %swap3A_953, %swap3A_954] {strides = array<i32>} : memref<4x200x64xf32, #tpu.memory_space<vmem>>, vector<1x1x16xf32>,
        %swap3A_956 = vector.shape_cast %swap3A_955 : vector<1x1x16xf32> to vector<16xf32>
        %swap3A_957 = vector.shape_cast %add3A_950 : vector<16xf32> to vector<1x1x16xf32>
        tpu.vector_store %arg8[%swap3A_952, %swap3A_953, %swap3A_954], %swap3A_957 {strides = array<i32>} : memref<4x200x64xf32, #tpu.memory_space<vmem>>, vector<1x1x16xf32>,
      }
      %scan3A_484 = arith.constant 200 : i32
      %add3A_485 = arith.addi %mul3A_2, %add3A_450 : i32
      %dma_start3A_486 = arith.constant 0 : i32
      %dma_start3A_487 = arith.constant 0 : i32
      %dma_start3A_488 = arith.constant 0 : i32
      %dma_start3A_489 = arith.constant 0 : i32
      %dma_start3A_490 = tpu.memref_slice %arg8[%dma_start3A_486, %dma_start3A_488, %dma_start3A_489] : memref<4x200x64xf32, #tpu.memory_space<vmem>> -> memref<1x200x64xf32, #tpu.memory_space<vmem>>
      %dma_start3A_491 = tpu.memref_squeeze %dma_start3A_490 : memref<1x200x64xf32, #tpu.memory_space<vmem>> -> memref<200x64xf32, #tpu.memory_space<vmem>>
      %dma_start3A_492 = arith.constant 0 : i32
      %dma_start3A_493 = arith.constant 0 : i32
      %dma_start3A_494 = tpu.memref_slice %arg5[%add3A_485, %dma_start3A_492, %dma_start3A_493] : memref<4096x200x64xf32, #tpu.memory_space<hbm>> -> memref<1x200x64xf32, #tpu.memory_space<hbm>>
      %dma_start3A_495 = tpu.memref_squeeze %dma_start3A_494 : memref<1x200x64xf32, #tpu.memory_space<hbm>> -> memref<200x64xf32, #tpu.memory_space<hbm>>
      %dma_start3A_496 = tpu.memref_slice %arg10[%dma_start3A_487] : memref<4x!tpu.dma_semaphore, #tpu.memory_space<semaphore_mem>> -> memref<1x!tpu.dma_semaphore, #tpu.memory_space<semaphore_mem>>
      %dma_start3A_497 = tpu.memref_squeeze %dma_start3A_496 : memref<1x!tpu.dma_semaphore, #tpu.memory_space<semaphore_mem>> -> memref<!tpu.dma_semaphore, #tpu.memory_space<semaphore_mem>>
      %dma_start3A_498 = arith.constant 0 : i32
      %dma_start3A_499 = arith.constant 0 : i32
      %dma_start3A_500 = tpu.memref_slice %arg5[%add3A_485, %dma_start3A_498, %dma_start3A_499] : memref<4096x200x64xf32, #tpu.memory_space<hbm>> -> memref<1x200x64xf32, #tpu.memory_space<hbm>>
      %dma_start3A_501 = tpu.memref_squeeze %dma_start3A_500 : memref<1x200x64xf32, #tpu.memory_space<hbm>> -> memref<200x64xf32, #tpu.memory_space<hbm>>
      %dma_start3A_502 = arith.constant 0 : i32
      %dma_start3A_503 = arith.constant 0 : i32
      %dma_start3A_504 = tpu.memref_slice %arg8[%dma_start3A_486, %dma_start3A_502, %dma_start3A_503] : memref<4x200x64xf32, #tpu.memory_space<vmem>> -> memref<1x200x64xf32, #tpu.memory_space<vmem>>
      %dma_start3A_505 = tpu.memref_squeeze %dma_start3A_504 : memref<1x200x64xf32, #tpu.memory_space<vmem>> -> memref<200x64xf32, #tpu.memory_space<vmem>>
      tpu.enqueue_dma source(%dma_start3A_505 : memref<200x64xf32, #tpu.memory_space<vmem>>) target(%dma_start3A_501 : memref<200x64xf32, #tpu.memory_space<hbm>>) target_semaphore(%dma_start3A_497 : memref<!tpu.dma_semaphore, #tpu.memory_space<semaphore_mem>>)
      %add3A_506 = arith.addi %mul3A_2, %add3A_450 : i32
      %dma_wait3A_507 = arith.constant 0 : i32
      %dma_wait3A_508 = arith.constant 0 : i32
      %dma_wait3A_509 = arith.constant 0 : i32
      %dma_wait3A_510 = arith.constant 0 : i32
      %dma_wait3A_511 = tpu.memref_slice %arg8[%dma_wait3A_507, %dma_wait3A_509, %dma_wait3A_510] : memref<4x200x64xf32, #tpu.memory_space<vmem>> -> memref<1x200x64xf32, #tpu.memory_space<vmem>>
      %dma_wait3A_512 = tpu.memref_squeeze %dma_wait3A_511 : memref<1x200x64xf32, #tpu.memory_space<vmem>> -> memref<200x64xf32, #tpu.memory_space<vmem>>
      %dma_wait3A_513 = arith.constant 0 : i32
      %dma_wait3A_514 = arith.constant 0 : i32
      %dma_wait3A_515 = tpu.memref_slice %arg5[%add3A_506, %dma_wait3A_513, %dma_wait3A_514] : memref<4096x200x64xf32, #tpu.memory_space<hbm>> -> memref<1x200x64xf32, #tpu.memory_space<hbm>>
      %dma_wait3A_516 = tpu.memref_squeeze %dma_wait3A_515 : memref<1x200x64xf32, #tpu.memory_space<hbm>> -> memref<200x64xf32, #tpu.memory_space<hbm>>
      %dma_wait3A_517 = tpu.memref_slice %arg10[%dma_wait3A_508] : memref<4x!tpu.dma_semaphore, #tpu.memory_space<semaphore_mem>> -> memref<1x!tpu.dma_semaphore, #tpu.memory_space<semaphore_mem>>
      %dma_wait3A_518 = tpu.memref_squeeze %dma_wait3A_517 : memref<1x!tpu.dma_semaphore, #tpu.memory_space<semaphore_mem>> -> memref<!tpu.dma_semaphore, #tpu.memory_space<semaphore_mem>>
      %dma_wait3A_519 = arith.constant 0 : i32
      %dma_wait3A_520 = arith.constant 0 : i32
      %dma_wait3A_521 = tpu.memref_slice %arg5[%add3A_506, %dma_wait3A_519, %dma_wait3A_520] : memref<4096x200x64xf32, #tpu.memory_space<hbm>> -> memref<1x200x64xf32, #tpu.memory_space<hbm>>
      %dma_wait3A_522 = tpu.memref_squeeze %dma_wait3A_521 : memref<1x200x64xf32, #tpu.memory_space<hbm>> -> memref<200x64xf32, #tpu.memory_space<hbm>>
      %dma_wait3A_523 = arith.constant 0 : i32
      %dma_wait3A_524 = arith.constant 0 : i32
      %dma_wait3A_525 = tpu.memref_slice %arg8[%dma_wait3A_507, %dma_wait3A_523, %dma_wait3A_524] : memref<4x200x64xf32, #tpu.memory_space<vmem>> -> memref<1x200x64xf32, #tpu.memory_space<vmem>>
      %dma_wait3A_526 = tpu.memref_squeeze %dma_wait3A_525 : memref<1x200x64xf32, #tpu.memory_space<vmem>> -> memref<200x64xf32, #tpu.memory_space<vmem>>
      tpu.wait_dma2 semaphore(%dma_wait3A_518 : memref<!tpu.dma_semaphore, #tpu.memory_space<semaphore_mem>>) src(%dma_wait3A_526 : memref<200x64xf32, #tpu.memory_space<vmem>>) dst(%dma_wait3A_522 : memref<200x64xf32, #tpu.memory_space<hbm>>)
      %add3A_527 = arith.constant 4 : i32
      %add3A_528 = arith.addi %add3A_450, %add3A_527 : i32
      %dma_start3A_529 = arith.constant 0 : i32
      %dma_start3A_530 = arith.constant 0 : i32
      %dma_start3A_531 = arith.constant 0 : i32
      %dma_start3A_532 = arith.constant 0 : i32
      %dma_start3A_533 = tpu.memref_slice %arg8[%dma_start3A_529, %dma_start3A_531, %dma_start3A_532] : memref<4x200x64xf32, #tpu.memory_space<vmem>> -> memref<1x128x64xf32, #tpu.memory_space<vmem>>
      %dma_start3A_534 = tpu.memref_squeeze %dma_start3A_533 : memref<1x128x64xf32, #tpu.memory_space<vmem>> -> memref<128x64xf32, #tpu.memory_space<vmem>>
      %dma_start3A_535 = arith.constant 0 : i32
      %dma_start3A_536 = tpu.memref_slice %arg6[%add3A_528, %dma_start3A_535] : memref<128x200xi32, #tpu.memory_space<vmem>> -> memref<1x128xi32, #tpu.memory_space<vmem>>
      %dma_start3A_537 = tpu.memref_squeeze %dma_start3A_536 : memref<1x128xi32, #tpu.memory_space<vmem>> -> memref<128xi32, #tpu.memory_space<vmem>>
      %dma_start3A_538 = arith.constant 0 : i32
      %dma_start3A_539 = arith.constant 0 : i32
      %dma_start3A_540 = tpu.memref_slice %arg3[%dma_start3A_538, %dma_start3A_539] : memref<100000x64xf32, #tpu.memory_space<hbm>> -> memref<100000x64xf32, #tpu.memory_space<hbm>>
      %dma_start3A_541 = tpu.memref_slice %arg9[%dma_start3A_530] : memref<4x!tpu.dma_semaphore, #tpu.memory_space<semaphore_mem>> -> memref<1x!tpu.dma_semaphore, #tpu.memory_space<semaphore_mem>>
      %dma_start3A_542 = tpu.memref_squeeze %dma_start3A_541 : memref<1x!tpu.dma_semaphore, #tpu.memory_space<semaphore_mem>> -> memref<!tpu.dma_semaphore, #tpu.memory_space<semaphore_mem>>
      tpu.enqueue_indirect_dma source(%dma_start3A_540 : memref<100000x64xf32, #tpu.memory_space<hbm>>) target(%dma_start3A_534 : memref<128x64xf32, #tpu.memory_space<vmem>>) offsets(%dma_start3A_537 : memref<128xi32, #tpu.memory_space<vmem>>) semaphore(%dma_start3A_542 : memref<!tpu.dma_semaphore, #tpu.memory_space<semaphore_mem>>)
      %dma_start3A_543 = arith.constant 0 : i32
      %dma_start3A_544 = arith.constant 0 : i32
      %dma_start3A_545 = arith.constant 128 : i32
      %dma_start3A_546 = arith.constant 0 : i32
      %dma_start3A_547 = tpu.memref_slice %arg8[%dma_start3A_543, %dma_start3A_545, %dma_start3A_546] : memref<4x200x64xf32, #tpu.memory_space<vmem>> -> memref<1x72x64xf32, #tpu.memory_space<vmem>>
      %dma_start3A_548 = tpu.memref_squeeze %dma_start3A_547 : memref<1x72x64xf32, #tpu.memory_space<vmem>> -> memref<72x64xf32, #tpu.memory_space<vmem>>
      %dma_start3A_549 = arith.constant 128 : i32
      %dma_start3A_550 = tpu.memref_slice %arg6[%add3A_528, %dma_start3A_549] : memref<128x200xi32, #tpu.memory_space<vmem>> -> memref<1x72xi32, #tpu.memory_space<vmem>>
      %dma_start3A_551 = tpu.memref_squeeze %dma_start3A_550 : memref<1x72xi32, #tpu.memory_space<vmem>> -> memref<72xi32, #tpu.memory_space<vmem>>
      %dma_start3A_552 = arith.constant 0 : i32
      %dma_start3A_553 = arith.constant 0 : i32
      %dma_start3A_554 = tpu.memref_slice %arg3[%dma_start3A_552, %dma_start3A_553] : memref<100000x64xf32, #tpu.memory_space<hbm>> -> memref<100000x64xf32, #tpu.memory_space<hbm>>
      %dma_start3A_555 = tpu.memref_slice %arg9[%dma_start3A_544] : memref<4x!tpu.dma_semaphore, #tpu.memory_space<semaphore_mem>> -> memref<1x!tpu.dma_semaphore, #tpu.memory_space<semaphore_mem>>
      %dma_start3A_556 = tpu.memref_squeeze %dma_start3A_555 : memref<1x!tpu.dma_semaphore, #tpu.memory_space<semaphore_mem>> -> memref<!tpu.dma_semaphore, #tpu.memory_space<semaphore_mem>>
      tpu.enqueue_indirect_dma source(%dma_start3A_554 : memref<100000x64xf32, #tpu.memory_space<hbm>>) target(%dma_start3A_548 : memref<72x64xf32, #tpu.memory_space<vmem>>) offsets(%dma_start3A_551 : memref<72xi32, #tpu.memory_space<vmem>>) semaphore(%dma_start3A_556 : memref<!tpu.dma_semaphore, #tpu.memory_space<semaphore_mem>>)
      %mul3A_557 = arith.constant 4 : i32
      %mul3A_558 = arith.muli %scan3A_446, %mul3A_557 : i32
      %add3A_559 = arith.constant 1 : i32
      %add3A_560 = arith.addi %mul3A_558, %add3A_559 : i32
      %dma_wait3A_561 = arith.constant 1 : i32
      %dma_wait3A_562 = arith.constant 1 : i32
      %dma_wait3A_563 = arith.constant 0 : i32
      %dma_wait3A_564 = arith.constant 0 : i32
      %dma_wait3A_565 = tpu.memref_slice %arg8[%dma_wait3A_561, %dma_wait3A_563, %dma_wait3A_564] : memref<4x200x64xf32, #tpu.memory_space<vmem>> -> memref<1x128x64xf32, #tpu.memory_space<vmem>>
      %dma_wait3A_566 = tpu.memref_squeeze %dma_wait3A_565 : memref<1x128x64xf32, #tpu.memory_space<vmem>> -> memref<128x64xf32, #tpu.memory_space<vmem>>
      %dma_wait3A_567 = arith.constant 0 : i32
      %dma_wait3A_568 = tpu.memref_slice %arg6[%add3A_560, %dma_wait3A_567] : memref<128x200xi32, #tpu.memory_space<vmem>> -> memref<1x128xi32, #tpu.memory_space<vmem>>
      %dma_wait3A_569 = tpu.memref_squeeze %dma_wait3A_568 : memref<1x128xi32, #tpu.memory_space<vmem>> -> memref<128xi32, #tpu.memory_space<vmem>>
      %dma_wait3A_570 = arith.constant 0 : i32
      %dma_wait3A_571 = arith.constant 0 : i32
      %dma_wait3A_572 = tpu.memref_slice %arg3[%dma_wait3A_570, %dma_wait3A_571] : memref<100000x64xf32, #tpu.memory_space<hbm>> -> memref<100000x64xf32, #tpu.memory_space<hbm>>
      %dma_wait3A_573 = tpu.memref_slice %arg9[%dma_wait3A_562] : memref<4x!tpu.dma_semaphore, #tpu.memory_space<semaphore_mem>> -> memref<1x!tpu.dma_semaphore, #tpu.memory_space<semaphore_mem>>
      %dma_wait3A_574 = tpu.memref_squeeze %dma_wait3A_573 : memref<1x!tpu.dma_semaphore, #tpu.memory_space<semaphore_mem>> -> memref<!tpu.dma_semaphore, #tpu.memory_space<semaphore_mem>>
      tpu.wait_indirect_dma semaphore(%dma_wait3A_574 : memref<!tpu.dma_semaphore, #tpu.memory_space<semaphore_mem>>) src(%dma_wait3A_572 : memref<100000x64xf32, #tpu.memory_space<hbm>>) dst(%dma_wait3A_566 : memref<128x64xf32, #tpu.memory_space<vmem>>)
      %dma_wait3A_575 = arith.constant 1 : i32
      %dma_wait3A_576 = arith.constant 1 : i32
      %dma_wait3A_577 = arith.constant 128 : i32
      %dma_wait3A_578 = arith.constant 0 : i32
      %dma_wait3A_579 = tpu.memref_slice %arg8[%dma_wait3A_575, %dma_wait3A_577, %dma_wait3A_578] : memref<4x200x64xf32, #tpu.memory_space<vmem>> -> memref<1x72x64xf32, #tpu.memory_space<vmem>>
      %dma_wait3A_580 = tpu.memref_squeeze %dma_wait3A_579 : memref<1x72x64xf32, #tpu.memory_space<vmem>> -> memref<72x64xf32, #tpu.memory_space<vmem>>
      %dma_wait3A_581 = arith.constant 128 : i32
      %dma_wait3A_582 = tpu.memref_slice %arg6[%add3A_560, %dma_wait3A_581] : memref<128x200xi32, #tpu.memory_space<vmem>> -> memref<1x72xi32, #tpu.memory_space<vmem>>
      %dma_wait3A_583 = tpu.memref_squeeze %dma_wait3A_582 : memref<1x72xi32, #tpu.memory_space<vmem>> -> memref<72xi32, #tpu.memory_space<vmem>>
      %dma_wait3A_584 = arith.constant 0 : i32
      %dma_wait3A_585 = arith.constant 0 : i32
      %dma_wait3A_586 = tpu.memref_slice %arg3[%dma_wait3A_584, %dma_wait3A_585] : memref<100000x64xf32, #tpu.memory_space<hbm>> -> memref<100000x64xf32, #tpu.memory_space<hbm>>
      %dma_wait3A_587 = tpu.memref_slice %arg9[%dma_wait3A_576] : memref<4x!tpu.dma_semaphore, #tpu.memory_space<semaphore_mem>> -> memref<1x!tpu.dma_semaphore, #tpu.memory_space<semaphore_mem>>
      %dma_wait3A_588 = tpu.memref_squeeze %dma_wait3A_587 : memref<1x!tpu.dma_semaphore, #tpu.memory_space<semaphore_mem>> -> memref<!tpu.dma_semaphore, #tpu.memory_space<semaphore_mem>>
      tpu.wait_indirect_dma semaphore(%dma_wait3A_588 : memref<!tpu.dma_semaphore, #tpu.memory_space<semaphore_mem>>) src(%dma_wait3A_586 : memref<100000x64xf32, #tpu.memory_space<hbm>>) dst(%dma_wait3A_580 : memref<72x64xf32, #tpu.memory_space<vmem>>)
      %scan3A_589 = arith.constant 0 : i32
      %scan3A_590 = arith.constant 0 : i32
      %scan3A_591 = arith.constant 200 : i32
      %scan3A_592 = arith.addi %scan3A_590, %scan3A_591 : i32
      %scan3A_593 = arith.constant 1 : i32
      scf.for %scan3A_887 = %scan3A_590 to %scan3A_592 step %scan3A_593  : i32 {
        %get3A = arith.constant 1 : i32
        %get3A_888 = arith.index_cast %get3A : i32 to index
        %get3A_889 = arith.index_cast %scan3A_887 : i32 to index
        %get3A_890 = arith.constant 0 : index
        %get3A_891 = tpu.vector_load %arg8[%get3A_888, %get3A_889, %get3A_890] {strides = array<i32>} : memref<4x200x64xf32, #tpu.memory_space<vmem>>, vector<1x1x16xf32>,
        %get3A_892 = vector.shape_cast %get3A_891 : vector<1x1x16xf32> to vector<16xf32>
        %get3A_893 = arith.index_cast %scan3A_887 : i32 to index
        %get3A_894 = arith.constant 0 : index
        %get3A_895 = tpu.vector_load %arg7[%get3A_893, %get3A_894] {strides = array<i32>} : memref<200x64xf32, #tpu.memory_space<vmem>>, vector<1x16xf32>,
        %get3A_896 = vector.shape_cast %get3A_895 : vector<1x16xf32> to vector<16xf32>
        %add3A_897 = arith.addf %get3A_892, %get3A_896 : vector<16xf32>
        %swap3A = arith.constant 1 : i32
        %swap3A_898 = arith.index_cast %swap3A : i32 to index
        %swap3A_899 = arith.index_cast %scan3A_887 : i32 to index
        %swap3A_900 = arith.constant 0 : index
        %swap3A_901 = tpu.vector_load %arg8[%swap3A_898, %swap3A_899, %swap3A_900] {strides = array<i32>} : memref<4x200x64xf32, #tpu.memory_space<vmem>>, vector<1x1x16xf32>,
        %swap3A_902 = vector.shape_cast %swap3A_901 : vector<1x1x16xf32> to vector<16xf32>
        %swap3A_903 = vector.shape_cast %add3A_897 : vector<16xf32> to vector<1x1x16xf32>
        tpu.vector_store %arg8[%swap3A_898, %swap3A_899, %swap3A_900], %swap3A_903 {strides = array<i32>} : memref<4x200x64xf32, #tpu.memory_space<vmem>>, vector<1x1x16xf32>,
        %get3A_904 = arith.constant 1 : i32
        %get3A_905 = arith.index_cast %get3A_904 : i32 to index
        %get3A_906 = arith.index_cast %scan3A_887 : i32 to index
        %get3A_907 = arith.constant 16 : index
        %get3A_908 = tpu.vector_load %arg8[%get3A_905, %get3A_906, %get3A_907] {strides = array<i32>} : memref<4x200x64xf32, #tpu.memory_space<vmem>>, vector<1x1x16xf32>,
        %get3A_909 = vector.shape_cast %get3A_908 : vector<1x1x16xf32> to vector<16xf32>
        %get3A_910 = arith.index_cast %scan3A_887 : i32 to index
        %get3A_911 = arith.constant 16 : index
        %get3A_912 = tpu.vector_load %arg7[%get3A_910, %get3A_911] {strides = array<i32>} : memref<200x64xf32, #tpu.memory_space<vmem>>, vector<1x16xf32>,
        %get3A_913 = vector.shape_cast %get3A_912 : vector<1x16xf32> to vector<16xf32>
        %add3A_914 = arith.addf %get3A_909, %get3A_913 : vector<16xf32>
        %swap3A_915 = arith.constant 1 : i32
        %swap3A_916 = arith.index_cast %swap3A_915 : i32 to index
        %swap3A_917 = arith.index_cast %scan3A_887 : i32 to index
        %swap3A_918 = arith.constant 16 : index
        %swap3A_919 = tpu.vector_load %arg8[%swap3A_916, %swap3A_917, %swap3A_918] {strides = array<i32>} : memref<4x200x64xf32, #tpu.memory_space<vmem>>, vector<1x1x16xf32>,
        %swap3A_920 = vector.shape_cast %swap3A_919 : vector<1x1x16xf32> to vector<16xf32>
        %swap3A_921 = vector.shape_cast %add3A_914 : vector<16xf32> to vector<1x1x16xf32>
        tpu.vector_store %arg8[%swap3A_916, %swap3A_917, %swap3A_918], %swap3A_921 {strides = array<i32>} : memref<4x200x64xf32, #tpu.memory_space<vmem>>, vector<1x1x16xf32>,
        %get3A_922 = arith.constant 1 : i32
        %get3A_923 = arith.index_cast %get3A_922 : i32 to index
        %get3A_924 = arith.index_cast %scan3A_887 : i32 to index
        %get3A_925 = arith.constant 32 : index
        %get3A_926 = tpu.vector_load %arg8[%get3A_923, %get3A_924, %get3A_925] {strides = array<i32>} : memref<4x200x64xf32, #tpu.memory_space<vmem>>, vector<1x1x16xf32>,
        %get3A_927 = vector.shape_cast %get3A_926 : vector<1x1x16xf32> to vector<16xf32>
        %get3A_928 = arith.index_cast %scan3A_887 : i32 to index
        %get3A_929 = arith.constant 32 : index
        %get3A_930 = tpu.vector_load %arg7[%get3A_928, %get3A_929] {strides = array<i32>} : memref<200x64xf32, #tpu.memory_space<vmem>>, vector<1x16xf32>,
        %get3A_931 = vector.shape_cast %get3A_930 : vector<1x16xf32> to vector<16xf32>
        %add3A_932 = arith.addf %get3A_927, %get3A_931 : vector<16xf32>
        %swap3A_933 = arith.constant 1 : i32
        %swap3A_934 = arith.index_cast %swap3A_933 : i32 to index
        %swap3A_935 = arith.index_cast %scan3A_887 : i32 to index
        %swap3A_936 = arith.constant 32 : index
        %swap3A_937 = tpu.vector_load %arg8[%swap3A_934, %swap3A_935, %swap3A_936] {strides = array<i32>} : memref<4x200x64xf32, #tpu.memory_space<vmem>>, vector<1x1x16xf32>,
        %swap3A_938 = vector.shape_cast %swap3A_937 : vector<1x1x16xf32> to vector<16xf32>
        %swap3A_939 = vector.shape_cast %add3A_932 : vector<16xf32> to vector<1x1x16xf32>
        tpu.vector_store %arg8[%swap3A_934, %swap3A_935, %swap3A_936], %swap3A_939 {strides = array<i32>} : memref<4x200x64xf32, #tpu.memory_space<vmem>>, vector<1x1x16xf32>,
        %get3A_940 = arith.constant 1 : i32
        %get3A_941 = arith.index_cast %get3A_940 : i32 to index
        %get3A_942 = arith.index_cast %scan3A_887 : i32 to index
        %get3A_943 = arith.constant 48 : index
        %get3A_944 = tpu.vector_load %arg8[%get3A_941, %get3A_942, %get3A_943] {strides = array<i32>} : memref<4x200x64xf32, #tpu.memory_space<vmem>>, vector<1x1x16xf32>,
        %get3A_945 = vector.shape_cast %get3A_944 : vector<1x1x16xf32> to vector<16xf32>
        %get3A_946 = arith.index_cast %scan3A_887 : i32 to index
        %get3A_947 = arith.constant 48 : index
        %get3A_948 = tpu.vector_load %arg7[%get3A_946, %get3A_947] {strides = array<i32>} : memref<200x64xf32, #tpu.memory_space<vmem>>, vector<1x16xf32>,
        %get3A_949 = vector.shape_cast %get3A_948 : vector<1x16xf32> to vector<16xf32>
        %add3A_950 = arith.addf %get3A_945, %get3A_949 : vector<16xf32>
        %swap3A_951 = arith.constant 1 : i32
        %swap3A_952 = arith.index_cast %swap3A_951 : i32 to index
        %swap3A_953 = arith.index_cast %scan3A_887 : i32 to index
        %swap3A_954 = arith.constant 48 : index
        %swap3A_955 = tpu.vector_load %arg8[%swap3A_952, %swap3A_953, %swap3A_954] {strides = array<i32>} : memref<4x200x64xf32, #tpu.memory_space<vmem>>, vector<1x1x16xf32>,
        %swap3A_956 = vector.shape_cast %swap3A_955 : vector<1x1x16xf32> to vector<16xf32>
        %swap3A_957 = vector.shape_cast %add3A_950 : vector<16xf32> to vector<1x1x16xf32>
        tpu.vector_store %arg8[%swap3A_952, %swap3A_953, %swap3A_954], %swap3A_957 {strides = array<i32>} : memref<4x200x64xf32, #tpu.memory_space<vmem>>, vector<1x1x16xf32>,
      }
      %scan3A_594 = arith.constant 200 : i32
      %add3A_595 = arith.addi %mul3A_2, %add3A_560 : i32
      %dma_start3A_596 = arith.constant 1 : i32
      %dma_start3A_597 = arith.constant 1 : i32
      %dma_start3A_598 = arith.constant 0 : i32
      %dma_start3A_599 = arith.constant 0 : i32
      %dma_start3A_600 = tpu.memref_slice %arg8[%dma_start3A_596, %dma_start3A_598, %dma_start3A_599] : memref<4x200x64xf32, #tpu.memory_space<vmem>> -> memref<1x200x64xf32, #tpu.memory_space<vmem>>
      %dma_start3A_601 = tpu.memref_squeeze %dma_start3A_600 : memref<1x200x64xf32, #tpu.memory_space<vmem>> -> memref<200x64xf32, #tpu.memory_space<vmem>>
      %dma_start3A_602 = arith.constant 0 : i32
      %dma_start3A_603 = arith.constant 0 : i32
      %dma_start3A_604 = tpu.memref_slice %arg5[%add3A_595, %dma_start3A_602, %dma_start3A_603] : memref<4096x200x64xf32, #tpu.memory_space<hbm>> -> memref<1x200x64xf32, #tpu.memory_space<hbm>>
      %dma_start3A_605 = tpu.memref_squeeze %dma_start3A_604 : memref<1x200x64xf32, #tpu.memory_space<hbm>> -> memref<200x64xf32, #tpu.memory_space<hbm>>
      %dma_start3A_606 = tpu.memref_slice %arg10[%dma_start3A_597] : memref<4x!tpu.dma_semaphore, #tpu.memory_space<semaphore_mem>> -> memref<1x!tpu.dma_semaphore, #tpu.memory_space<semaphore_mem>>
      %dma_start3A_607 = tpu.memref_squeeze %dma_start3A_606 : memref<1x!tpu.dma_semaphore, #tpu.memory_space<semaphore_mem>> -> memref<!tpu.dma_semaphore, #tpu.memory_space<semaphore_mem>>
      %dma_start3A_608 = arith.constant 0 : i32
      %dma_start3A_609 = arith.constant 0 : i32
      %dma_start3A_610 = tpu.memref_slice %arg5[%add3A_595, %dma_start3A_608, %dma_start3A_609] : memref<4096x200x64xf32, #tpu.memory_space<hbm>> -> memref<1x200x64xf32, #tpu.memory_space<hbm>>
      %dma_start3A_611 = tpu.memref_squeeze %dma_start3A_610 : memref<1x200x64xf32, #tpu.memory_space<hbm>> -> memref<200x64xf32, #tpu.memory_space<hbm>>
      %dma_start3A_612 = arith.constant 0 : i32
      %dma_start3A_613 = arith.constant 0 : i32
      %dma_start3A_614 = tpu.memref_slice %arg8[%dma_start3A_596, %dma_start3A_612, %dma_start3A_613] : memref<4x200x64xf32, #tpu.memory_space<vmem>> -> memref<1x200x64xf32, #tpu.memory_space<vmem>>
      %dma_start3A_615 = tpu.memref_squeeze %dma_start3A_614 : memref<1x200x64xf32, #tpu.memory_space<vmem>> -> memref<200x64xf32, #tpu.memory_space<vmem>>
      tpu.enqueue_dma source(%dma_start3A_615 : memref<200x64xf32, #tpu.memory_space<vmem>>) target(%dma_start3A_611 : memref<200x64xf32, #tpu.memory_space<hbm>>) target_semaphore(%dma_start3A_607 : memref<!tpu.dma_semaphore, #tpu.memory_space<semaphore_mem>>)
      %add3A_616 = arith.addi %mul3A_2, %add3A_560 : i32
      %dma_wait3A_617 = arith.constant 1 : i32
      %dma_wait3A_618 = arith.constant 1 : i32
      %dma_wait3A_619 = arith.constant 0 : i32
      %dma_wait3A_620 = arith.constant 0 : i32
      %dma_wait3A_621 = tpu.memref_slice %arg8[%dma_wait3A_617, %dma_wait3A_619, %dma_wait3A_620] : memref<4x200x64xf32, #tpu.memory_space<vmem>> -> memref<1x200x64xf32, #tpu.memory_space<vmem>>
      %dma_wait3A_622 = tpu.memref_squeeze %dma_wait3A_621 : memref<1x200x64xf32, #tpu.memory_space<vmem>> -> memref<200x64xf32, #tpu.memory_space<vmem>>
      %dma_wait3A_623 = arith.constant 0 : i32
      %dma_wait3A_624 = arith.constant 0 : i32
      %dma_wait3A_625 = tpu.memref_slice %arg5[%add3A_616, %dma_wait3A_623, %dma_wait3A_624] : memref<4096x200x64xf32, #tpu.memory_space<hbm>> -> memref<1x200x64xf32, #tpu.memory_space<hbm>>
      %dma_wait3A_626 = tpu.memref_squeeze %dma_wait3A_625 : memref<1x200x64xf32, #tpu.memory_space<hbm>> -> memref<200x64xf32, #tpu.memory_space<hbm>>
      %dma_wait3A_627 = tpu.memref_slice %arg10[%dma_wait3A_618] : memref<4x!tpu.dma_semaphore, #tpu.memory_space<semaphore_mem>> -> memref<1x!tpu.dma_semaphore, #tpu.memory_space<semaphore_mem>>
      %dma_wait3A_628 = tpu.memref_squeeze %dma_wait3A_627 : memref<1x!tpu.dma_semaphore, #tpu.memory_space<semaphore_mem>> -> memref<!tpu.dma_semaphore, #tpu.memory_space<semaphore_mem>>
      %dma_wait3A_629 = arith.constant 0 : i32
      %dma_wait3A_630 = arith.constant 0 : i32
      %dma_wait3A_631 = tpu.memref_slice %arg5[%add3A_616, %dma_wait3A_629, %dma_wait3A_630] : memref<4096x200x64xf32, #tpu.memory_space<hbm>> -> memref<1x200x64xf32, #tpu.memory_space<hbm>>
      %dma_wait3A_632 = tpu.memref_squeeze %dma_wait3A_631 : memref<1x200x64xf32, #tpu.memory_space<hbm>> -> memref<200x64xf32, #tpu.memory_space<hbm>>
      %dma_wait3A_633 = arith.constant 0 : i32
      %dma_wait3A_634 = arith.constant 0 : i32
      %dma_wait3A_635 = tpu.memref_slice %arg8[%dma_wait3A_617, %dma_wait3A_633, %dma_wait3A_634] : memref<4x200x64xf32, #tpu.memory_space<vmem>> -> memref<1x200x64xf32, #tpu.memory_space<vmem>>
      %dma_wait3A_636 = tpu.memref_squeeze %dma_wait3A_635 : memref<1x200x64xf32, #tpu.memory_space<vmem>> -> memref<200x64xf32, #tpu.memory_space<vmem>>
      tpu.wait_dma2 semaphore(%dma_wait3A_628 : memref<!tpu.dma_semaphore, #tpu.memory_space<semaphore_mem>>) src(%dma_wait3A_636 : memref<200x64xf32, #tpu.memory_space<vmem>>) dst(%dma_wait3A_632 : memref<200x64xf32, #tpu.memory_space<hbm>>)
      %add3A_637 = arith.constant 4 : i32
      %add3A_638 = arith.addi %add3A_560, %add3A_637 : i32
      %dma_start3A_639 = arith.constant 1 : i32
      %dma_start3A_640 = arith.constant 1 : i32
      %dma_start3A_641 = arith.constant 0 : i32
      %dma_start3A_642 = arith.constant 0 : i32
      %dma_start3A_643 = tpu.memref_slice %arg8[%dma_start3A_639, %dma_start3A_641, %dma_start3A_642] : memref<4x200x64xf32, #tpu.memory_space<vmem>> -> memref<1x128x64xf32, #tpu.memory_space<vmem>>
      %dma_start3A_644 = tpu.memref_squeeze %dma_start3A_643 : memref<1x128x64xf32, #tpu.memory_space<vmem>> -> memref<128x64xf32, #tpu.memory_space<vmem>>
      %dma_start3A_645 = arith.constant 0 : i32
      %dma_start3A_646 = tpu.memref_slice %arg6[%add3A_638, %dma_start3A_645] : memref<128x200xi32, #tpu.memory_space<vmem>> -> memref<1x128xi32, #tpu.memory_space<vmem>>
      %dma_start3A_647 = tpu.memref_squeeze %dma_start3A_646 : memref<1x128xi32, #tpu.memory_space<vmem>> -> memref<128xi32, #tpu.memory_space<vmem>>
      %dma_start3A_648 = arith.constant 0 : i32
      %dma_start3A_649 = arith.constant 0 : i32
      %dma_start3A_650 = tpu.memref_slice %arg3[%dma_start3A_648, %dma_start3A_649] : memref<100000x64xf32, #tpu.memory_space<hbm>> -> memref<100000x64xf32, #tpu.memory_space<hbm>>
      %dma_start3A_651 = tpu.memref_slice %arg9[%dma_start3A_640] : memref<4x!tpu.dma_semaphore, #tpu.memory_space<semaphore_mem>> -> memref<1x!tpu.dma_semaphore, #tpu.memory_space<semaphore_mem>>
      %dma_start3A_652 = tpu.memref_squeeze %dma_start3A_651 : memref<1x!tpu.dma_semaphore, #tpu.memory_space<semaphore_mem>> -> memref<!tpu.dma_semaphore, #tpu.memory_space<semaphore_mem>>
      tpu.enqueue_indirect_dma source(%dma_start3A_650 : memref<100000x64xf32, #tpu.memory_space<hbm>>) target(%dma_start3A_644 : memref<128x64xf32, #tpu.memory_space<vmem>>) offsets(%dma_start3A_647 : memref<128xi32, #tpu.memory_space<vmem>>) semaphore(%dma_start3A_652 : memref<!tpu.dma_semaphore, #tpu.memory_space<semaphore_mem>>)
      %dma_start3A_653 = arith.constant 1 : i32
      %dma_start3A_654 = arith.constant 1 : i32
      %dma_start3A_655 = arith.constant 128 : i32
      %dma_start3A_656 = arith.constant 0 : i32
      %dma_start3A_657 = tpu.memref_slice %arg8[%dma_start3A_653, %dma_start3A_655, %dma_start3A_656] : memref<4x200x64xf32, #tpu.memory_space<vmem>> -> memref<1x72x64xf32, #tpu.memory_space<vmem>>
      %dma_start3A_658 = tpu.memref_squeeze %dma_start3A_657 : memref<1x72x64xf32, #tpu.memory_space<vmem>> -> memref<72x64xf32, #tpu.memory_space<vmem>>
      %dma_start3A_659 = arith.constant 128 : i32
      %dma_start3A_660 = tpu.memref_slice %arg6[%add3A_638, %dma_start3A_659] : memref<128x200xi32, #tpu.memory_space<vmem>> -> memref<1x72xi32, #tpu.memory_space<vmem>>
      %dma_start3A_661 = tpu.memref_squeeze %dma_start3A_660 : memref<1x72xi32, #tpu.memory_space<vmem>> -> memref<72xi32, #tpu.memory_space<vmem>>
      %dma_start3A_662 = arith.constant 0 : i32
      %dma_start3A_663 = arith.constant 0 : i32
      %dma_start3A_664 = tpu.memref_slice %arg3[%dma_start3A_662, %dma_start3A_663] : memref<100000x64xf32, #tpu.memory_space<hbm>> -> memref<100000x64xf32, #tpu.memory_space<hbm>>
      %dma_start3A_665 = tpu.memref_slice %arg9[%dma_start3A_654] : memref<4x!tpu.dma_semaphore, #tpu.memory_space<semaphore_mem>> -> memref<1x!tpu.dma_semaphore, #tpu.memory_space<semaphore_mem>>
      %dma_start3A_666 = tpu.memref_squeeze %dma_start3A_665 : memref<1x!tpu.dma_semaphore, #tpu.memory_space<semaphore_mem>> -> memref<!tpu.dma_semaphore, #tpu.memory_space<semaphore_mem>>
      tpu.enqueue_indirect_dma source(%dma_start3A_664 : memref<100000x64xf32, #tpu.memory_space<hbm>>) target(%dma_start3A_658 : memref<72x64xf32, #tpu.memory_space<vmem>>) offsets(%dma_start3A_661 : memref<72xi32, #tpu.memory_space<vmem>>) semaphore(%dma_start3A_666 : memref<!tpu.dma_semaphore, #tpu.memory_space<semaphore_mem>>)
      %mul3A_667 = arith.constant 4 : i32
      %mul3A_668 = arith.muli %scan3A_446, %mul3A_667 : i32
      %add3A_669 = arith.constant 2 : i32
      %add3A_670 = arith.addi %mul3A_668, %add3A_669 : i32
      %dma_wait3A_671 = arith.constant 2 : i32
      %dma_wait3A_672 = arith.constant 2 : i32
      %dma_wait3A_673 = arith.constant 0 : i32
      %dma_wait3A_674 = arith.constant 0 : i32
      %dma_wait3A_675 = tpu.memref_slice %arg8[%dma_wait3A_671, %dma_wait3A_673, %dma_wait3A_674] : memref<4x200x64xf32, #tpu.memory_space<vmem>> -> memref<1x128x64xf32, #tpu.memory_space<vmem>>
      %dma_wait3A_676 = tpu.memref_squeeze %dma_wait3A_675 : memref<1x128x64xf32, #tpu.memory_space<vmem>> -> memref<128x64xf32, #tpu.memory_space<vmem>>
      %dma_wait3A_677 = arith.constant 0 : i32
      %dma_wait3A_678 = tpu.memref_slice %arg6[%add3A_670, %dma_wait3A_677] : memref<128x200xi32, #tpu.memory_space<vmem>> -> memref<1x128xi32, #tpu.memory_space<vmem>>
      %dma_wait3A_679 = tpu.memref_squeeze %dma_wait3A_678 : memref<1x128xi32, #tpu.memory_space<vmem>> -> memref<128xi32, #tpu.memory_space<vmem>>
      %dma_wait3A_680 = arith.constant 0 : i32
      %dma_wait3A_681 = arith.constant 0 : i32
      %dma_wait3A_682 = tpu.memref_slice %arg3[%dma_wait3A_680, %dma_wait3A_681] : memref<100000x64xf32, #tpu.memory_space<hbm>> -> memref<100000x64xf32, #tpu.memory_space<hbm>>
      %dma_wait3A_683 = tpu.memref_slice %arg9[%dma_wait3A_672] : memref<4x!tpu.dma_semaphore, #tpu.memory_space<semaphore_mem>> -> memref<1x!tpu.dma_semaphore, #tpu.memory_space<semaphore_mem>>
      %dma_wait3A_684 = tpu.memref_squeeze %dma_wait3A_683 : memref<1x!tpu.dma_semaphore, #tpu.memory_space<semaphore_mem>> -> memref<!tpu.dma_semaphore, #tpu.memory_space<semaphore_mem>>
      tpu.wait_indirect_dma semaphore(%dma_wait3A_684 : memref<!tpu.dma_semaphore, #tpu.memory_space<semaphore_mem>>) src(%dma_wait3A_682 : memref<100000x64xf32, #tpu.memory_space<hbm>>) dst(%dma_wait3A_676 : memref<128x64xf32, #tpu.memory_space<vmem>>)
      %dma_wait3A_685 = arith.constant 2 : i32
      %dma_wait3A_686 = arith.constant 2 : i32
      %dma_wait3A_687 = arith.constant 128 : i32
      %dma_wait3A_688 = arith.constant 0 : i32
      %dma_wait3A_689 = tpu.memref_slice %arg8[%dma_wait3A_685, %dma_wait3A_687, %dma_wait3A_688] : memref<4x200x64xf32, #tpu.memory_space<vmem>> -> memref<1x72x64xf32, #tpu.memory_space<vmem>>
      %dma_wait3A_690 = tpu.memref_squeeze %dma_wait3A_689 : memref<1x72x64xf32, #tpu.memory_space<vmem>> -> memref<72x64xf32, #tpu.memory_space<vmem>>
      %dma_wait3A_691 = arith.constant 128 : i32
      %dma_wait3A_692 = tpu.memref_slice %arg6[%add3A_670, %dma_wait3A_691] : memref<128x200xi32, #tpu.memory_space<vmem>> -> memref<1x72xi32, #tpu.memory_space<vmem>>
      %dma_wait3A_693 = tpu.memref_squeeze %dma_wait3A_692 : memref<1x72xi32, #tpu.memory_space<vmem>> -> memref<72xi32, #tpu.memory_space<vmem>>
      %dma_wait3A_694 = arith.constant 0 : i32
      %dma_wait3A_695 = arith.constant 0 : i32
      %dma_wait3A_696 = tpu.memref_slice %arg3[%dma_wait3A_694, %dma_wait3A_695] : memref<100000x64xf32, #tpu.memory_space<hbm>> -> memref<100000x64xf32, #tpu.memory_space<hbm>>
      %dma_wait3A_697 = tpu.memref_slice %arg9[%dma_wait3A_686] : memref<4x!tpu.dma_semaphore, #tpu.memory_space<semaphore_mem>> -> memref<1x!tpu.dma_semaphore, #tpu.memory_space<semaphore_mem>>
      %dma_wait3A_698 = tpu.memref_squeeze %dma_wait3A_697 : memref<1x!tpu.dma_semaphore, #tpu.memory_space<semaphore_mem>> -> memref<!tpu.dma_semaphore, #tpu.memory_space<semaphore_mem>>
      tpu.wait_indirect_dma semaphore(%dma_wait3A_698 : memref<!tpu.dma_semaphore, #tpu.memory_space<semaphore_mem>>) src(%dma_wait3A_696 : memref<100000x64xf32, #tpu.memory_space<hbm>>) dst(%dma_wait3A_690 : memref<72x64xf32, #tpu.memory_space<vmem>>)
      %scan3A_699 = arith.constant 0 : i32
      %scan3A_700 = arith.constant 0 : i32
      %scan3A_701 = arith.constant 200 : i32
      %scan3A_702 = arith.addi %scan3A_700, %scan3A_701 : i32
      %scan3A_703 = arith.constant 1 : i32
      scf.for %scan3A_887 = %scan3A_700 to %scan3A_702 step %scan3A_703  : i32 {
        %get3A = arith.constant 2 : i32
        %get3A_888 = arith.index_cast %get3A : i32 to index
        %get3A_889 = arith.index_cast %scan3A_887 : i32 to index
        %get3A_890 = arith.constant 0 : index
        %get3A_891 = tpu.vector_load %arg8[%get3A_888, %get3A_889, %get3A_890] {strides = array<i32>} : memref<4x200x64xf32, #tpu.memory_space<vmem>>, vector<1x1x16xf32>,
        %get3A_892 = vector.shape_cast %get3A_891 : vector<1x1x16xf32> to vector<16xf32>
        %get3A_893 = arith.index_cast %scan3A_887 : i32 to index
        %get3A_894 = arith.constant 0 : index
        %get3A_895 = tpu.vector_load %arg7[%get3A_893, %get3A_894] {strides = array<i32>} : memref<200x64xf32, #tpu.memory_space<vmem>>, vector<1x16xf32>,
        %get3A_896 = vector.shape_cast %get3A_895 : vector<1x16xf32> to vector<16xf32>
        %add3A_897 = arith.addf %get3A_892, %get3A_896 : vector<16xf32>
        %swap3A = arith.constant 2 : i32
        %swap3A_898 = arith.index_cast %swap3A : i32 to index
        %swap3A_899 = arith.index_cast %scan3A_887 : i32 to index
        %swap3A_900 = arith.constant 0 : index
        %swap3A_901 = tpu.vector_load %arg8[%swap3A_898, %swap3A_899, %swap3A_900] {strides = array<i32>} : memref<4x200x64xf32, #tpu.memory_space<vmem>>, vector<1x1x16xf32>,
        %swap3A_902 = vector.shape_cast %swap3A_901 : vector<1x1x16xf32> to vector<16xf32>
        %swap3A_903 = vector.shape_cast %add3A_897 : vector<16xf32> to vector<1x1x16xf32>
        tpu.vector_store %arg8[%swap3A_898, %swap3A_899, %swap3A_900], %swap3A_903 {strides = array<i32>} : memref<4x200x64xf32, #tpu.memory_space<vmem>>, vector<1x1x16xf32>,
        %get3A_904 = arith.constant 2 : i32
        %get3A_905 = arith.index_cast %get3A_904 : i32 to index
        %get3A_906 = arith.index_cast %scan3A_887 : i32 to index
        %get3A_907 = arith.constant 16 : index
        %get3A_908 = tpu.vector_load %arg8[%get3A_905, %get3A_906, %get3A_907] {strides = array<i32>} : memref<4x200x64xf32, #tpu.memory_space<vmem>>, vector<1x1x16xf32>,
        %get3A_909 = vector.shape_cast %get3A_908 : vector<1x1x16xf32> to vector<16xf32>
        %get3A_910 = arith.index_cast %scan3A_887 : i32 to index
        %get3A_911 = arith.constant 16 : index
        %get3A_912 = tpu.vector_load %arg7[%get3A_910, %get3A_911] {strides = array<i32>} : memref<200x64xf32, #tpu.memory_space<vmem>>, vector<1x16xf32>,
        %get3A_913 = vector.shape_cast %get3A_912 : vector<1x16xf32> to vector<16xf32>
        %add3A_914 = arith.addf %get3A_909, %get3A_913 : vector<16xf32>
        %swap3A_915 = arith.constant 2 : i32
        %swap3A_916 = arith.index_cast %swap3A_915 : i32 to index
        %swap3A_917 = arith.index_cast %scan3A_887 : i32 to index
        %swap3A_918 = arith.constant 16 : index
        %swap3A_919 = tpu.vector_load %arg8[%swap3A_916, %swap3A_917, %swap3A_918] {strides = array<i32>} : memref<4x200x64xf32, #tpu.memory_space<vmem>>, vector<1x1x16xf32>,
        %swap3A_920 = vector.shape_cast %swap3A_919 : vector<1x1x16xf32> to vector<16xf32>
        %swap3A_921 = vector.shape_cast %add3A_914 : vector<16xf32> to vector<1x1x16xf32>
        tpu.vector_store %arg8[%swap3A_916, %swap3A_917, %swap3A_918], %swap3A_921 {strides = array<i32>} : memref<4x200x64xf32, #tpu.memory_space<vmem>>, vector<1x1x16xf32>,
        %get3A_922 = arith.constant 2 : i32
        %get3A_923 = arith.index_cast %get3A_922 : i32 to index
        %get3A_924 = arith.index_cast %scan3A_887 : i32 to index
        %get3A_925 = arith.constant 32 : index
        %get3A_926 = tpu.vector_load %arg8[%get3A_923, %get3A_924, %get3A_925] {strides = array<i32>} : memref<4x200x64xf32, #tpu.memory_space<vmem>>, vector<1x1x16xf32>,
        %get3A_927 = vector.shape_cast %get3A_926 : vector<1x1x16xf32> to vector<16xf32>
        %get3A_928 = arith.index_cast %scan3A_887 : i32 to index
        %get3A_929 = arith.constant 32 : index
        %get3A_930 = tpu.vector_load %arg7[%get3A_928, %get3A_929] {strides = array<i32>} : memref<200x64xf32, #tpu.memory_space<vmem>>, vector<1x16xf32>,
        %get3A_931 = vector.shape_cast %get3A_930 : vector<1x16xf32> to vector<16xf32>
        %add3A_932 = arith.addf %get3A_927, %get3A_931 : vector<16xf32>
        %swap3A_933 = arith.constant 2 : i32
        %swap3A_934 = arith.index_cast %swap3A_933 : i32 to index
        %swap3A_935 = arith.index_cast %scan3A_887 : i32 to index
        %swap3A_936 = arith.constant 32 : index
        %swap3A_937 = tpu.vector_load %arg8[%swap3A_934, %swap3A_935, %swap3A_936] {strides = array<i32>} : memref<4x200x64xf32, #tpu.memory_space<vmem>>, vector<1x1x16xf32>,
        %swap3A_938 = vector.shape_cast %swap3A_937 : vector<1x1x16xf32> to vector<16xf32>
        %swap3A_939 = vector.shape_cast %add3A_932 : vector<16xf32> to vector<1x1x16xf32>
        tpu.vector_store %arg8[%swap3A_934, %swap3A_935, %swap3A_936], %swap3A_939 {strides = array<i32>} : memref<4x200x64xf32, #tpu.memory_space<vmem>>, vector<1x1x16xf32>,
        %get3A_940 = arith.constant 2 : i32
        %get3A_941 = arith.index_cast %get3A_940 : i32 to index
        %get3A_942 = arith.index_cast %scan3A_887 : i32 to index
        %get3A_943 = arith.constant 48 : index
        %get3A_944 = tpu.vector_load %arg8[%get3A_941, %get3A_942, %get3A_943] {strides = array<i32>} : memref<4x200x64xf32, #tpu.memory_space<vmem>>, vector<1x1x16xf32>,
        %get3A_945 = vector.shape_cast %get3A_944 : vector<1x1x16xf32> to vector<16xf32>
        %get3A_946 = arith.index_cast %scan3A_887 : i32 to index
        %get3A_947 = arith.constant 48 : index
        %get3A_948 = tpu.vector_load %arg7[%get3A_946, %get3A_947] {strides = array<i32>} : memref<200x64xf32, #tpu.memory_space<vmem>>, vector<1x16xf32>,
        %get3A_949 = vector.shape_cast %get3A_948 : vector<1x16xf32> to vector<16xf32>
        %add3A_950 = arith.addf %get3A_945, %get3A_949 : vector<16xf32>
        %swap3A_951 = arith.constant 2 : i32
        %swap3A_952 = arith.index_cast %swap3A_951 : i32 to index
        %swap3A_953 = arith.index_cast %scan3A_887 : i32 to index
        %swap3A_954 = arith.constant 48 : index
        %swap3A_955 = tpu.vector_load %arg8[%swap3A_952, %swap3A_953, %swap3A_954] {strides = array<i32>} : memref<4x200x64xf32, #tpu.memory_space<vmem>>, vector<1x1x16xf32>,
        %swap3A_956 = vector.shape_cast %swap3A_955 : vector<1x1x16xf32> to vector<16xf32>
        %swap3A_957 = vector.shape_cast %add3A_950 : vector<16xf32> to vector<1x1x16xf32>
        tpu.vector_store %arg8[%swap3A_952, %swap3A_953, %swap3A_954], %swap3A_957 {strides = array<i32>} : memref<4x200x64xf32, #tpu.memory_space<vmem>>, vector<1x1x16xf32>,
      }
      %scan3A_704 = arith.constant 200 : i32
      %add3A_705 = arith.addi %mul3A_2, %add3A_670 : i32
      %dma_start3A_706 = arith.constant 2 : i32
      %dma_start3A_707 = arith.constant 2 : i32
      %dma_start3A_708 = arith.constant 0 : i32
      %dma_start3A_709 = arith.constant 0 : i32
      %dma_start3A_710 = tpu.memref_slice %arg8[%dma_start3A_706, %dma_start3A_708, %dma_start3A_709] : memref<4x200x64xf32, #tpu.memory_space<vmem>> -> memref<1x200x64xf32, #tpu.memory_space<vmem>>
      %dma_start3A_711 = tpu.memref_squeeze %dma_start3A_710 : memref<1x200x64xf32, #tpu.memory_space<vmem>> -> memref<200x64xf32, #tpu.memory_space<vmem>>
      %dma_start3A_712 = arith.constant 0 : i32
      %dma_start3A_713 = arith.constant 0 : i32
      %dma_start3A_714 = tpu.memref_slice %arg5[%add3A_705, %dma_start3A_712, %dma_start3A_713] : memref<4096x200x64xf32, #tpu.memory_space<hbm>> -> memref<1x200x64xf32, #tpu.memory_space<hbm>>
      %dma_start3A_715 = tpu.memref_squeeze %dma_start3A_714 : memref<1x200x64xf32, #tpu.memory_space<hbm>> -> memref<200x64xf32, #tpu.memory_space<hbm>>
      %dma_start3A_716 = tpu.memref_slice %arg10[%dma_start3A_707] : memref<4x!tpu.dma_semaphore, #tpu.memory_space<semaphore_mem>> -> memref<1x!tpu.dma_semaphore, #tpu.memory_space<semaphore_mem>>
      %dma_start3A_717 = tpu.memref_squeeze %dma_start3A_716 : memref<1x!tpu.dma_semaphore, #tpu.memory_space<semaphore_mem>> -> memref<!tpu.dma_semaphore, #tpu.memory_space<semaphore_mem>>
      %dma_start3A_718 = arith.constant 0 : i32
      %dma_start3A_719 = arith.constant 0 : i32
      %dma_start3A_720 = tpu.memref_slice %arg5[%add3A_705, %dma_start3A_718, %dma_start3A_719] : memref<4096x200x64xf32, #tpu.memory_space<hbm>> -> memref<1x200x64xf32, #tpu.memory_space<hbm>>
      %dma_start3A_721 = tpu.memref_squeeze %dma_start3A_720 : memref<1x200x64xf32, #tpu.memory_space<hbm>> -> memref<200x64xf32, #tpu.memory_space<hbm>>
      %dma_start3A_722 = arith.constant 0 : i32
      %dma_start3A_723 = arith.constant 0 : i32
      %dma_start3A_724 = tpu.memref_slice %arg8[%dma_start3A_706, %dma_start3A_722, %dma_start3A_723] : memref<4x200x64xf32, #tpu.memory_space<vmem>> -> memref<1x200x64xf32, #tpu.memory_space<vmem>>
      %dma_start3A_725 = tpu.memref_squeeze %dma_start3A_724 : memref<1x200x64xf32, #tpu.memory_space<vmem>> -> memref<200x64xf32, #tpu.memory_space<vmem>>
      tpu.enqueue_dma source(%dma_start3A_725 : memref<200x64xf32, #tpu.memory_space<vmem>>) target(%dma_start3A_721 : memref<200x64xf32, #tpu.memory_space<hbm>>) target_semaphore(%dma_start3A_717 : memref<!tpu.dma_semaphore, #tpu.memory_space<semaphore_mem>>)
      %add3A_726 = arith.addi %mul3A_2, %add3A_670 : i32
      %dma_wait3A_727 = arith.constant 2 : i32
      %dma_wait3A_728 = arith.constant 2 : i32
      %dma_wait3A_729 = arith.constant 0 : i32
      %dma_wait3A_730 = arith.constant 0 : i32
      %dma_wait3A_731 = tpu.memref_slice %arg8[%dma_wait3A_727, %dma_wait3A_729, %dma_wait3A_730] : memref<4x200x64xf32, #tpu.memory_space<vmem>> -> memref<1x200x64xf32, #tpu.memory_space<vmem>>
      %dma_wait3A_732 = tpu.memref_squeeze %dma_wait3A_731 : memref<1x200x64xf32, #tpu.memory_space<vmem>> -> memref<200x64xf32, #tpu.memory_space<vmem>>
      %dma_wait3A_733 = arith.constant 0 : i32
      %dma_wait3A_734 = arith.constant 0 : i32
      %dma_wait3A_735 = tpu.memref_slice %arg5[%add3A_726, %dma_wait3A_733, %dma_wait3A_734] : memref<4096x200x64xf32, #tpu.memory_space<hbm>> -> memref<1x200x64xf32, #tpu.memory_space<hbm>>
      %dma_wait3A_736 = tpu.memref_squeeze %dma_wait3A_735 : memref<1x200x64xf32, #tpu.memory_space<hbm>> -> memref<200x64xf32, #tpu.memory_space<hbm>>
      %dma_wait3A_737 = tpu.memref_slice %arg10[%dma_wait3A_728] : memref<4x!tpu.dma_semaphore, #tpu.memory_space<semaphore_mem>> -> memref<1x!tpu.dma_semaphore, #tpu.memory_space<semaphore_mem>>
      %dma_wait3A_738 = tpu.memref_squeeze %dma_wait3A_737 : memref<1x!tpu.dma_semaphore, #tpu.memory_space<semaphore_mem>> -> memref<!tpu.dma_semaphore, #tpu.memory_space<semaphore_mem>>
      %dma_wait3A_739 = arith.constant 0 : i32
      %dma_wait3A_740 = arith.constant 0 : i32
      %dma_wait3A_741 = tpu.memref_slice %arg5[%add3A_726, %dma_wait3A_739, %dma_wait3A_740] : memref<4096x200x64xf32, #tpu.memory_space<hbm>> -> memref<1x200x64xf32, #tpu.memory_space<hbm>>
      %dma_wait3A_742 = tpu.memref_squeeze %dma_wait3A_741 : memref<1x200x64xf32, #tpu.memory_space<hbm>> -> memref<200x64xf32, #tpu.memory_space<hbm>>
      %dma_wait3A_743 = arith.constant 0 : i32
      %dma_wait3A_744 = arith.constant 0 : i32
      %dma_wait3A_745 = tpu.memref_slice %arg8[%dma_wait3A_727, %dma_wait3A_743, %dma_wait3A_744] : memref<4x200x64xf32, #tpu.memory_space<vmem>> -> memref<1x200x64xf32, #tpu.memory_space<vmem>>
      %dma_wait3A_746 = tpu.memref_squeeze %dma_wait3A_745 : memref<1x200x64xf32, #tpu.memory_space<vmem>> -> memref<200x64xf32, #tpu.memory_space<vmem>>
      tpu.wait_dma2 semaphore(%dma_wait3A_738 : memref<!tpu.dma_semaphore, #tpu.memory_space<semaphore_mem>>) src(%dma_wait3A_746 : memref<200x64xf32, #tpu.memory_space<vmem>>) dst(%dma_wait3A_742 : memref<200x64xf32, #tpu.memory_space<hbm>>)
      %add3A_747 = arith.constant 4 : i32
      %add3A_748 = arith.addi %add3A_670, %add3A_747 : i32
      %dma_start3A_749 = arith.constant 2 : i32
      %dma_start3A_750 = arith.constant 2 : i32
      %dma_start3A_751 = arith.constant 0 : i32
      %dma_start3A_752 = arith.constant 0 : i32
      %dma_start3A_753 = tpu.memref_slice %arg8[%dma_start3A_749, %dma_start3A_751, %dma_start3A_752] : memref<4x200x64xf32, #tpu.memory_space<vmem>> -> memref<1x128x64xf32, #tpu.memory_space<vmem>>
      %dma_start3A_754 = tpu.memref_squeeze %dma_start3A_753 : memref<1x128x64xf32, #tpu.memory_space<vmem>> -> memref<128x64xf32, #tpu.memory_space<vmem>>
      %dma_start3A_755 = arith.constant 0 : i32
      %dma_start3A_756 = tpu.memref_slice %arg6[%add3A_748, %dma_start3A_755] : memref<128x200xi32, #tpu.memory_space<vmem>> -> memref<1x128xi32, #tpu.memory_space<vmem>>
      %dma_start3A_757 = tpu.memref_squeeze %dma_start3A_756 : memref<1x128xi32, #tpu.memory_space<vmem>> -> memref<128xi32, #tpu.memory_space<vmem>>
      %dma_start3A_758 = arith.constant 0 : i32
      %dma_start3A_759 = arith.constant 0 : i32
      %dma_start3A_760 = tpu.memref_slice %arg3[%dma_start3A_758, %dma_start3A_759] : memref<100000x64xf32, #tpu.memory_space<hbm>> -> memref<100000x64xf32, #tpu.memory_space<hbm>>
      %dma_start3A_761 = tpu.memref_slice %arg9[%dma_start3A_750] : memref<4x!tpu.dma_semaphore, #tpu.memory_space<semaphore_mem>> -> memref<1x!tpu.dma_semaphore, #tpu.memory_space<semaphore_mem>>
      %dma_start3A_762 = tpu.memref_squeeze %dma_start3A_761 : memref<1x!tpu.dma_semaphore, #tpu.memory_space<semaphore_mem>> -> memref<!tpu.dma_semaphore, #tpu.memory_space<semaphore_mem>>
      tpu.enqueue_indirect_dma source(%dma_start3A_760 : memref<100000x64xf32, #tpu.memory_space<hbm>>) target(%dma_start3A_754 : memref<128x64xf32, #tpu.memory_space<vmem>>) offsets(%dma_start3A_757 : memref<128xi32, #tpu.memory_space<vmem>>) semaphore(%dma_start3A_762 : memref<!tpu.dma_semaphore, #tpu.memory_space<semaphore_mem>>)
      %dma_start3A_763 = arith.constant 2 : i32
      %dma_start3A_764 = arith.constant 2 : i32
      %dma_start3A_765 = arith.constant 128 : i32
      %dma_start3A_766 = arith.constant 0 : i32
      %dma_start3A_767 = tpu.memref_slice %arg8[%dma_start3A_763, %dma_start3A_765, %dma_start3A_766] : memref<4x200x64xf32, #tpu.memory_space<vmem>> -> memref<1x72x64xf32, #tpu.memory_space<vmem>>
      %dma_start3A_768 = tpu.memref_squeeze %dma_start3A_767 : memref<1x72x64xf32, #tpu.memory_space<vmem>> -> memref<72x64xf32, #tpu.memory_space<vmem>>
      %dma_start3A_769 = arith.constant 128 : i32
      %dma_start3A_770 = tpu.memref_slice %arg6[%add3A_748, %dma_start3A_769] : memref<128x200xi32, #tpu.memory_space<vmem>> -> memref<1x72xi32, #tpu.memory_space<vmem>>
      %dma_start3A_771 = tpu.memref_squeeze %dma_start3A_770 : memref<1x72xi32, #tpu.memory_space<vmem>> -> memref<72xi32, #tpu.memory_space<vmem>>
      %dma_start3A_772 = arith.constant 0 : i32
      %dma_start3A_773 = arith.constant 0 : i32
      %dma_start3A_774 = tpu.memref_slice %arg3[%dma_start3A_772, %dma_start3A_773] : memref<100000x64xf32, #tpu.memory_space<hbm>> -> memref<100000x64xf32, #tpu.memory_space<hbm>>
      %dma_start3A_775 = tpu.memref_slice %arg9[%dma_start3A_764] : memref<4x!tpu.dma_semaphore, #tpu.memory_space<semaphore_mem>> -> memref<1x!tpu.dma_semaphore, #tpu.memory_space<semaphore_mem>>
      %dma_start3A_776 = tpu.memref_squeeze %dma_start3A_775 : memref<1x!tpu.dma_semaphore, #tpu.memory_space<semaphore_mem>> -> memref<!tpu.dma_semaphore, #tpu.memory_space<semaphore_mem>>
      tpu.enqueue_indirect_dma source(%dma_start3A_774 : memref<100000x64xf32, #tpu.memory_space<hbm>>) target(%dma_start3A_768 : memref<72x64xf32, #tpu.memory_space<vmem>>) offsets(%dma_start3A_771 : memref<72xi32, #tpu.memory_space<vmem>>) semaphore(%dma_start3A_776 : memref<!tpu.dma_semaphore, #tpu.memory_space<semaphore_mem>>)
      %mul3A_777 = arith.constant 4 : i32
      %mul3A_778 = arith.muli %scan3A_446, %mul3A_777 : i32
      %add3A_779 = arith.constant 3 : i32
      %add3A_780 = arith.addi %mul3A_778, %add3A_779 : i32
      %dma_wait3A_781 = arith.constant 3 : i32
      %dma_wait3A_782 = arith.constant 3 : i32
      %dma_wait3A_783 = arith.constant 0 : i32
      %dma_wait3A_784 = arith.constant 0 : i32
      %dma_wait3A_785 = tpu.memref_slice %arg8[%dma_wait3A_781, %dma_wait3A_783, %dma_wait3A_784] : memref<4x200x64xf32, #tpu.memory_space<vmem>> -> memref<1x128x64xf32, #tpu.memory_space<vmem>>
      %dma_wait3A_786 = tpu.memref_squeeze %dma_wait3A_785 : memref<1x128x64xf32, #tpu.memory_space<vmem>> -> memref<128x64xf32, #tpu.memory_space<vmem>>
      %dma_wait3A_787 = arith.constant 0 : i32
      %dma_wait3A_788 = tpu.memref_slice %arg6[%add3A_780, %dma_wait3A_787] : memref<128x200xi32, #tpu.memory_space<vmem>> -> memref<1x128xi32, #tpu.memory_space<vmem>>
      %dma_wait3A_789 = tpu.memref_squeeze %dma_wait3A_788 : memref<1x128xi32, #tpu.memory_space<vmem>> -> memref<128xi32, #tpu.memory_space<vmem>>
      %dma_wait3A_790 = arith.constant 0 : i32
      %dma_wait3A_791 = arith.constant 0 : i32
      %dma_wait3A_792 = tpu.memref_slice %arg3[%dma_wait3A_790, %dma_wait3A_791] : memref<100000x64xf32, #tpu.memory_space<hbm>> -> memref<100000x64xf32, #tpu.memory_space<hbm>>
      %dma_wait3A_793 = tpu.memref_slice %arg9[%dma_wait3A_782] : memref<4x!tpu.dma_semaphore, #tpu.memory_space<semaphore_mem>> -> memref<1x!tpu.dma_semaphore, #tpu.memory_space<semaphore_mem>>
      %dma_wait3A_794 = tpu.memref_squeeze %dma_wait3A_793 : memref<1x!tpu.dma_semaphore, #tpu.memory_space<semaphore_mem>> -> memref<!tpu.dma_semaphore, #tpu.memory_space<semaphore_mem>>
      tpu.wait_indirect_dma semaphore(%dma_wait3A_794 : memref<!tpu.dma_semaphore, #tpu.memory_space<semaphore_mem>>) src(%dma_wait3A_792 : memref<100000x64xf32, #tpu.memory_space<hbm>>) dst(%dma_wait3A_786 : memref<128x64xf32, #tpu.memory_space<vmem>>)
      %dma_wait3A_795 = arith.constant 3 : i32
      %dma_wait3A_796 = arith.constant 3 : i32
      %dma_wait3A_797 = arith.constant 128 : i32
      %dma_wait3A_798 = arith.constant 0 : i32
      %dma_wait3A_799 = tpu.memref_slice %arg8[%dma_wait3A_795, %dma_wait3A_797, %dma_wait3A_798] : memref<4x200x64xf32, #tpu.memory_space<vmem>> -> memref<1x72x64xf32, #tpu.memory_space<vmem>>
      %dma_wait3A_800 = tpu.memref_squeeze %dma_wait3A_799 : memref<1x72x64xf32, #tpu.memory_space<vmem>> -> memref<72x64xf32, #tpu.memory_space<vmem>>
      %dma_wait3A_801 = arith.constant 128 : i32
      %dma_wait3A_802 = tpu.memref_slice %arg6[%add3A_780, %dma_wait3A_801] : memref<128x200xi32, #tpu.memory_space<vmem>> -> memref<1x72xi32, #tpu.memory_space<vmem>>
      %dma_wait3A_803 = tpu.memref_squeeze %dma_wait3A_802 : memref<1x72xi32, #tpu.memory_space<vmem>> -> memref<72xi32, #tpu.memory_space<vmem>>
      %dma_wait3A_804 = arith.constant 0 : i32
      %dma_wait3A_805 = arith.constant 0 : i32
      %dma_wait3A_806 = tpu.memref_slice %arg3[%dma_wait3A_804, %dma_wait3A_805] : memref<100000x64xf32, #tpu.memory_space<hbm>> -> memref<100000x64xf32, #tpu.memory_space<hbm>>
      %dma_wait3A_807 = tpu.memref_slice %arg9[%dma_wait3A_796] : memref<4x!tpu.dma_semaphore, #tpu.memory_space<semaphore_mem>> -> memref<1x!tpu.dma_semaphore, #tpu.memory_space<semaphore_mem>>
      %dma_wait3A_808 = tpu.memref_squeeze %dma_wait3A_807 : memref<1x!tpu.dma_semaphore, #tpu.memory_space<semaphore_mem>> -> memref<!tpu.dma_semaphore, #tpu.memory_space<semaphore_mem>>
      tpu.wait_indirect_dma semaphore(%dma_wait3A_808 : memref<!tpu.dma_semaphore, #tpu.memory_space<semaphore_mem>>) src(%dma_wait3A_806 : memref<100000x64xf32, #tpu.memory_space<hbm>>) dst(%dma_wait3A_800 : memref<72x64xf32, #tpu.memory_space<vmem>>)
      %scan3A_809 = arith.constant 0 : i32
      %scan3A_810 = arith.constant 0 : i32
      %scan3A_811 = arith.constant 200 : i32
      %scan3A_812 = arith.addi %scan3A_810, %scan3A_811 : i32
      %scan3A_813 = arith.constant 1 : i32
      scf.for %scan3A_887 = %scan3A_810 to %scan3A_812 step %scan3A_813  : i32 {
        %get3A = arith.constant 3 : i32
        %get3A_888 = arith.index_cast %get3A : i32 to index
        %get3A_889 = arith.index_cast %scan3A_887 : i32 to index
        %get3A_890 = arith.constant 0 : index
        %get3A_891 = tpu.vector_load %arg8[%get3A_888, %get3A_889, %get3A_890] {strides = array<i32>} : memref<4x200x64xf32, #tpu.memory_space<vmem>>, vector<1x1x16xf32>,
        %get3A_892 = vector.shape_cast %get3A_891 : vector<1x1x16xf32> to vector<16xf32>
        %get3A_893 = arith.index_cast %scan3A_887 : i32 to index
        %get3A_894 = arith.constant 0 : index
        %get3A_895 = tpu.vector_load %arg7[%get3A_893, %get3A_894] {strides = array<i32>} : memref<200x64xf32, #tpu.memory_space<vmem>>, vector<1x16xf32>,
        %get3A_896 = vector.shape_cast %get3A_895 : vector<1x16xf32> to vector<16xf32>
        %add3A_897 = arith.addf %get3A_892, %get3A_896 : vector<16xf32>
        %swap3A = arith.constant 3 : i32
        %swap3A_898 = arith.index_cast %swap3A : i32 to index
        %swap3A_899 = arith.index_cast %scan3A_887 : i32 to index
        %swap3A_900 = arith.constant 0 : index
        %swap3A_901 = tpu.vector_load %arg8[%swap3A_898, %swap3A_899, %swap3A_900] {strides = array<i32>} : memref<4x200x64xf32, #tpu.memory_space<vmem>>, vector<1x1x16xf32>,
        %swap3A_902 = vector.shape_cast %swap3A_901 : vector<1x1x16xf32> to vector<16xf32>
        %swap3A_903 = vector.shape_cast %add3A_897 : vector<16xf32> to vector<1x1x16xf32>
        tpu.vector_store %arg8[%swap3A_898, %swap3A_899, %swap3A_900], %swap3A_903 {strides = array<i32>} : memref<4x200x64xf32, #tpu.memory_space<vmem>>, vector<1x1x16xf32>,
        %get3A_904 = arith.constant 3 : i32
        %get3A_905 = arith.index_cast %get3A_904 : i32 to index
        %get3A_906 = arith.index_cast %scan3A_887 : i32 to index
        %get3A_907 = arith.constant 16 : index
        %get3A_908 = tpu.vector_load %arg8[%get3A_905, %get3A_906, %get3A_907] {strides = array<i32>} : memref<4x200x64xf32, #tpu.memory_space<vmem>>, vector<1x1x16xf32>,
        %get3A_909 = vector.shape_cast %get3A_908 : vector<1x1x16xf32> to vector<16xf32>
        %get3A_910 = arith.index_cast %scan3A_887 : i32 to index
        %get3A_911 = arith.constant 16 : index
        %get3A_912 = tpu.vector_load %arg7[%get3A_910, %get3A_911] {strides = array<i32>} : memref<200x64xf32, #tpu.memory_space<vmem>>, vector<1x16xf32>,
        %get3A_913 = vector.shape_cast %get3A_912 : vector<1x16xf32> to vector<16xf32>
        %add3A_914 = arith.addf %get3A_909, %get3A_913 : vector<16xf32>
        %swap3A_915 = arith.constant 3 : i32
        %swap3A_916 = arith.index_cast %swap3A_915 : i32 to index
        %swap3A_917 = arith.index_cast %scan3A_887 : i32 to index
        %swap3A_918 = arith.constant 16 : index
        %swap3A_919 = tpu.vector_load %arg8[%swap3A_916, %swap3A_917, %swap3A_918] {strides = array<i32>} : memref<4x200x64xf32, #tpu.memory_space<vmem>>, vector<1x1x16xf32>,
        %swap3A_920 = vector.shape_cast %swap3A_919 : vector<1x1x16xf32> to vector<16xf32>
        %swap3A_921 = vector.shape_cast %add3A_914 : vector<16xf32> to vector<1x1x16xf32>
        tpu.vector_store %arg8[%swap3A_916, %swap3A_917, %swap3A_918], %swap3A_921 {strides = array<i32>} : memref<4x200x64xf32, #tpu.memory_space<vmem>>, vector<1x1x16xf32>,
        %get3A_922 = arith.constant 3 : i32
        %get3A_923 = arith.index_cast %get3A_922 : i32 to index
        %get3A_924 = arith.index_cast %scan3A_887 : i32 to index
        %get3A_925 = arith.constant 32 : index
        %get3A_926 = tpu.vector_load %arg8[%get3A_923, %get3A_924, %get3A_925] {strides = array<i32>} : memref<4x200x64xf32, #tpu.memory_space<vmem>>, vector<1x1x16xf32>,
        %get3A_927 = vector.shape_cast %get3A_926 : vector<1x1x16xf32> to vector<16xf32>
        %get3A_928 = arith.index_cast %scan3A_887 : i32 to index
        %get3A_929 = arith.constant 32 : index
        %get3A_930 = tpu.vector_load %arg7[%get3A_928, %get3A_929] {strides = array<i32>} : memref<200x64xf32, #tpu.memory_space<vmem>>, vector<1x16xf32>,
        %get3A_931 = vector.shape_cast %get3A_930 : vector<1x16xf32> to vector<16xf32>
        %add3A_932 = arith.addf %get3A_927, %get3A_931 : vector<16xf32>
        %swap3A_933 = arith.constant 3 : i32
        %swap3A_934 = arith.index_cast %swap3A_933 : i32 to index
        %swap3A_935 = arith.index_cast %scan3A_887 : i32 to index
        %swap3A_936 = arith.constant 32 : index
        %swap3A_937 = tpu.vector_load %arg8[%swap3A_934, %swap3A_935, %swap3A_936] {strides = array<i32>} : memref<4x200x64xf32, #tpu.memory_space<vmem>>, vector<1x1x16xf32>,
        %swap3A_938 = vector.shape_cast %swap3A_937 : vector<1x1x16xf32> to vector<16xf32>
        %swap3A_939 = vector.shape_cast %add3A_932 : vector<16xf32> to vector<1x1x16xf32>
        tpu.vector_store %arg8[%swap3A_934, %swap3A_935, %swap3A_936], %swap3A_939 {strides = array<i32>} : memref<4x200x64xf32, #tpu.memory_space<vmem>>, vector<1x1x16xf32>,
        %get3A_940 = arith.constant 3 : i32
        %get3A_941 = arith.index_cast %get3A_940 : i32 to index
        %get3A_942 = arith.index_cast %scan3A_887 : i32 to index
        %get3A_943 = arith.constant 48 : index
        %get3A_944 = tpu.vector_load %arg8[%get3A_941, %get3A_942, %get3A_943] {strides = array<i32>} : memref<4x200x64xf32, #tpu.memory_space<vmem>>, vector<1x1x16xf32>,
        %get3A_945 = vector.shape_cast %get3A_944 : vector<1x1x16xf32> to vector<16xf32>
        %get3A_946 = arith.index_cast %scan3A_887 : i32 to index
        %get3A_947 = arith.constant 48 : index
        %get3A_948 = tpu.vector_load %arg7[%get3A_946, %get3A_947] {strides = array<i32>} : memref<200x64xf32, #tpu.memory_space<vmem>>, vector<1x16xf32>,
        %get3A_949 = vector.shape_cast %get3A_948 : vector<1x16xf32> to vector<16xf32>
        %add3A_950 = arith.addf %get3A_945, %get3A_949 : vector<16xf32>
        %swap3A_951 = arith.constant 3 : i32
        %swap3A_952 = arith.index_cast %swap3A_951 : i32 to index
        %swap3A_953 = arith.index_cast %scan3A_887 : i32 to index
        %swap3A_954 = arith.constant 48 : index
        %swap3A_955 = tpu.vector_load %arg8[%swap3A_952, %swap3A_953, %swap3A_954] {strides = array<i32>} : memref<4x200x64xf32, #tpu.memory_space<vmem>>, vector<1x1x16xf32>,
        %swap3A_956 = vector.shape_cast %swap3A_955 : vector<1x1x16xf32> to vector<16xf32>
        %swap3A_957 = vector.shape_cast %add3A_950 : vector<16xf32> to vector<1x1x16xf32>
        tpu.vector_store %arg8[%swap3A_952, %swap3A_953, %swap3A_954], %swap3A_957 {strides = array<i32>} : memref<4x200x64xf32, #tpu.memory_space<vmem>>, vector<1x1x16xf32>,
      }
      %scan3A_814 = arith.constant 200 : i32
      %add3A_815 = arith.addi %mul3A_2, %add3A_780 : i32
      %dma_start3A_816 = arith.constant 3 : i32
      %dma_start3A_817 = arith.constant 3 : i32
      %dma_start3A_818 = arith.constant 0 : i32
      %dma_start3A_819 = arith.constant 0 : i32
      %dma_start3A_820 = tpu.memref_slice %arg8[%dma_start3A_816, %dma_start3A_818, %dma_start3A_819] : memref<4x200x64xf32, #tpu.memory_space<vmem>> -> memref<1x200x64xf32, #tpu.memory_space<vmem>>
      %dma_start3A_821 = tpu.memref_squeeze %dma_start3A_820 : memref<1x200x64xf32, #tpu.memory_space<vmem>> -> memref<200x64xf32, #tpu.memory_space<vmem>>
      %dma_start3A_822 = arith.constant 0 : i32
      %dma_start3A_823 = arith.constant 0 : i32
      %dma_start3A_824 = tpu.memref_slice %arg5[%add3A_815, %dma_start3A_822, %dma_start3A_823] : memref<4096x200x64xf32, #tpu.memory_space<hbm>> -> memref<1x200x64xf32, #tpu.memory_space<hbm>>
      %dma_start3A_825 = tpu.memref_squeeze %dma_start3A_824 : memref<1x200x64xf32, #tpu.memory_space<hbm>> -> memref<200x64xf32, #tpu.memory_space<hbm>>
      %dma_start3A_826 = tpu.memref_slice %arg10[%dma_start3A_817] : memref<4x!tpu.dma_semaphore, #tpu.memory_space<semaphore_mem>> -> memref<1x!tpu.dma_semaphore, #tpu.memory_space<semaphore_mem>>
      %dma_start3A_827 = tpu.memref_squeeze %dma_start3A_826 : memref<1x!tpu.dma_semaphore, #tpu.memory_space<semaphore_mem>> -> memref<!tpu.dma_semaphore, #tpu.memory_space<semaphore_mem>>
      %dma_start3A_828 = arith.constant 0 : i32
      %dma_start3A_829 = arith.constant 0 : i32
      %dma_start3A_830 = tpu.memref_slice %arg5[%add3A_815, %dma_start3A_828, %dma_start3A_829] : memref<4096x200x64xf32, #tpu.memory_space<hbm>> -> memref<1x200x64xf32, #tpu.memory_space<hbm>>
      %dma_start3A_831 = tpu.memref_squeeze %dma_start3A_830 : memref<1x200x64xf32, #tpu.memory_space<hbm>> -> memref<200x64xf32, #tpu.memory_space<hbm>>
      %dma_start3A_832 = arith.constant 0 : i32
      %dma_start3A_833 = arith.constant 0 : i32
      %dma_start3A_834 = tpu.memref_slice %arg8[%dma_start3A_816, %dma_start3A_832, %dma_start3A_833] : memref<4x200x64xf32, #tpu.memory_space<vmem>> -> memref<1x200x64xf32, #tpu.memory_space<vmem>>
      %dma_start3A_835 = tpu.memref_squeeze %dma_start3A_834 : memref<1x200x64xf32, #tpu.memory_space<vmem>> -> memref<200x64xf32, #tpu.memory_space<vmem>>
      tpu.enqueue_dma source(%dma_start3A_835 : memref<200x64xf32, #tpu.memory_space<vmem>>) target(%dma_start3A_831 : memref<200x64xf32, #tpu.memory_space<hbm>>) target_semaphore(%dma_start3A_827 : memref<!tpu.dma_semaphore, #tpu.memory_space<semaphore_mem>>)
      %add3A_836 = arith.addi %mul3A_2, %add3A_780 : i32
      %dma_wait3A_837 = arith.constant 3 : i32
      %dma_wait3A_838 = arith.constant 3 : i32
      %dma_wait3A_839 = arith.constant 0 : i32
      %dma_wait3A_840 = arith.constant 0 : i32
      %dma_wait3A_841 = tpu.memref_slice %arg8[%dma_wait3A_837, %dma_wait3A_839, %dma_wait3A_840] : memref<4x200x64xf32, #tpu.memory_space<vmem>> -> memref<1x200x64xf32, #tpu.memory_space<vmem>>
      %dma_wait3A_842 = tpu.memref_squeeze %dma_wait3A_841 : memref<1x200x64xf32, #tpu.memory_space<vmem>> -> memref<200x64xf32, #tpu.memory_space<vmem>>
      %dma_wait3A_843 = arith.constant 0 : i32
      %dma_wait3A_844 = arith.constant 0 : i32
      %dma_wait3A_845 = tpu.memref_slice %arg5[%add3A_836, %dma_wait3A_843, %dma_wait3A_844] : memref<4096x200x64xf32, #tpu.memory_space<hbm>> -> memref<1x200x64xf32, #tpu.memory_space<hbm>>
      %dma_wait3A_846 = tpu.memref_squeeze %dma_wait3A_845 : memref<1x200x64xf32, #tpu.memory_space<hbm>> -> memref<200x64xf32, #tpu.memory_space<hbm>>
      %dma_wait3A_847 = tpu.memref_slice %arg10[%dma_wait3A_838] : memref<4x!tpu.dma_semaphore, #tpu.memory_space<semaphore_mem>> -> memref<1x!tpu.dma_semaphore, #tpu.memory_space<semaphore_mem>>
      %dma_wait3A_848 = tpu.memref_squeeze %dma_wait3A_847 : memref<1x!tpu.dma_semaphore, #tpu.memory_space<semaphore_mem>> -> memref<!tpu.dma_semaphore, #tpu.memory_space<semaphore_mem>>
      %dma_wait3A_849 = arith.constant 0 : i32
      %dma_wait3A_850 = arith.constant 0 : i32
      %dma_wait3A_851 = tpu.memref_slice %arg5[%add3A_836, %dma_wait3A_849, %dma_wait3A_850] : memref<4096x200x64xf32, #tpu.memory_space<hbm>> -> memref<1x200x64xf32, #tpu.memory_space<hbm>>
      %dma_wait3A_852 = tpu.memref_squeeze %dma_wait3A_851 : memref<1x200x64xf32, #tpu.memory_space<hbm>> -> memref<200x64xf32, #tpu.memory_space<hbm>>
      %dma_wait3A_853 = arith.constant 0 : i32
      %dma_wait3A_854 = arith.constant 0 : i32
      %dma_wait3A_855 = tpu.memref_slice %arg8[%dma_wait3A_837, %dma_wait3A_853, %dma_wait3A_854] : memref<4x200x64xf32, #tpu.memory_space<vmem>> -> memref<1x200x64xf32, #tpu.memory_space<vmem>>
      %dma_wait3A_856 = tpu.memref_squeeze %dma_wait3A_855 : memref<1x200x64xf32, #tpu.memory_space<vmem>> -> memref<200x64xf32, #tpu.memory_space<vmem>>
      tpu.wait_dma2 semaphore(%dma_wait3A_848 : memref<!tpu.dma_semaphore, #tpu.memory_space<semaphore_mem>>) src(%dma_wait3A_856 : memref<200x64xf32, #tpu.memory_space<vmem>>) dst(%dma_wait3A_852 : memref<200x64xf32, #tpu.memory_space<hbm>>)
      %add3A_857 = arith.constant 4 : i32
      %add3A_858 = arith.addi %add3A_780, %add3A_857 : i32
      %dma_start3A_859 = arith.constant 3 : i32
      %dma_start3A_860 = arith.constant 3 : i32
      %dma_start3A_861 = arith.constant 0 : i32
      %dma_start3A_862 = arith.constant 0 : i32
      %dma_start3A_863 = tpu.memref_slice %arg8[%dma_start3A_859, %dma_start3A_861, %dma_start3A_862] : memref<4x200x64xf32, #tpu.memory_space<vmem>> -> memref<1x128x64xf32, #tpu.memory_space<vmem>>
      %dma_start3A_864 = tpu.memref_squeeze %dma_start3A_863 : memref<1x128x64xf32, #tpu.memory_space<vmem>> -> memref<128x64xf32, #tpu.memory_space<vmem>>
      %dma_start3A_865 = arith.constant 0 : i32
      %dma_start3A_866 = tpu.memref_slice %arg6[%add3A_858, %dma_start3A_865] : memref<128x200xi32, #tpu.memory_space<vmem>> -> memref<1x128xi32, #tpu.memory_space<vmem>>
      %dma_start3A_867 = tpu.memref_squeeze %dma_start3A_866 : memref<1x128xi32, #tpu.memory_space<vmem>> -> memref<128xi32, #tpu.memory_space<vmem>>
      %dma_start3A_868 = arith.constant 0 : i32
      %dma_start3A_869 = arith.constant 0 : i32
      %dma_start3A_870 = tpu.memref_slice %arg3[%dma_start3A_868, %dma_start3A_869] : memref<100000x64xf32, #tpu.memory_space<hbm>> -> memref<100000x64xf32, #tpu.memory_space<hbm>>
      %dma_start3A_871 = tpu.memref_slice %arg9[%dma_start3A_860] : memref<4x!tpu.dma_semaphore, #tpu.memory_space<semaphore_mem>> -> memref<1x!tpu.dma_semaphore, #tpu.memory_space<semaphore_mem>>
      %dma_start3A_872 = tpu.memref_squeeze %dma_start3A_871 : memref<1x!tpu.dma_semaphore, #tpu.memory_space<semaphore_mem>> -> memref<!tpu.dma_semaphore, #tpu.memory_space<semaphore_mem>>
      tpu.enqueue_indirect_dma source(%dma_start3A_870 : memref<100000x64xf32, #tpu.memory_space<hbm>>) target(%dma_start3A_864 : memref<128x64xf32, #tpu.memory_space<vmem>>) offsets(%dma_start3A_867 : memref<128xi32, #tpu.memory_space<vmem>>) semaphore(%dma_start3A_872 : memref<!tpu.dma_semaphore, #tpu.memory_space<semaphore_mem>>)
      %dma_start3A_873 = arith.constant 3 : i32
      %dma_start3A_874 = arith.constant 3 : i32
      %dma_start3A_875 = arith.constant 128 : i32
      %dma_start3A_876 = arith.constant 0 : i32
      %dma_start3A_877 = tpu.memref_slice %arg8[%dma_start3A_873, %dma_start3A_875, %dma_start3A_876] : memref<4x200x64xf32, #tpu.memory_space<vmem>> -> memref<1x72x64xf32, #tpu.memory_space<vmem>>
      %dma_start3A_878 = tpu.memref_squeeze %dma_start3A_877 : memref<1x72x64xf32, #tpu.memory_space<vmem>> -> memref<72x64xf32, #tpu.memory_space<vmem>>
      %dma_start3A_879 = arith.constant 128 : i32
      %dma_start3A_880 = tpu.memref_slice %arg6[%add3A_858, %dma_start3A_879] : memref<128x200xi32, #tpu.memory_space<vmem>> -> memref<1x72xi32, #tpu.memory_space<vmem>>
      %dma_start3A_881 = tpu.memref_squeeze %dma_start3A_880 : memref<1x72xi32, #tpu.memory_space<vmem>> -> memref<72xi32, #tpu.memory_space<vmem>>
      %dma_start3A_882 = arith.constant 0 : i32
      %dma_start3A_883 = arith.constant 0 : i32
      %dma_start3A_884 = tpu.memref_slice %arg3[%dma_start3A_882, %dma_start3A_883] : memref<100000x64xf32, #tpu.memory_space<hbm>> -> memref<100000x64xf32, #tpu.memory_space<hbm>>
      %dma_start3A_885 = tpu.memref_slice %arg9[%dma_start3A_874] : memref<4x!tpu.dma_semaphore, #tpu.memory_space<semaphore_mem>> -> memref<1x!tpu.dma_semaphore, #tpu.memory_space<semaphore_mem>>
      %dma_start3A_886 = tpu.memref_squeeze %dma_start3A_885 : memref<1x!tpu.dma_semaphore, #tpu.memory_space<semaphore_mem>> -> memref<!tpu.dma_semaphore, #tpu.memory_space<semaphore_mem>>
      tpu.enqueue_indirect_dma source(%dma_start3A_884 : memref<100000x64xf32, #tpu.memory_space<hbm>>) target(%dma_start3A_878 : memref<72x64xf32, #tpu.memory_space<vmem>>) offsets(%dma_start3A_881 : memref<72xi32, #tpu.memory_space<vmem>>) semaphore(%dma_start3A_886 : memref<!tpu.dma_semaphore, #tpu.memory_space<semaphore_mem>>)
    }
    %scan3A_126 = arith.constant 31 : i32
    %dma_wait3A = arith.constant 124 : i32
    %dma_wait3A_127 = arith.constant 0 : i32
    %dma_wait3A_128 = arith.constant 0 : i32
    %dma_wait3A_129 = arith.constant 0 : i32
    %dma_wait3A_130 = arith.constant 0 : i32
    %dma_wait3A_131 = tpu.memref_slice %arg8[%dma_wait3A_127, %dma_wait3A_129, %dma_wait3A_130] : memref<4x200x64xf32, #tpu.memory_space<vmem>> -> memref<1x128x64xf32, #tpu.memory_space<vmem>>
    %dma_wait3A_132 = tpu.memref_squeeze %dma_wait3A_131 : memref<1x128x64xf32, #tpu.memory_space<vmem>> -> memref<128x64xf32, #tpu.memory_space<vmem>>
    %dma_wait3A_133 = arith.constant 0 : i32
    %dma_wait3A_134 = tpu.memref_slice %arg6[%dma_wait3A, %dma_wait3A_133] : memref<128x200xi32, #tpu.memory_space<vmem>> -> memref<1x128xi32, #tpu.memory_space<vmem>>
    %dma_wait3A_135 = tpu.memref_squeeze %dma_wait3A_134 : memref<1x128xi32, #tpu.memory_space<vmem>> -> memref<128xi32, #tpu.memory_space<vmem>>
    %dma_wait3A_136 = arith.constant 0 : i32
    %dma_wait3A_137 = arith.constant 0 : i32
    %dma_wait3A_138 = tpu.memref_slice %arg3[%dma_wait3A_136, %dma_wait3A_137] : memref<100000x64xf32, #tpu.memory_space<hbm>> -> memref<100000x64xf32, #tpu.memory_space<hbm>>
    %dma_wait3A_139 = tpu.memref_slice %arg9[%dma_wait3A_128] : memref<4x!tpu.dma_semaphore, #tpu.memory_space<semaphore_mem>> -> memref<1x!tpu.dma_semaphore, #tpu.memory_space<semaphore_mem>>
    %dma_wait3A_140 = tpu.memref_squeeze %dma_wait3A_139 : memref<1x!tpu.dma_semaphore, #tpu.memory_space<semaphore_mem>> -> memref<!tpu.dma_semaphore, #tpu.memory_space<semaphore_mem>>
    tpu.wait_indirect_dma semaphore(%dma_wait3A_140 : memref<!tpu.dma_semaphore, #tpu.memory_space<semaphore_mem>>) src(%dma_wait3A_138 : memref<100000x64xf32, #tpu.memory_space<hbm>>) dst(%dma_wait3A_132 : memref<128x64xf32, #tpu.memory_space<vmem>>)
    %dma_wait3A_141 = arith.constant 124 : i32
    %dma_wait3A_142 = arith.constant 0 : i32
    %dma_wait3A_143 = arith.constant 0 : i32
    %dma_wait3A_144 = arith.constant 128 : i32
    %dma_wait3A_145 = arith.constant 0 : i32
    %dma_wait3A_146 = tpu.memref_slice %arg8[%dma_wait3A_142, %dma_wait3A_144, %dma_wait3A_145] : memref<4x200x64xf32, #tpu.memory_space<vmem>> -> memref<1x72x64xf32, #tpu.memory_space<vmem>>
    %dma_wait3A_147 = tpu.memref_squeeze %dma_wait3A_146 : memref<1x72x64xf32, #tpu.memory_space<vmem>> -> memref<72x64xf32, #tpu.memory_space<vmem>>
    %dma_wait3A_148 = arith.constant 128 : i32
    %dma_wait3A_149 = tpu.memref_slice %arg6[%dma_wait3A_141, %dma_wait3A_148] : memref<128x200xi32, #tpu.memory_space<vmem>> -> memref<1x72xi32, #tpu.memory_space<vmem>>
    %dma_wait3A_150 = tpu.memref_squeeze %dma_wait3A_149 : memref<1x72xi32, #tpu.memory_space<vmem>> -> memref<72xi32, #tpu.memory_space<vmem>>
    %dma_wait3A_151 = arith.constant 0 : i32
    %dma_wait3A_152 = arith.constant 0 : i32
    %dma_wait3A_153 = tpu.memref_slice %arg3[%dma_wait3A_151, %dma_wait3A_152] : memref<100000x64xf32, #tpu.memory_space<hbm>> -> memref<100000x64xf32, #tpu.memory_space<hbm>>
    %dma_wait3A_154 = tpu.memref_slice %arg9[%dma_wait3A_143] : memref<4x!tpu.dma_semaphore, #tpu.memory_space<semaphore_mem>> -> memref<1x!tpu.dma_semaphore, #tpu.memory_space<semaphore_mem>>
    %dma_wait3A_155 = tpu.memref_squeeze %dma_wait3A_154 : memref<1x!tpu.dma_semaphore, #tpu.memory_space<semaphore_mem>> -> memref<!tpu.dma_semaphore, #tpu.memory_space<semaphore_mem>>
    tpu.wait_indirect_dma semaphore(%dma_wait3A_155 : memref<!tpu.dma_semaphore, #tpu.memory_space<semaphore_mem>>) src(%dma_wait3A_153 : memref<100000x64xf32, #tpu.memory_space<hbm>>) dst(%dma_wait3A_147 : memref<72x64xf32, #tpu.memory_space<vmem>>)
    %scan3A_156 = arith.constant 0 : i32
    %scan3A_157 = arith.constant 0 : i32
    %scan3A_158 = arith.constant 200 : i32
    %scan3A_159 = arith.addi %scan3A_157, %scan3A_158 : i32
    %scan3A_160 = arith.constant 1 : i32
    scf.for %scan3A_446 = %scan3A_157 to %scan3A_159 step %scan3A_160  : i32 {
      %get3A = arith.constant 0 : i32
      %get3A_447 = arith.index_cast %get3A : i32 to index
      %get3A_448 = arith.index_cast %scan3A_446 : i32 to index
      %get3A_449 = arith.constant 0 : index
      %get3A_450 = tpu.vector_load %arg8[%get3A_447, %get3A_448, %get3A_449] {strides = array<i32>} : memref<4x200x64xf32, #tpu.memory_space<vmem>>, vector<1x1x16xf32>,
      %get3A_451 = vector.shape_cast %get3A_450 : vector<1x1x16xf32> to vector<16xf32>
      %get3A_452 = arith.index_cast %scan3A_446 : i32 to index
      %get3A_453 = arith.constant 0 : index
      %get3A_454 = tpu.vector_load %arg7[%get3A_452, %get3A_453] {strides = array<i32>} : memref<200x64xf32, #tpu.memory_space<vmem>>, vector<1x16xf32>,
      %get3A_455 = vector.shape_cast %get3A_454 : vector<1x16xf32> to vector<16xf32>
      %add3A_456 = arith.addf %get3A_451, %get3A_455 : vector<16xf32>
      %swap3A = arith.constant 0 : i32
      %swap3A_457 = arith.index_cast %swap3A : i32 to index
      %swap3A_458 = arith.index_cast %scan3A_446 : i32 to index
      %swap3A_459 = arith.constant 0 : index
      %swap3A_460 = tpu.vector_load %arg8[%swap3A_457, %swap3A_458, %swap3A_459] {strides = array<i32>} : memref<4x200x64xf32, #tpu.memory_space<vmem>>, vector<1x1x16xf32>,
      %swap3A_461 = vector.shape_cast %swap3A_460 : vector<1x1x16xf32> to vector<16xf32>
      %swap3A_462 = vector.shape_cast %add3A_456 : vector<16xf32> to vector<1x1x16xf32>
      tpu.vector_store %arg8[%swap3A_457, %swap3A_458, %swap3A_459], %swap3A_462 {strides = array<i32>} : memref<4x200x64xf32, #tpu.memory_space<vmem>>, vector<1x1x16xf32>,
      %get3A_463 = arith.constant 0 : i32
      %get3A_464 = arith.index_cast %get3A_463 : i32 to index
      %get3A_465 = arith.index_cast %scan3A_446 : i32 to index
      %get3A_466 = arith.constant 16 : index
      %get3A_467 = tpu.vector_load %arg8[%get3A_464, %get3A_465, %get3A_466] {strides = array<i32>} : memref<4x200x64xf32, #tpu.memory_space<vmem>>, vector<1x1x16xf32>,
      %get3A_468 = vector.shape_cast %get3A_467 : vector<1x1x16xf32> to vector<16xf32>
      %get3A_469 = arith.index_cast %scan3A_446 : i32 to index
      %get3A_470 = arith.constant 16 : index
      %get3A_471 = tpu.vector_load %arg7[%get3A_469, %get3A_470] {strides = array<i32>} : memref<200x64xf32, #tpu.memory_space<vmem>>, vector<1x16xf32>,
      %get3A_472 = vector.shape_cast %get3A_471 : vector<1x16xf32> to vector<16xf32>
      %add3A_473 = arith.addf %get3A_468, %get3A_472 : vector<16xf32>
      %swap3A_474 = arith.constant 0 : i32
      %swap3A_475 = arith.index_cast %swap3A_474 : i32 to index
      %swap3A_476 = arith.index_cast %scan3A_446 : i32 to index
      %swap3A_477 = arith.constant 16 : index
      %swap3A_478 = tpu.vector_load %arg8[%swap3A_475, %swap3A_476, %swap3A_477] {strides = array<i32>} : memref<4x200x64xf32, #tpu.memory_space<vmem>>, vector<1x1x16xf32>,
      %swap3A_479 = vector.shape_cast %swap3A_478 : vector<1x1x16xf32> to vector<16xf32>
      %swap3A_480 = vector.shape_cast %add3A_473 : vector<16xf32> to vector<1x1x16xf32>
      tpu.vector_store %arg8[%swap3A_475, %swap3A_476, %swap3A_477], %swap3A_480 {strides = array<i32>} : memref<4x200x64xf32, #tpu.memory_space<vmem>>, vector<1x1x16xf32>,
      %get3A_481 = arith.constant 0 : i32
      %get3A_482 = arith.index_cast %get3A_481 : i32 to index
      %get3A_483 = arith.index_cast %scan3A_446 : i32 to index
      %get3A_484 = arith.constant 32 : index
      %get3A_485 = tpu.vector_load %arg8[%get3A_482, %get3A_483, %get3A_484] {strides = array<i32>} : memref<4x200x64xf32, #tpu.memory_space<vmem>>, vector<1x1x16xf32>,
      %get3A_486 = vector.shape_cast %get3A_485 : vector<1x1x16xf32> to vector<16xf32>
      %get3A_487 = arith.index_cast %scan3A_446 : i32 to index
      %get3A_488 = arith.constant 32 : index
      %get3A_489 = tpu.vector_load %arg7[%get3A_487, %get3A_488] {strides = array<i32>} : memref<200x64xf32, #tpu.memory_space<vmem>>, vector<1x16xf32>,
      %get3A_490 = vector.shape_cast %get3A_489 : vector<1x16xf32> to vector<16xf32>
      %add3A_491 = arith.addf %get3A_486, %get3A_490 : vector<16xf32>
      %swap3A_492 = arith.constant 0 : i32
      %swap3A_493 = arith.index_cast %swap3A_492 : i32 to index
      %swap3A_494 = arith.index_cast %scan3A_446 : i32 to index
      %swap3A_495 = arith.constant 32 : index
      %swap3A_496 = tpu.vector_load %arg8[%swap3A_493, %swap3A_494, %swap3A_495] {strides = array<i32>} : memref<4x200x64xf32, #tpu.memory_space<vmem>>, vector<1x1x16xf32>,
      %swap3A_497 = vector.shape_cast %swap3A_496 : vector<1x1x16xf32> to vector<16xf32>
      %swap3A_498 = vector.shape_cast %add3A_491 : vector<16xf32> to vector<1x1x16xf32>
      tpu.vector_store %arg8[%swap3A_493, %swap3A_494, %swap3A_495], %swap3A_498 {strides = array<i32>} : memref<4x200x64xf32, #tpu.memory_space<vmem>>, vector<1x1x16xf32>,
      %get3A_499 = arith.constant 0 : i32
      %get3A_500 = arith.index_cast %get3A_499 : i32 to index
      %get3A_501 = arith.index_cast %scan3A_446 : i32 to index
      %get3A_502 = arith.constant 48 : index
      %get3A_503 = tpu.vector_load %arg8[%get3A_500, %get3A_501, %get3A_502] {strides = array<i32>} : memref<4x200x64xf32, #tpu.memory_space<vmem>>, vector<1x1x16xf32>,
      %get3A_504 = vector.shape_cast %get3A_503 : vector<1x1x16xf32> to vector<16xf32>
      %get3A_505 = arith.index_cast %scan3A_446 : i32 to index
      %get3A_506 = arith.constant 48 : index
      %get3A_507 = tpu.vector_load %arg7[%get3A_505, %get3A_506] {strides = array<i32>} : memref<200x64xf32, #tpu.memory_space<vmem>>, vector<1x16xf32>,
      %get3A_508 = vector.shape_cast %get3A_507 : vector<1x16xf32> to vector<16xf32>
      %add3A_509 = arith.addf %get3A_504, %get3A_508 : vector<16xf32>
      %swap3A_510 = arith.constant 0 : i32
      %swap3A_511 = arith.index_cast %swap3A_510 : i32 to index
      %swap3A_512 = arith.index_cast %scan3A_446 : i32 to index
      %swap3A_513 = arith.constant 48 : index
      %swap3A_514 = tpu.vector_load %arg8[%swap3A_511, %swap3A_512, %swap3A_513] {strides = array<i32>} : memref<4x200x64xf32, #tpu.memory_space<vmem>>, vector<1x1x16xf32>,
      %swap3A_515 = vector.shape_cast %swap3A_514 : vector<1x1x16xf32> to vector<16xf32>
      %swap3A_516 = vector.shape_cast %add3A_509 : vector<16xf32> to vector<1x1x16xf32>
      tpu.vector_store %arg8[%swap3A_511, %swap3A_512, %swap3A_513], %swap3A_516 {strides = array<i32>} : memref<4x200x64xf32, #tpu.memory_space<vmem>>, vector<1x1x16xf32>,
    }
    %scan3A_161 = arith.constant 200 : i32
    %add3A_162 = arith.constant 124 : i32
    %add3A_163 = arith.addi %mul3A_2, %add3A_162 : i32
    %dma_start3A_164 = arith.constant 0 : i32
    %dma_start3A_165 = arith.constant 0 : i32
    %dma_start3A_166 = arith.constant 0 : i32
    %dma_start3A_167 = arith.constant 0 : i32
    %dma_start3A_168 = tpu.memref_slice %arg8[%dma_start3A_164, %dma_start3A_166, %dma_start3A_167] : memref<4x200x64xf32, #tpu.memory_space<vmem>> -> memref<1x200x64xf32, #tpu.memory_space<vmem>>
    %dma_start3A_169 = tpu.memref_squeeze %dma_start3A_168 : memref<1x200x64xf32, #tpu.memory_space<vmem>> -> memref<200x64xf32, #tpu.memory_space<vmem>>
    %dma_start3A_170 = arith.constant 0 : i32
    %dma_start3A_171 = arith.constant 0 : i32
    %dma_start3A_172 = tpu.memref_slice %arg5[%add3A_163, %dma_start3A_170, %dma_start3A_171] : memref<4096x200x64xf32, #tpu.memory_space<hbm>> -> memref<1x200x64xf32, #tpu.memory_space<hbm>>
    %dma_start3A_173 = tpu.memref_squeeze %dma_start3A_172 : memref<1x200x64xf32, #tpu.memory_space<hbm>> -> memref<200x64xf32, #tpu.memory_space<hbm>>
    %dma_start3A_174 = tpu.memref_slice %arg10[%dma_start3A_165] : memref<4x!tpu.dma_semaphore, #tpu.memory_space<semaphore_mem>> -> memref<1x!tpu.dma_semaphore, #tpu.memory_space<semaphore_mem>>
    %dma_start3A_175 = tpu.memref_squeeze %dma_start3A_174 : memref<1x!tpu.dma_semaphore, #tpu.memory_space<semaphore_mem>> -> memref<!tpu.dma_semaphore, #tpu.memory_space<semaphore_mem>>
    %dma_start3A_176 = arith.constant 0 : i32
    %dma_start3A_177 = arith.constant 0 : i32
    %dma_start3A_178 = tpu.memref_slice %arg5[%add3A_163, %dma_start3A_176, %dma_start3A_177] : memref<4096x200x64xf32, #tpu.memory_space<hbm>> -> memref<1x200x64xf32, #tpu.memory_space<hbm>>
    %dma_start3A_179 = tpu.memref_squeeze %dma_start3A_178 : memref<1x200x64xf32, #tpu.memory_space<hbm>> -> memref<200x64xf32, #tpu.memory_space<hbm>>
    %dma_start3A_180 = arith.constant 0 : i32
    %dma_start3A_181 = arith.constant 0 : i32
    %dma_start3A_182 = tpu.memref_slice %arg8[%dma_start3A_164, %dma_start3A_180, %dma_start3A_181] : memref<4x200x64xf32, #tpu.memory_space<vmem>> -> memref<1x200x64xf32, #tpu.memory_space<vmem>>
    %dma_start3A_183 = tpu.memref_squeeze %dma_start3A_182 : memref<1x200x64xf32, #tpu.memory_space<vmem>> -> memref<200x64xf32, #tpu.memory_space<vmem>>
    tpu.enqueue_dma source(%dma_start3A_183 : memref<200x64xf32, #tpu.memory_space<vmem>>) target(%dma_start3A_179 : memref<200x64xf32, #tpu.memory_space<hbm>>) target_semaphore(%dma_start3A_175 : memref<!tpu.dma_semaphore, #tpu.memory_space<semaphore_mem>>)
    %dma_wait3A_184 = arith.constant 125 : i32
    %dma_wait3A_185 = arith.constant 1 : i32
    %dma_wait3A_186 = arith.constant 1 : i32
    %dma_wait3A_187 = arith.constant 0 : i32
    %dma_wait3A_188 = arith.constant 0 : i32
    %dma_wait3A_189 = tpu.memref_slice %arg8[%dma_wait3A_185, %dma_wait3A_187, %dma_wait3A_188] : memref<4x200x64xf32, #tpu.memory_space<vmem>> -> memref<1x128x64xf32, #tpu.memory_space<vmem>>
    %dma_wait3A_190 = tpu.memref_squeeze %dma_wait3A_189 : memref<1x128x64xf32, #tpu.memory_space<vmem>> -> memref<128x64xf32, #tpu.memory_space<vmem>>
    %dma_wait3A_191 = arith.constant 0 : i32
    %dma_wait3A_192 = tpu.memref_slice %arg6[%dma_wait3A_184, %dma_wait3A_191] : memref<128x200xi32, #tpu.memory_space<vmem>> -> memref<1x128xi32, #tpu.memory_space<vmem>>
    %dma_wait3A_193 = tpu.memref_squeeze %dma_wait3A_192 : memref<1x128xi32, #tpu.memory_space<vmem>> -> memref<128xi32, #tpu.memory_space<vmem>>
    %dma_wait3A_194 = arith.constant 0 : i32
    %dma_wait3A_195 = arith.constant 0 : i32
    %dma_wait3A_196 = tpu.memref_slice %arg3[%dma_wait3A_194, %dma_wait3A_195] : memref<100000x64xf32, #tpu.memory_space<hbm>> -> memref<100000x64xf32, #tpu.memory_space<hbm>>
    %dma_wait3A_197 = tpu.memref_slice %arg9[%dma_wait3A_186] : memref<4x!tpu.dma_semaphore, #tpu.memory_space<semaphore_mem>> -> memref<1x!tpu.dma_semaphore, #tpu.memory_space<semaphore_mem>>
    %dma_wait3A_198 = tpu.memref_squeeze %dma_wait3A_197 : memref<1x!tpu.dma_semaphore, #tpu.memory_space<semaphore_mem>> -> memref<!tpu.dma_semaphore, #tpu.memory_space<semaphore_mem>>
    tpu.wait_indirect_dma semaphore(%dma_wait3A_198 : memref<!tpu.dma_semaphore, #tpu.memory_space<semaphore_mem>>) src(%dma_wait3A_196 : memref<100000x64xf32, #tpu.memory_space<hbm>>) dst(%dma_wait3A_190 : memref<128x64xf32, #tpu.memory_space<vmem>>)
    %dma_wait3A_199 = arith.constant 125 : i32
    %dma_wait3A_200 = arith.constant 1 : i32
    %dma_wait3A_201 = arith.constant 1 : i32
    %dma_wait3A_202 = arith.constant 128 : i32
    %dma_wait3A_203 = arith.constant 0 : i32
    %dma_wait3A_204 = tpu.memref_slice %arg8[%dma_wait3A_200, %dma_wait3A_202, %dma_wait3A_203] : memref<4x200x64xf32, #tpu.memory_space<vmem>> -> memref<1x72x64xf32, #tpu.memory_space<vmem>>
    %dma_wait3A_205 = tpu.memref_squeeze %dma_wait3A_204 : memref<1x72x64xf32, #tpu.memory_space<vmem>> -> memref<72x64xf32, #tpu.memory_space<vmem>>
    %dma_wait3A_206 = arith.constant 128 : i32
    %dma_wait3A_207 = tpu.memref_slice %arg6[%dma_wait3A_199, %dma_wait3A_206] : memref<128x200xi32, #tpu.memory_space<vmem>> -> memref<1x72xi32, #tpu.memory_space<vmem>>
    %dma_wait3A_208 = tpu.memref_squeeze %dma_wait3A_207 : memref<1x72xi32, #tpu.memory_space<vmem>> -> memref<72xi32, #tpu.memory_space<vmem>>
    %dma_wait3A_209 = arith.constant 0 : i32
    %dma_wait3A_210 = arith.constant 0 : i32
    %dma_wait3A_211 = tpu.memref_slice %arg3[%dma_wait3A_209, %dma_wait3A_210] : memref<100000x64xf32, #tpu.memory_space<hbm>> -> memref<100000x64xf32, #tpu.memory_space<hbm>>
    %dma_wait3A_212 = tpu.memref_slice %arg9[%dma_wait3A_201] : memref<4x!tpu.dma_semaphore, #tpu.memory_space<semaphore_mem>> -> memref<1x!tpu.dma_semaphore, #tpu.memory_space<semaphore_mem>>
    %dma_wait3A_213 = tpu.memref_squeeze %dma_wait3A_212 : memref<1x!tpu.dma_semaphore, #tpu.memory_space<semaphore_mem>> -> memref<!tpu.dma_semaphore, #tpu.memory_space<semaphore_mem>>
    tpu.wait_indirect_dma semaphore(%dma_wait3A_213 : memref<!tpu.dma_semaphore, #tpu.memory_space<semaphore_mem>>) src(%dma_wait3A_211 : memref<100000x64xf32, #tpu.memory_space<hbm>>) dst(%dma_wait3A_205 : memref<72x64xf32, #tpu.memory_space<vmem>>)
    %scan3A_214 = arith.constant 0 : i32
    %scan3A_215 = arith.constant 0 : i32
    %scan3A_216 = arith.constant 200 : i32
    %scan3A_217 = arith.addi %scan3A_215, %scan3A_216 : i32
    %scan3A_218 = arith.constant 1 : i32
    scf.for %scan3A_446 = %scan3A_215 to %scan3A_217 step %scan3A_218  : i32 {
      %get3A = arith.constant 1 : i32
      %get3A_447 = arith.index_cast %get3A : i32 to index
      %get3A_448 = arith.index_cast %scan3A_446 : i32 to index
      %get3A_449 = arith.constant 0 : index
      %get3A_450 = tpu.vector_load %arg8[%get3A_447, %get3A_448, %get3A_449] {strides = array<i32>} : memref<4x200x64xf32, #tpu.memory_space<vmem>>, vector<1x1x16xf32>,
      %get3A_451 = vector.shape_cast %get3A_450 : vector<1x1x16xf32> to vector<16xf32>
      %get3A_452 = arith.index_cast %scan3A_446 : i32 to index
      %get3A_453 = arith.constant 0 : index
      %get3A_454 = tpu.vector_load %arg7[%get3A_452, %get3A_453] {strides = array<i32>} : memref<200x64xf32, #tpu.memory_space<vmem>>, vector<1x16xf32>,
      %get3A_455 = vector.shape_cast %get3A_454 : vector<1x16xf32> to vector<16xf32>
      %add3A_456 = arith.addf %get3A_451, %get3A_455 : vector<16xf32>
      %swap3A = arith.constant 1 : i32
      %swap3A_457 = arith.index_cast %swap3A : i32 to index
      %swap3A_458 = arith.index_cast %scan3A_446 : i32 to index
      %swap3A_459 = arith.constant 0 : index
      %swap3A_460 = tpu.vector_load %arg8[%swap3A_457, %swap3A_458, %swap3A_459] {strides = array<i32>} : memref<4x200x64xf32, #tpu.memory_space<vmem>>, vector<1x1x16xf32>,
      %swap3A_461 = vector.shape_cast %swap3A_460 : vector<1x1x16xf32> to vector<16xf32>
      %swap3A_462 = vector.shape_cast %add3A_456 : vector<16xf32> to vector<1x1x16xf32>
      tpu.vector_store %arg8[%swap3A_457, %swap3A_458, %swap3A_459], %swap3A_462 {strides = array<i32>} : memref<4x200x64xf32, #tpu.memory_space<vmem>>, vector<1x1x16xf32>,
      %get3A_463 = arith.constant 1 : i32
      %get3A_464 = arith.index_cast %get3A_463 : i32 to index
      %get3A_465 = arith.index_cast %scan3A_446 : i32 to index
      %get3A_466 = arith.constant 16 : index
      %get3A_467 = tpu.vector_load %arg8[%get3A_464, %get3A_465, %get3A_466] {strides = array<i32>} : memref<4x200x64xf32, #tpu.memory_space<vmem>>, vector<1x1x16xf32>,
      %get3A_468 = vector.shape_cast %get3A_467 : vector<1x1x16xf32> to vector<16xf32>
      %get3A_469 = arith.index_cast %scan3A_446 : i32 to index
      %get3A_470 = arith.constant 16 : index
      %get3A_471 = tpu.vector_load %arg7[%get3A_469, %get3A_470] {strides = array<i32>} : memref<200x64xf32, #tpu.memory_space<vmem>>, vector<1x16xf32>,
      %get3A_472 = vector.shape_cast %get3A_471 : vector<1x16xf32> to vector<16xf32>
      %add3A_473 = arith.addf %get3A_468, %get3A_472 : vector<16xf32>
      %swap3A_474 = arith.constant 1 : i32
      %swap3A_475 = arith.index_cast %swap3A_474 : i32 to index
      %swap3A_476 = arith.index_cast %scan3A_446 : i32 to index
      %swap3A_477 = arith.constant 16 : index
      %swap3A_478 = tpu.vector_load %arg8[%swap3A_475, %swap3A_476, %swap3A_477] {strides = array<i32>} : memref<4x200x64xf32, #tpu.memory_space<vmem>>, vector<1x1x16xf32>,
      %swap3A_479 = vector.shape_cast %swap3A_478 : vector<1x1x16xf32> to vector<16xf32>
      %swap3A_480 = vector.shape_cast %add3A_473 : vector<16xf32> to vector<1x1x16xf32>
      tpu.vector_store %arg8[%swap3A_475, %swap3A_476, %swap3A_477], %swap3A_480 {strides = array<i32>} : memref<4x200x64xf32, #tpu.memory_space<vmem>>, vector<1x1x16xf32>,
      %get3A_481 = arith.constant 1 : i32
      %get3A_482 = arith.index_cast %get3A_481 : i32 to index
      %get3A_483 = arith.index_cast %scan3A_446 : i32 to index
      %get3A_484 = arith.constant 32 : index
      %get3A_485 = tpu.vector_load %arg8[%get3A_482, %get3A_483, %get3A_484] {strides = array<i32>} : memref<4x200x64xf32, #tpu.memory_space<vmem>>, vector<1x1x16xf32>,
      %get3A_486 = vector.shape_cast %get3A_485 : vector<1x1x16xf32> to vector<16xf32>
      %get3A_487 = arith.index_cast %scan3A_446 : i32 to index
      %get3A_488 = arith.constant 32 : index
      %get3A_489 = tpu.vector_load %arg7[%get3A_487, %get3A_488] {strides = array<i32>} : memref<200x64xf32, #tpu.memory_space<vmem>>, vector<1x16xf32>,
      %get3A_490 = vector.shape_cast %get3A_489 : vector<1x16xf32> to vector<16xf32>
      %add3A_491 = arith.addf %get3A_486, %get3A_490 : vector<16xf32>
      %swap3A_492 = arith.constant 1 : i32
      %swap3A_493 = arith.index_cast %swap3A_492 : i32 to index
      %swap3A_494 = arith.index_cast %scan3A_446 : i32 to index
      %swap3A_495 = arith.constant 32 : index
      %swap3A_496 = tpu.vector_load %arg8[%swap3A_493, %swap3A_494, %swap3A_495] {strides = array<i32>} : memref<4x200x64xf32, #tpu.memory_space<vmem>>, vector<1x1x16xf32>,
      %swap3A_497 = vector.shape_cast %swap3A_496 : vector<1x1x16xf32> to vector<16xf32>
      %swap3A_498 = vector.shape_cast %add3A_491 : vector<16xf32> to vector<1x1x16xf32>
      tpu.vector_store %arg8[%swap3A_493, %swap3A_494, %swap3A_495], %swap3A_498 {strides = array<i32>} : memref<4x200x64xf32, #tpu.memory_space<vmem>>, vector<1x1x16xf32>,
      %get3A_499 = arith.constant 1 : i32
      %get3A_500 = arith.index_cast %get3A_499 : i32 to index
      %get3A_501 = arith.index_cast %scan3A_446 : i32 to index
      %get3A_502 = arith.constant 48 : index
      %get3A_503 = tpu.vector_load %arg8[%get3A_500, %get3A_501, %get3A_502] {strides = array<i32>} : memref<4x200x64xf32, #tpu.memory_space<vmem>>, vector<1x1x16xf32>,
      %get3A_504 = vector.shape_cast %get3A_503 : vector<1x1x16xf32> to vector<16xf32>
      %get3A_505 = arith.index_cast %scan3A_446 : i32 to index
      %get3A_506 = arith.constant 48 : index
      %get3A_507 = tpu.vector_load %arg7[%get3A_505, %get3A_506] {strides = array<i32>} : memref<200x64xf32, #tpu.memory_space<vmem>>, vector<1x16xf32>,
      %get3A_508 = vector.shape_cast %get3A_507 : vector<1x16xf32> to vector<16xf32>
      %add3A_509 = arith.addf %get3A_504, %get3A_508 : vector<16xf32>
      %swap3A_510 = arith.constant 1 : i32
      %swap3A_511 = arith.index_cast %swap3A_510 : i32 to index
      %swap3A_512 = arith.index_cast %scan3A_446 : i32 to index
      %swap3A_513 = arith.constant 48 : index
      %swap3A_514 = tpu.vector_load %arg8[%swap3A_511, %swap3A_512, %swap3A_513] {strides = array<i32>} : memref<4x200x64xf32, #tpu.memory_space<vmem>>, vector<1x1x16xf32>,
      %swap3A_515 = vector.shape_cast %swap3A_514 : vector<1x1x16xf32> to vector<16xf32>
      %swap3A_516 = vector.shape_cast %add3A_509 : vector<16xf32> to vector<1x1x16xf32>
      tpu.vector_store %arg8[%swap3A_511, %swap3A_512, %swap3A_513], %swap3A_516 {strides = array<i32>} : memref<4x200x64xf32, #tpu.memory_space<vmem>>, vector<1x1x16xf32>,
    }
    %scan3A_219 = arith.constant 200 : i32
    %add3A_220 = arith.constant 125 : i32
    %add3A_221 = arith.addi %mul3A_2, %add3A_220 : i32
    %dma_start3A_222 = arith.constant 1 : i32
    %dma_start3A_223 = arith.constant 1 : i32
    %dma_start3A_224 = arith.constant 0 : i32
    %dma_start3A_225 = arith.constant 0 : i32
    %dma_start3A_226 = tpu.memref_slice %arg8[%dma_start3A_222, %dma_start3A_224, %dma_start3A_225] : memref<4x200x64xf32, #tpu.memory_space<vmem>> -> memref<1x200x64xf32, #tpu.memory_space<vmem>>
    %dma_start3A_227 = tpu.memref_squeeze %dma_start3A_226 : memref<1x200x64xf32, #tpu.memory_space<vmem>> -> memref<200x64xf32, #tpu.memory_space<vmem>>
    %dma_start3A_228 = arith.constant 0 : i32
    %dma_start3A_229 = arith.constant 0 : i32
    %dma_start3A_230 = tpu.memref_slice %arg5[%add3A_221, %dma_start3A_228, %dma_start3A_229] : memref<4096x200x64xf32, #tpu.memory_space<hbm>> -> memref<1x200x64xf32, #tpu.memory_space<hbm>>
    %dma_start3A_231 = tpu.memref_squeeze %dma_start3A_230 : memref<1x200x64xf32, #tpu.memory_space<hbm>> -> memref<200x64xf32, #tpu.memory_space<hbm>>
    %dma_start3A_232 = tpu.memref_slice %arg10[%dma_start3A_223] : memref<4x!tpu.dma_semaphore, #tpu.memory_space<semaphore_mem>> -> memref<1x!tpu.dma_semaphore, #tpu.memory_space<semaphore_mem>>
    %dma_start3A_233 = tpu.memref_squeeze %dma_start3A_232 : memref<1x!tpu.dma_semaphore, #tpu.memory_space<semaphore_mem>> -> memref<!tpu.dma_semaphore, #tpu.memory_space<semaphore_mem>>
    %dma_start3A_234 = arith.constant 0 : i32
    %dma_start3A_235 = arith.constant 0 : i32
    %dma_start3A_236 = tpu.memref_slice %arg5[%add3A_221, %dma_start3A_234, %dma_start3A_235] : memref<4096x200x64xf32, #tpu.memory_space<hbm>> -> memref<1x200x64xf32, #tpu.memory_space<hbm>>
    %dma_start3A_237 = tpu.memref_squeeze %dma_start3A_236 : memref<1x200x64xf32, #tpu.memory_space<hbm>> -> memref<200x64xf32, #tpu.memory_space<hbm>>
    %dma_start3A_238 = arith.constant 0 : i32
    %dma_start3A_239 = arith.constant 0 : i32
    %dma_start3A_240 = tpu.memref_slice %arg8[%dma_start3A_222, %dma_start3A_238, %dma_start3A_239] : memref<4x200x64xf32, #tpu.memory_space<vmem>> -> memref<1x200x64xf32, #tpu.memory_space<vmem>>
    %dma_start3A_241 = tpu.memref_squeeze %dma_start3A_240 : memref<1x200x64xf32, #tpu.memory_space<vmem>> -> memref<200x64xf32, #tpu.memory_space<vmem>>
    tpu.enqueue_dma source(%dma_start3A_241 : memref<200x64xf32, #tpu.memory_space<vmem>>) target(%dma_start3A_237 : memref<200x64xf32, #tpu.memory_space<hbm>>) target_semaphore(%dma_start3A_233 : memref<!tpu.dma_semaphore, #tpu.memory_space<semaphore_mem>>)
    %dma_wait3A_242 = arith.constant 126 : i32
    %dma_wait3A_243 = arith.constant 2 : i32
    %dma_wait3A_244 = arith.constant 2 : i32
    %dma_wait3A_245 = arith.constant 0 : i32
    %dma_wait3A_246 = arith.constant 0 : i32
    %dma_wait3A_247 = tpu.memref_slice %arg8[%dma_wait3A_243, %dma_wait3A_245, %dma_wait3A_246] : memref<4x200x64xf32, #tpu.memory_space<vmem>> -> memref<1x128x64xf32, #tpu.memory_space<vmem>>
    %dma_wait3A_248 = tpu.memref_squeeze %dma_wait3A_247 : memref<1x128x64xf32, #tpu.memory_space<vmem>> -> memref<128x64xf32, #tpu.memory_space<vmem>>
    %dma_wait3A_249 = arith.constant 0 : i32
    %dma_wait3A_250 = tpu.memref_slice %arg6[%dma_wait3A_242, %dma_wait3A_249] : memref<128x200xi32, #tpu.memory_space<vmem>> -> memref<1x128xi32, #tpu.memory_space<vmem>>
    %dma_wait3A_251 = tpu.memref_squeeze %dma_wait3A_250 : memref<1x128xi32, #tpu.memory_space<vmem>> -> memref<128xi32, #tpu.memory_space<vmem>>
    %dma_wait3A_252 = arith.constant 0 : i32
    %dma_wait3A_253 = arith.constant 0 : i32
    %dma_wait3A_254 = tpu.memref_slice %arg3[%dma_wait3A_252, %dma_wait3A_253] : memref<100000x64xf32, #tpu.memory_space<hbm>> -> memref<100000x64xf32, #tpu.memory_space<hbm>>
    %dma_wait3A_255 = tpu.memref_slice %arg9[%dma_wait3A_244] : memref<4x!tpu.dma_semaphore, #tpu.memory_space<semaphore_mem>> -> memref<1x!tpu.dma_semaphore, #tpu.memory_space<semaphore_mem>>
    %dma_wait3A_256 = tpu.memref_squeeze %dma_wait3A_255 : memref<1x!tpu.dma_semaphore, #tpu.memory_space<semaphore_mem>> -> memref<!tpu.dma_semaphore, #tpu.memory_space<semaphore_mem>>
    tpu.wait_indirect_dma semaphore(%dma_wait3A_256 : memref<!tpu.dma_semaphore, #tpu.memory_space<semaphore_mem>>) src(%dma_wait3A_254 : memref<100000x64xf32, #tpu.memory_space<hbm>>) dst(%dma_wait3A_248 : memref<128x64xf32, #tpu.memory_space<vmem>>)
    %dma_wait3A_257 = arith.constant 126 : i32
    %dma_wait3A_258 = arith.constant 2 : i32
    %dma_wait3A_259 = arith.constant 2 : i32
    %dma_wait3A_260 = arith.constant 128 : i32
    %dma_wait3A_261 = arith.constant 0 : i32
    %dma_wait3A_262 = tpu.memref_slice %arg8[%dma_wait3A_258, %dma_wait3A_260, %dma_wait3A_261] : memref<4x200x64xf32, #tpu.memory_space<vmem>> -> memref<1x72x64xf32, #tpu.memory_space<vmem>>
    %dma_wait3A_263 = tpu.memref_squeeze %dma_wait3A_262 : memref<1x72x64xf32, #tpu.memory_space<vmem>> -> memref<72x64xf32, #tpu.memory_space<vmem>>
    %dma_wait3A_264 = arith.constant 128 : i32
    %dma_wait3A_265 = tpu.memref_slice %arg6[%dma_wait3A_257, %dma_wait3A_264] : memref<128x200xi32, #tpu.memory_space<vmem>> -> memref<1x72xi32, #tpu.memory_space<vmem>>
    %dma_wait3A_266 = tpu.memref_squeeze %dma_wait3A_265 : memref<1x72xi32, #tpu.memory_space<vmem>> -> memref<72xi32, #tpu.memory_space<vmem>>
    %dma_wait3A_267 = arith.constant 0 : i32
    %dma_wait3A_268 = arith.constant 0 : i32
    %dma_wait3A_269 = tpu.memref_slice %arg3[%dma_wait3A_267, %dma_wait3A_268] : memref<100000x64xf32, #tpu.memory_space<hbm>> -> memref<100000x64xf32, #tpu.memory_space<hbm>>
    %dma_wait3A_270 = tpu.memref_slice %arg9[%dma_wait3A_259] : memref<4x!tpu.dma_semaphore, #tpu.memory_space<semaphore_mem>> -> memref<1x!tpu.dma_semaphore, #tpu.memory_space<semaphore_mem>>
    %dma_wait3A_271 = tpu.memref_squeeze %dma_wait3A_270 : memref<1x!tpu.dma_semaphore, #tpu.memory_space<semaphore_mem>> -> memref<!tpu.dma_semaphore, #tpu.memory_space<semaphore_mem>>
    tpu.wait_indirect_dma semaphore(%dma_wait3A_271 : memref<!tpu.dma_semaphore, #tpu.memory_space<semaphore_mem>>) src(%dma_wait3A_269 : memref<100000x64xf32, #tpu.memory_space<hbm>>) dst(%dma_wait3A_263 : memref<72x64xf32, #tpu.memory_space<vmem>>)
    %scan3A_272 = arith.constant 0 : i32
    %scan3A_273 = arith.constant 0 : i32
    %scan3A_274 = arith.constant 200 : i32
    %scan3A_275 = arith.addi %scan3A_273, %scan3A_274 : i32
    %scan3A_276 = arith.constant 1 : i32
    scf.for %scan3A_446 = %scan3A_273 to %scan3A_275 step %scan3A_276  : i32 {
      %get3A = arith.constant 2 : i32
      %get3A_447 = arith.index_cast %get3A : i32 to index
      %get3A_448 = arith.index_cast %scan3A_446 : i32 to index
      %get3A_449 = arith.constant 0 : index
      %get3A_450 = tpu.vector_load %arg8[%get3A_447, %get3A_448, %get3A_449] {strides = array<i32>} : memref<4x200x64xf32, #tpu.memory_space<vmem>>, vector<1x1x16xf32>,
      %get3A_451 = vector.shape_cast %get3A_450 : vector<1x1x16xf32> to vector<16xf32>
      %get3A_452 = arith.index_cast %scan3A_446 : i32 to index
      %get3A_453 = arith.constant 0 : index
      %get3A_454 = tpu.vector_load %arg7[%get3A_452, %get3A_453] {strides = array<i32>} : memref<200x64xf32, #tpu.memory_space<vmem>>, vector<1x16xf32>,
      %get3A_455 = vector.shape_cast %get3A_454 : vector<1x16xf32> to vector<16xf32>
      %add3A_456 = arith.addf %get3A_451, %get3A_455 : vector<16xf32>
      %swap3A = arith.constant 2 : i32
      %swap3A_457 = arith.index_cast %swap3A : i32 to index
      %swap3A_458 = arith.index_cast %scan3A_446 : i32 to index
      %swap3A_459 = arith.constant 0 : index
      %swap3A_460 = tpu.vector_load %arg8[%swap3A_457, %swap3A_458, %swap3A_459] {strides = array<i32>} : memref<4x200x64xf32, #tpu.memory_space<vmem>>, vector<1x1x16xf32>,
      %swap3A_461 = vector.shape_cast %swap3A_460 : vector<1x1x16xf32> to vector<16xf32>
      %swap3A_462 = vector.shape_cast %add3A_456 : vector<16xf32> to vector<1x1x16xf32>
      tpu.vector_store %arg8[%swap3A_457, %swap3A_458, %swap3A_459], %swap3A_462 {strides = array<i32>} : memref<4x200x64xf32, #tpu.memory_space<vmem>>, vector<1x1x16xf32>,
      %get3A_463 = arith.constant 2 : i32
      %get3A_464 = arith.index_cast %get3A_463 : i32 to index
      %get3A_465 = arith.index_cast %scan3A_446 : i32 to index
      %get3A_466 = arith.constant 16 : index
      %get3A_467 = tpu.vector_load %arg8[%get3A_464, %get3A_465, %get3A_466] {strides = array<i32>} : memref<4x200x64xf32, #tpu.memory_space<vmem>>, vector<1x1x16xf32>,
      %get3A_468 = vector.shape_cast %get3A_467 : vector<1x1x16xf32> to vector<16xf32>
      %get3A_469 = arith.index_cast %scan3A_446 : i32 to index
      %get3A_470 = arith.constant 16 : index
      %get3A_471 = tpu.vector_load %arg7[%get3A_469, %get3A_470] {strides = array<i32>} : memref<200x64xf32, #tpu.memory_space<vmem>>, vector<1x16xf32>,
      %get3A_472 = vector.shape_cast %get3A_471 : vector<1x16xf32> to vector<16xf32>
      %add3A_473 = arith.addf %get3A_468, %get3A_472 : vector<16xf32>
      %swap3A_474 = arith.constant 2 : i32
      %swap3A_475 = arith.index_cast %swap3A_474 : i32 to index
      %swap3A_476 = arith.index_cast %scan3A_446 : i32 to index
      %swap3A_477 = arith.constant 16 : index
      %swap3A_478 = tpu.vector_load %arg8[%swap3A_475, %swap3A_476, %swap3A_477] {strides = array<i32>} : memref<4x200x64xf32, #tpu.memory_space<vmem>>, vector<1x1x16xf32>,
      %swap3A_479 = vector.shape_cast %swap3A_478 : vector<1x1x16xf32> to vector<16xf32>
      %swap3A_480 = vector.shape_cast %add3A_473 : vector<16xf32> to vector<1x1x16xf32>
      tpu.vector_store %arg8[%swap3A_475, %swap3A_476, %swap3A_477], %swap3A_480 {strides = array<i32>} : memref<4x200x64xf32, #tpu.memory_space<vmem>>, vector<1x1x16xf32>,
      %get3A_481 = arith.constant 2 : i32
      %get3A_482 = arith.index_cast %get3A_481 : i32 to index
      %get3A_483 = arith.index_cast %scan3A_446 : i32 to index
      %get3A_484 = arith.constant 32 : index
      %get3A_485 = tpu.vector_load %arg8[%get3A_482, %get3A_483, %get3A_484] {strides = array<i32>} : memref<4x200x64xf32, #tpu.memory_space<vmem>>, vector<1x1x16xf32>,
      %get3A_486 = vector.shape_cast %get3A_485 : vector<1x1x16xf32> to vector<16xf32>
      %get3A_487 = arith.index_cast %scan3A_446 : i32 to index
      %get3A_488 = arith.constant 32 : index
      %get3A_489 = tpu.vector_load %arg7[%get3A_487, %get3A_488] {strides = array<i32>} : memref<200x64xf32, #tpu.memory_space<vmem>>, vector<1x16xf32>,
      %get3A_490 = vector.shape_cast %get3A_489 : vector<1x16xf32> to vector<16xf32>
      %add3A_491 = arith.addf %get3A_486, %get3A_490 : vector<16xf32>
      %swap3A_492 = arith.constant 2 : i32
      %swap3A_493 = arith.index_cast %swap3A_492 : i32 to index
      %swap3A_494 = arith.index_cast %scan3A_446 : i32 to index
      %swap3A_495 = arith.constant 32 : index
      %swap3A_496 = tpu.vector_load %arg8[%swap3A_493, %swap3A_494, %swap3A_495] {strides = array<i32>} : memref<4x200x64xf32, #tpu.memory_space<vmem>>, vector<1x1x16xf32>,
      %swap3A_497 = vector.shape_cast %swap3A_496 : vector<1x1x16xf32> to vector<16xf32>
      %swap3A_498 = vector.shape_cast %add3A_491 : vector<16xf32> to vector<1x1x16xf32>
      tpu.vector_store %arg8[%swap3A_493, %swap3A_494, %swap3A_495], %swap3A_498 {strides = array<i32>} : memref<4x200x64xf32, #tpu.memory_space<vmem>>, vector<1x1x16xf32>,
      %get3A_499 = arith.constant 2 : i32
      %get3A_500 = arith.index_cast %get3A_499 : i32 to index
      %get3A_501 = arith.index_cast %scan3A_446 : i32 to index
      %get3A_502 = arith.constant 48 : index
      %get3A_503 = tpu.vector_load %arg8[%get3A_500, %get3A_501, %get3A_502] {strides = array<i32>} : memref<4x200x64xf32, #tpu.memory_space<vmem>>, vector<1x1x16xf32>,
      %get3A_504 = vector.shape_cast %get3A_503 : vector<1x1x16xf32> to vector<16xf32>
      %get3A_505 = arith.index_cast %scan3A_446 : i32 to index
      %get3A_506 = arith.constant 48 : index
      %get3A_507 = tpu.vector_load %arg7[%get3A_505, %get3A_506] {strides = array<i32>} : memref<200x64xf32, #tpu.memory_space<vmem>>, vector<1x16xf32>,
      %get3A_508 = vector.shape_cast %get3A_507 : vector<1x16xf32> to vector<16xf32>
      %add3A_509 = arith.addf %get3A_504, %get3A_508 : vector<16xf32>
      %swap3A_510 = arith.constant 2 : i32
      %swap3A_511 = arith.index_cast %swap3A_510 : i32 to index
      %swap3A_512 = arith.index_cast %scan3A_446 : i32 to index
      %swap3A_513 = arith.constant 48 : index
      %swap3A_514 = tpu.vector_load %arg8[%swap3A_511, %swap3A_512, %swap3A_513] {strides = array<i32>} : memref<4x200x64xf32, #tpu.memory_space<vmem>>, vector<1x1x16xf32>,
      %swap3A_515 = vector.shape_cast %swap3A_514 : vector<1x1x16xf32> to vector<16xf32>
      %swap3A_516 = vector.shape_cast %add3A_509 : vector<16xf32> to vector<1x1x16xf32>
      tpu.vector_store %arg8[%swap3A_511, %swap3A_512, %swap3A_513], %swap3A_516 {strides = array<i32>} : memref<4x200x64xf32, #tpu.memory_space<vmem>>, vector<1x1x16xf32>,
    }
    %scan3A_277 = arith.constant 200 : i32
    %add3A_278 = arith.constant 126 : i32
    %add3A_279 = arith.addi %mul3A_2, %add3A_278 : i32
    %dma_start3A_280 = arith.constant 2 : i32
    %dma_start3A_281 = arith.constant 2 : i32
    %dma_start3A_282 = arith.constant 0 : i32
    %dma_start3A_283 = arith.constant 0 : i32
    %dma_start3A_284 = tpu.memref_slice %arg8[%dma_start3A_280, %dma_start3A_282, %dma_start3A_283] : memref<4x200x64xf32, #tpu.memory_space<vmem>> -> memref<1x200x64xf32, #tpu.memory_space<vmem>>
    %dma_start3A_285 = tpu.memref_squeeze %dma_start3A_284 : memref<1x200x64xf32, #tpu.memory_space<vmem>> -> memref<200x64xf32, #tpu.memory_space<vmem>>
    %dma_start3A_286 = arith.constant 0 : i32
    %dma_start3A_287 = arith.constant 0 : i32
    %dma_start3A_288 = tpu.memref_slice %arg5[%add3A_279, %dma_start3A_286, %dma_start3A_287] : memref<4096x200x64xf32, #tpu.memory_space<hbm>> -> memref<1x200x64xf32, #tpu.memory_space<hbm>>
    %dma_start3A_289 = tpu.memref_squeeze %dma_start3A_288 : memref<1x200x64xf32, #tpu.memory_space<hbm>> -> memref<200x64xf32, #tpu.memory_space<hbm>>
    %dma_start3A_290 = tpu.memref_slice %arg10[%dma_start3A_281] : memref<4x!tpu.dma_semaphore, #tpu.memory_space<semaphore_mem>> -> memref<1x!tpu.dma_semaphore, #tpu.memory_space<semaphore_mem>>
    %dma_start3A_291 = tpu.memref_squeeze %dma_start3A_290 : memref<1x!tpu.dma_semaphore, #tpu.memory_space<semaphore_mem>> -> memref<!tpu.dma_semaphore, #tpu.memory_space<semaphore_mem>>
    %dma_start3A_292 = arith.constant 0 : i32
    %dma_start3A_293 = arith.constant 0 : i32
    %dma_start3A_294 = tpu.memref_slice %arg5[%add3A_279, %dma_start3A_292, %dma_start3A_293] : memref<4096x200x64xf32, #tpu.memory_space<hbm>> -> memref<1x200x64xf32, #tpu.memory_space<hbm>>
    %dma_start3A_295 = tpu.memref_squeeze %dma_start3A_294 : memref<1x200x64xf32, #tpu.memory_space<hbm>> -> memref<200x64xf32, #tpu.memory_space<hbm>>
    %dma_start3A_296 = arith.constant 0 : i32
    %dma_start3A_297 = arith.constant 0 : i32
    %dma_start3A_298 = tpu.memref_slice %arg8[%dma_start3A_280, %dma_start3A_296, %dma_start3A_297] : memref<4x200x64xf32, #tpu.memory_space<vmem>> -> memref<1x200x64xf32, #tpu.memory_space<vmem>>
    %dma_start3A_299 = tpu.memref_squeeze %dma_start3A_298 : memref<1x200x64xf32, #tpu.memory_space<vmem>> -> memref<200x64xf32, #tpu.memory_space<vmem>>
    tpu.enqueue_dma source(%dma_start3A_299 : memref<200x64xf32, #tpu.memory_space<vmem>>) target(%dma_start3A_295 : memref<200x64xf32, #tpu.memory_space<hbm>>) target_semaphore(%dma_start3A_291 : memref<!tpu.dma_semaphore, #tpu.memory_space<semaphore_mem>>)
    %dma_wait3A_300 = arith.constant 127 : i32
    %dma_wait3A_301 = arith.constant 3 : i32
    %dma_wait3A_302 = arith.constant 3 : i32
    %dma_wait3A_303 = arith.constant 0 : i32
    %dma_wait3A_304 = arith.constant 0 : i32
    %dma_wait3A_305 = tpu.memref_slice %arg8[%dma_wait3A_301, %dma_wait3A_303, %dma_wait3A_304] : memref<4x200x64xf32, #tpu.memory_space<vmem>> -> memref<1x128x64xf32, #tpu.memory_space<vmem>>
    %dma_wait3A_306 = tpu.memref_squeeze %dma_wait3A_305 : memref<1x128x64xf32, #tpu.memory_space<vmem>> -> memref<128x64xf32, #tpu.memory_space<vmem>>
    %dma_wait3A_307 = arith.constant 0 : i32
    %dma_wait3A_308 = tpu.memref_slice %arg6[%dma_wait3A_300, %dma_wait3A_307] : memref<128x200xi32, #tpu.memory_space<vmem>> -> memref<1x128xi32, #tpu.memory_space<vmem>>
    %dma_wait3A_309 = tpu.memref_squeeze %dma_wait3A_308 : memref<1x128xi32, #tpu.memory_space<vmem>> -> memref<128xi32, #tpu.memory_space<vmem>>
    %dma_wait3A_310 = arith.constant 0 : i32
    %dma_wait3A_311 = arith.constant 0 : i32
    %dma_wait3A_312 = tpu.memref_slice %arg3[%dma_wait3A_310, %dma_wait3A_311] : memref<100000x64xf32, #tpu.memory_space<hbm>> -> memref<100000x64xf32, #tpu.memory_space<hbm>>
    %dma_wait3A_313 = tpu.memref_slice %arg9[%dma_wait3A_302] : memref<4x!tpu.dma_semaphore, #tpu.memory_space<semaphore_mem>> -> memref<1x!tpu.dma_semaphore, #tpu.memory_space<semaphore_mem>>
    %dma_wait3A_314 = tpu.memref_squeeze %dma_wait3A_313 : memref<1x!tpu.dma_semaphore, #tpu.memory_space<semaphore_mem>> -> memref<!tpu.dma_semaphore, #tpu.memory_space<semaphore_mem>>
    tpu.wait_indirect_dma semaphore(%dma_wait3A_314 : memref<!tpu.dma_semaphore, #tpu.memory_space<semaphore_mem>>) src(%dma_wait3A_312 : memref<100000x64xf32, #tpu.memory_space<hbm>>) dst(%dma_wait3A_306 : memref<128x64xf32, #tpu.memory_space<vmem>>)
    %dma_wait3A_315 = arith.constant 127 : i32
    %dma_wait3A_316 = arith.constant 3 : i32
    %dma_wait3A_317 = arith.constant 3 : i32
    %dma_wait3A_318 = arith.constant 128 : i32
    %dma_wait3A_319 = arith.constant 0 : i32
    %dma_wait3A_320 = tpu.memref_slice %arg8[%dma_wait3A_316, %dma_wait3A_318, %dma_wait3A_319] : memref<4x200x64xf32, #tpu.memory_space<vmem>> -> memref<1x72x64xf32, #tpu.memory_space<vmem>>
    %dma_wait3A_321 = tpu.memref_squeeze %dma_wait3A_320 : memref<1x72x64xf32, #tpu.memory_space<vmem>> -> memref<72x64xf32, #tpu.memory_space<vmem>>
    %dma_wait3A_322 = arith.constant 128 : i32
    %dma_wait3A_323 = tpu.memref_slice %arg6[%dma_wait3A_315, %dma_wait3A_322] : memref<128x200xi32, #tpu.memory_space<vmem>> -> memref<1x72xi32, #tpu.memory_space<vmem>>
    %dma_wait3A_324 = tpu.memref_squeeze %dma_wait3A_323 : memref<1x72xi32, #tpu.memory_space<vmem>> -> memref<72xi32, #tpu.memory_space<vmem>>
    %dma_wait3A_325 = arith.constant 0 : i32
    %dma_wait3A_326 = arith.constant 0 : i32
    %dma_wait3A_327 = tpu.memref_slice %arg3[%dma_wait3A_325, %dma_wait3A_326] : memref<100000x64xf32, #tpu.memory_space<hbm>> -> memref<100000x64xf32, #tpu.memory_space<hbm>>
    %dma_wait3A_328 = tpu.memref_slice %arg9[%dma_wait3A_317] : memref<4x!tpu.dma_semaphore, #tpu.memory_space<semaphore_mem>> -> memref<1x!tpu.dma_semaphore, #tpu.memory_space<semaphore_mem>>
    %dma_wait3A_329 = tpu.memref_squeeze %dma_wait3A_328 : memref<1x!tpu.dma_semaphore, #tpu.memory_space<semaphore_mem>> -> memref<!tpu.dma_semaphore, #tpu.memory_space<semaphore_mem>>
    tpu.wait_indirect_dma semaphore(%dma_wait3A_329 : memref<!tpu.dma_semaphore, #tpu.memory_space<semaphore_mem>>) src(%dma_wait3A_327 : memref<100000x64xf32, #tpu.memory_space<hbm>>) dst(%dma_wait3A_321 : memref<72x64xf32, #tpu.memory_space<vmem>>)
    %scan3A_330 = arith.constant 0 : i32
    %scan3A_331 = arith.constant 0 : i32
    %scan3A_332 = arith.constant 200 : i32
    %scan3A_333 = arith.addi %scan3A_331, %scan3A_332 : i32
    %scan3A_334 = arith.constant 1 : i32
    scf.for %scan3A_446 = %scan3A_331 to %scan3A_333 step %scan3A_334  : i32 {
      %get3A = arith.constant 3 : i32
      %get3A_447 = arith.index_cast %get3A : i32 to index
      %get3A_448 = arith.index_cast %scan3A_446 : i32 to index
      %get3A_449 = arith.constant 0 : index
      %get3A_450 = tpu.vector_load %arg8[%get3A_447, %get3A_448, %get3A_449] {strides = array<i32>} : memref<4x200x64xf32, #tpu.memory_space<vmem>>, vector<1x1x16xf32>,
      %get3A_451 = vector.shape_cast %get3A_450 : vector<1x1x16xf32> to vector<16xf32>
      %get3A_452 = arith.index_cast %scan3A_446 : i32 to index
      %get3A_453 = arith.constant 0 : index
      %get3A_454 = tpu.vector_load %arg7[%get3A_452, %get3A_453] {strides = array<i32>} : memref<200x64xf32, #tpu.memory_space<vmem>>, vector<1x16xf32>,
      %get3A_455 = vector.shape_cast %get3A_454 : vector<1x16xf32> to vector<16xf32>
      %add3A_456 = arith.addf %get3A_451, %get3A_455 : vector<16xf32>
      %swap3A = arith.constant 3 : i32
      %swap3A_457 = arith.index_cast %swap3A : i32 to index
      %swap3A_458 = arith.index_cast %scan3A_446 : i32 to index
      %swap3A_459 = arith.constant 0 : index
      %swap3A_460 = tpu.vector_load %arg8[%swap3A_457, %swap3A_458, %swap3A_459] {strides = array<i32>} : memref<4x200x64xf32, #tpu.memory_space<vmem>>, vector<1x1x16xf32>,
      %swap3A_461 = vector.shape_cast %swap3A_460 : vector<1x1x16xf32> to vector<16xf32>
      %swap3A_462 = vector.shape_cast %add3A_456 : vector<16xf32> to vector<1x1x16xf32>
      tpu.vector_store %arg8[%swap3A_457, %swap3A_458, %swap3A_459], %swap3A_462 {strides = array<i32>} : memref<4x200x64xf32, #tpu.memory_space<vmem>>, vector<1x1x16xf32>,
      %get3A_463 = arith.constant 3 : i32
      %get3A_464 = arith.index_cast %get3A_463 : i32 to index
      %get3A_465 = arith.index_cast %scan3A_446 : i32 to index
      %get3A_466 = arith.constant 16 : index
      %get3A_467 = tpu.vector_load %arg8[%get3A_464, %get3A_465, %get3A_466] {strides = array<i32>} : memref<4x200x64xf32, #tpu.memory_space<vmem>>, vector<1x1x16xf32>,
      %get3A_468 = vector.shape_cast %get3A_467 : vector<1x1x16xf32> to vector<16xf32>
      %get3A_469 = arith.index_cast %scan3A_446 : i32 to index
      %get3A_470 = arith.constant 16 : index
      %get3A_471 = tpu.vector_load %arg7[%get3A_469, %get3A_470] {strides = array<i32>} : memref<200x64xf32, #tpu.memory_space<vmem>>, vector<1x16xf32>,
      %get3A_472 = vector.shape_cast %get3A_471 : vector<1x16xf32> to vector<16xf32>
      %add3A_473 = arith.addf %get3A_468, %get3A_472 : vector<16xf32>
      %swap3A_474 = arith.constant 3 : i32
      %swap3A_475 = arith.index_cast %swap3A_474 : i32 to index
      %swap3A_476 = arith.index_cast %scan3A_446 : i32 to index
      %swap3A_477 = arith.constant 16 : index
      %swap3A_478 = tpu.vector_load %arg8[%swap3A_475, %swap3A_476, %swap3A_477] {strides = array<i32>} : memref<4x200x64xf32, #tpu.memory_space<vmem>>, vector<1x1x16xf32>,
      %swap3A_479 = vector.shape_cast %swap3A_478 : vector<1x1x16xf32> to vector<16xf32>
      %swap3A_480 = vector.shape_cast %add3A_473 : vector<16xf32> to vector<1x1x16xf32>
      tpu.vector_store %arg8[%swap3A_475, %swap3A_476, %swap3A_477], %swap3A_480 {strides = array<i32>} : memref<4x200x64xf32, #tpu.memory_space<vmem>>, vector<1x1x16xf32>,
      %get3A_481 = arith.constant 3 : i32
      %get3A_482 = arith.index_cast %get3A_481 : i32 to index
      %get3A_483 = arith.index_cast %scan3A_446 : i32 to index
      %get3A_484 = arith.constant 32 : index
      %get3A_485 = tpu.vector_load %arg8[%get3A_482, %get3A_483, %get3A_484] {strides = array<i32>} : memref<4x200x64xf32, #tpu.memory_space<vmem>>, vector<1x1x16xf32>,
      %get3A_486 = vector.shape_cast %get3A_485 : vector<1x1x16xf32> to vector<16xf32>
      %get3A_487 = arith.index_cast %scan3A_446 : i32 to index
      %get3A_488 = arith.constant 32 : index
      %get3A_489 = tpu.vector_load %arg7[%get3A_487, %get3A_488] {strides = array<i32>} : memref<200x64xf32, #tpu.memory_space<vmem>>, vector<1x16xf32>,
      %get3A_490 = vector.shape_cast %get3A_489 : vector<1x16xf32> to vector<16xf32>
      %add3A_491 = arith.addf %get3A_486, %get3A_490 : vector<16xf32>
      %swap3A_492 = arith.constant 3 : i32
      %swap3A_493 = arith.index_cast %swap3A_492 : i32 to index
      %swap3A_494 = arith.index_cast %scan3A_446 : i32 to index
      %swap3A_495 = arith.constant 32 : index
      %swap3A_496 = tpu.vector_load %arg8[%swap3A_493, %swap3A_494, %swap3A_495] {strides = array<i32>} : memref<4x200x64xf32, #tpu.memory_space<vmem>>, vector<1x1x16xf32>,
      %swap3A_497 = vector.shape_cast %swap3A_496 : vector<1x1x16xf32> to vector<16xf32>
      %swap3A_498 = vector.shape_cast %add3A_491 : vector<16xf32> to vector<1x1x16xf32>
      tpu.vector_store %arg8[%swap3A_493, %swap3A_494, %swap3A_495], %swap3A_498 {strides = array<i32>} : memref<4x200x64xf32, #tpu.memory_space<vmem>>, vector<1x1x16xf32>,
      %get3A_499 = arith.constant 3 : i32
      %get3A_500 = arith.index_cast %get3A_499 : i32 to index
      %get3A_501 = arith.index_cast %scan3A_446 : i32 to index
      %get3A_502 = arith.constant 48 : index
      %get3A_503 = tpu.vector_load %arg8[%get3A_500, %get3A_501, %get3A_502] {strides = array<i32>} : memref<4x200x64xf32, #tpu.memory_space<vmem>>, vector<1x1x16xf32>,
      %get3A_504 = vector.shape_cast %get3A_503 : vector<1x1x16xf32> to vector<16xf32>
      %get3A_505 = arith.index_cast %scan3A_446 : i32 to index
      %get3A_506 = arith.constant 48 : index
      %get3A_507 = tpu.vector_load %arg7[%get3A_505, %get3A_506] {strides = array<i32>} : memref<200x64xf32, #tpu.memory_space<vmem>>, vector<1x16xf32>,
      %get3A_508 = vector.shape_cast %get3A_507 : vector<1x16xf32> to vector<16xf32>
      %add3A_509 = arith.addf %get3A_504, %get3A_508 : vector<16xf32>
      %swap3A_510 = arith.constant 3 : i32
      %swap3A_511 = arith.index_cast %swap3A_510 : i32 to index
      %swap3A_512 = arith.index_cast %scan3A_446 : i32 to index
      %swap3A_513 = arith.constant 48 : index
      %swap3A_514 = tpu.vector_load %arg8[%swap3A_511, %swap3A_512, %swap3A_513] {strides = array<i32>} : memref<4x200x64xf32, #tpu.memory_space<vmem>>, vector<1x1x16xf32>,
      %swap3A_515 = vector.shape_cast %swap3A_514 : vector<1x1x16xf32> to vector<16xf32>
      %swap3A_516 = vector.shape_cast %add3A_509 : vector<16xf32> to vector<1x1x16xf32>
      tpu.vector_store %arg8[%swap3A_511, %swap3A_512, %swap3A_513], %swap3A_516 {strides = array<i32>} : memref<4x200x64xf32, #tpu.memory_space<vmem>>, vector<1x1x16xf32>,
    }
    %scan3A_335 = arith.constant 200 : i32
    %add3A_336 = arith.constant 127 : i32
    %add3A_337 = arith.addi %mul3A_2, %add3A_336 : i32
    %dma_start3A_338 = arith.constant 3 : i32
    %dma_start3A_339 = arith.constant 3 : i32
    %dma_start3A_340 = arith.constant 0 : i32
    %dma_start3A_341 = arith.constant 0 : i32
    %dma_start3A_342 = tpu.memref_slice %arg8[%dma_start3A_338, %dma_start3A_340, %dma_start3A_341] : memref<4x200x64xf32, #tpu.memory_space<vmem>> -> memref<1x200x64xf32, #tpu.memory_space<vmem>>
    %dma_start3A_343 = tpu.memref_squeeze %dma_start3A_342 : memref<1x200x64xf32, #tpu.memory_space<vmem>> -> memref<200x64xf32, #tpu.memory_space<vmem>>
    %dma_start3A_344 = arith.constant 0 : i32
    %dma_start3A_345 = arith.constant 0 : i32
    %dma_start3A_346 = tpu.memref_slice %arg5[%add3A_337, %dma_start3A_344, %dma_start3A_345] : memref<4096x200x64xf32, #tpu.memory_space<hbm>> -> memref<1x200x64xf32, #tpu.memory_space<hbm>>
    %dma_start3A_347 = tpu.memref_squeeze %dma_start3A_346 : memref<1x200x64xf32, #tpu.memory_space<hbm>> -> memref<200x64xf32, #tpu.memory_space<hbm>>
    %dma_start3A_348 = tpu.memref_slice %arg10[%dma_start3A_339] : memref<4x!tpu.dma_semaphore, #tpu.memory_space<semaphore_mem>> -> memref<1x!tpu.dma_semaphore, #tpu.memory_space<semaphore_mem>>
    %dma_start3A_349 = tpu.memref_squeeze %dma_start3A_348 : memref<1x!tpu.dma_semaphore, #tpu.memory_space<semaphore_mem>> -> memref<!tpu.dma_semaphore, #tpu.memory_space<semaphore_mem>>
    %dma_start3A_350 = arith.constant 0 : i32
    %dma_start3A_351 = arith.constant 0 : i32
    %dma_start3A_352 = tpu.memref_slice %arg5[%add3A_337, %dma_start3A_350, %dma_start3A_351] : memref<4096x200x64xf32, #tpu.memory_space<hbm>> -> memref<1x200x64xf32, #tpu.memory_space<hbm>>
    %dma_start3A_353 = tpu.memref_squeeze %dma_start3A_352 : memref<1x200x64xf32, #tpu.memory_space<hbm>> -> memref<200x64xf32, #tpu.memory_space<hbm>>
    %dma_start3A_354 = arith.constant 0 : i32
    %dma_start3A_355 = arith.constant 0 : i32
    %dma_start3A_356 = tpu.memref_slice %arg8[%dma_start3A_338, %dma_start3A_354, %dma_start3A_355] : memref<4x200x64xf32, #tpu.memory_space<vmem>> -> memref<1x200x64xf32, #tpu.memory_space<vmem>>
    %dma_start3A_357 = tpu.memref_squeeze %dma_start3A_356 : memref<1x200x64xf32, #tpu.memory_space<vmem>> -> memref<200x64xf32, #tpu.memory_space<vmem>>
    tpu.enqueue_dma source(%dma_start3A_357 : memref<200x64xf32, #tpu.memory_space<vmem>>) target(%dma_start3A_353 : memref<200x64xf32, #tpu.memory_space<hbm>>) target_semaphore(%dma_start3A_349 : memref<!tpu.dma_semaphore, #tpu.memory_space<semaphore_mem>>)
    %add3A_358 = arith.constant 124 : i32
    %add3A_359 = arith.addi %mul3A_2, %add3A_358 : i32
    %dma_wait3A_360 = arith.constant 0 : i32
    %dma_wait3A_361 = arith.constant 0 : i32
    %dma_wait3A_362 = arith.constant 0 : i32
    %dma_wait3A_363 = arith.constant 0 : i32
    %dma_wait3A_364 = tpu.memref_slice %arg8[%dma_wait3A_360, %dma_wait3A_362, %dma_wait3A_363] : memref<4x200x64xf32, #tpu.memory_space<vmem>> -> memref<1x200x64xf32, #tpu.memory_space<vmem>>
    %dma_wait3A_365 = tpu.memref_squeeze %dma_wait3A_364 : memref<1x200x64xf32, #tpu.memory_space<vmem>> -> memref<200x64xf32, #tpu.memory_space<vmem>>
    %dma_wait3A_366 = arith.constant 0 : i32
    %dma_wait3A_367 = arith.constant 0 : i32
    %dma_wait3A_368 = tpu.memref_slice %arg5[%add3A_359, %dma_wait3A_366, %dma_wait3A_367] : memref<4096x200x64xf32, #tpu.memory_space<hbm>> -> memref<1x200x64xf32, #tpu.memory_space<hbm>>
    %dma_wait3A_369 = tpu.memref_squeeze %dma_wait3A_368 : memref<1x200x64xf32, #tpu.memory_space<hbm>> -> memref<200x64xf32, #tpu.memory_space<hbm>>
    %dma_wait3A_370 = tpu.memref_slice %arg10[%dma_wait3A_361] : memref<4x!tpu.dma_semaphore, #tpu.memory_space<semaphore_mem>> -> memref<1x!tpu.dma_semaphore, #tpu.memory_space<semaphore_mem>>
    %dma_wait3A_371 = tpu.memref_squeeze %dma_wait3A_370 : memref<1x!tpu.dma_semaphore, #tpu.memory_space<semaphore_mem>> -> memref<!tpu.dma_semaphore, #tpu.memory_space<semaphore_mem>>
    %dma_wait3A_372 = arith.constant 0 : i32
    %dma_wait3A_373 = arith.constant 0 : i32
    %dma_wait3A_374 = tpu.memref_slice %arg5[%add3A_359, %dma_wait3A_372, %dma_wait3A_373] : memref<4096x200x64xf32, #tpu.memory_space<hbm>> -> memref<1x200x64xf32, #tpu.memory_space<hbm>>
    %dma_wait3A_375 = tpu.memref_squeeze %dma_wait3A_374 : memref<1x200x64xf32, #tpu.memory_space<hbm>> -> memref<200x64xf32, #tpu.memory_space<hbm>>
    %dma_wait3A_376 = arith.constant 0 : i32
    %dma_wait3A_377 = arith.constant 0 : i32
    %dma_wait3A_378 = tpu.memref_slice %arg8[%dma_wait3A_360, %dma_wait3A_376, %dma_wait3A_377] : memref<4x200x64xf32, #tpu.memory_space<vmem>> -> memref<1x200x64xf32, #tpu.memory_space<vmem>>
    %dma_wait3A_379 = tpu.memref_squeeze %dma_wait3A_378 : memref<1x200x64xf32, #tpu.memory_space<vmem>> -> memref<200x64xf32, #tpu.memory_space<vmem>>
    tpu.wait_dma2 semaphore(%dma_wait3A_371 : memref<!tpu.dma_semaphore, #tpu.memory_space<semaphore_mem>>) src(%dma_wait3A_379 : memref<200x64xf32, #tpu.memory_space<vmem>>) dst(%dma_wait3A_375 : memref<200x64xf32, #tpu.memory_space<hbm>>)
    %add3A_380 = arith.constant 125 : i32
    %add3A_381 = arith.addi %mul3A_2, %add3A_380 : i32
    %dma_wait3A_382 = arith.constant 1 : i32
    %dma_wait3A_383 = arith.constant 1 : i32
    %dma_wait3A_384 = arith.constant 0 : i32
    %dma_wait3A_385 = arith.constant 0 : i32
    %dma_wait3A_386 = tpu.memref_slice %arg8[%dma_wait3A_382, %dma_wait3A_384, %dma_wait3A_385] : memref<4x200x64xf32, #tpu.memory_space<vmem>> -> memref<1x200x64xf32, #tpu.memory_space<vmem>>
    %dma_wait3A_387 = tpu.memref_squeeze %dma_wait3A_386 : memref<1x200x64xf32, #tpu.memory_space<vmem>> -> memref<200x64xf32, #tpu.memory_space<vmem>>
    %dma_wait3A_388 = arith.constant 0 : i32
    %dma_wait3A_389 = arith.constant 0 : i32
    %dma_wait3A_390 = tpu.memref_slice %arg5[%add3A_381, %dma_wait3A_388, %dma_wait3A_389] : memref<4096x200x64xf32, #tpu.memory_space<hbm>> -> memref<1x200x64xf32, #tpu.memory_space<hbm>>
    %dma_wait3A_391 = tpu.memref_squeeze %dma_wait3A_390 : memref<1x200x64xf32, #tpu.memory_space<hbm>> -> memref<200x64xf32, #tpu.memory_space<hbm>>
    %dma_wait3A_392 = tpu.memref_slice %arg10[%dma_wait3A_383] : memref<4x!tpu.dma_semaphore, #tpu.memory_space<semaphore_mem>> -> memref<1x!tpu.dma_semaphore, #tpu.memory_space<semaphore_mem>>
    %dma_wait3A_393 = tpu.memref_squeeze %dma_wait3A_392 : memref<1x!tpu.dma_semaphore, #tpu.memory_space<semaphore_mem>> -> memref<!tpu.dma_semaphore, #tpu.memory_space<semaphore_mem>>
    %dma_wait3A_394 = arith.constant 0 : i32
    %dma_wait3A_395 = arith.constant 0 : i32
    %dma_wait3A_396 = tpu.memref_slice %arg5[%add3A_381, %dma_wait3A_394, %dma_wait3A_395] : memref<4096x200x64xf32, #tpu.memory_space<hbm>> -> memref<1x200x64xf32, #tpu.memory_space<hbm>>
    %dma_wait3A_397 = tpu.memref_squeeze %dma_wait3A_396 : memref<1x200x64xf32, #tpu.memory_space<hbm>> -> memref<200x64xf32, #tpu.memory_space<hbm>>
    %dma_wait3A_398 = arith.constant 0 : i32
    %dma_wait3A_399 = arith.constant 0 : i32
    %dma_wait3A_400 = tpu.memref_slice %arg8[%dma_wait3A_382, %dma_wait3A_398, %dma_wait3A_399] : memref<4x200x64xf32, #tpu.memory_space<vmem>> -> memref<1x200x64xf32, #tpu.memory_space<vmem>>
    %dma_wait3A_401 = tpu.memref_squeeze %dma_wait3A_400 : memref<1x200x64xf32, #tpu.memory_space<vmem>> -> memref<200x64xf32, #tpu.memory_space<vmem>>
    tpu.wait_dma2 semaphore(%dma_wait3A_393 : memref<!tpu.dma_semaphore, #tpu.memory_space<semaphore_mem>>) src(%dma_wait3A_401 : memref<200x64xf32, #tpu.memory_space<vmem>>) dst(%dma_wait3A_397 : memref<200x64xf32, #tpu.memory_space<hbm>>)
    %add3A_402 = arith.constant 126 : i32
    %add3A_403 = arith.addi %mul3A_2, %add3A_402 : i32
    %dma_wait3A_404 = arith.constant 2 : i32
    %dma_wait3A_405 = arith.constant 2 : i32
    %dma_wait3A_406 = arith.constant 0 : i32
    %dma_wait3A_407 = arith.constant 0 : i32
    %dma_wait3A_408 = tpu.memref_slice %arg8[%dma_wait3A_404, %dma_wait3A_406, %dma_wait3A_407] : memref<4x200x64xf32, #tpu.memory_space<vmem>> -> memref<1x200x64xf32, #tpu.memory_space<vmem>>
    %dma_wait3A_409 = tpu.memref_squeeze %dma_wait3A_408 : memref<1x200x64xf32, #tpu.memory_space<vmem>> -> memref<200x64xf32, #tpu.memory_space<vmem>>
    %dma_wait3A_410 = arith.constant 0 : i32
    %dma_wait3A_411 = arith.constant 0 : i32
    %dma_wait3A_412 = tpu.memref_slice %arg5[%add3A_403, %dma_wait3A_410, %dma_wait3A_411] : memref<4096x200x64xf32, #tpu.memory_space<hbm>> -> memref<1x200x64xf32, #tpu.memory_space<hbm>>
    %dma_wait3A_413 = tpu.memref_squeeze %dma_wait3A_412 : memref<1x200x64xf32, #tpu.memory_space<hbm>> -> memref<200x64xf32, #tpu.memory_space<hbm>>
    %dma_wait3A_414 = tpu.memref_slice %arg10[%dma_wait3A_405] : memref<4x!tpu.dma_semaphore, #tpu.memory_space<semaphore_mem>> -> memref<1x!tpu.dma_semaphore, #tpu.memory_space<semaphore_mem>>
    %dma_wait3A_415 = tpu.memref_squeeze %dma_wait3A_414 : memref<1x!tpu.dma_semaphore, #tpu.memory_space<semaphore_mem>> -> memref<!tpu.dma_semaphore, #tpu.memory_space<semaphore_mem>>
    %dma_wait3A_416 = arith.constant 0 : i32
    %dma_wait3A_417 = arith.constant 0 : i32
    %dma_wait3A_418 = tpu.memref_slice %arg5[%add3A_403, %dma_wait3A_416, %dma_wait3A_417] : memref<4096x200x64xf32, #tpu.memory_space<hbm>> -> memref<1x200x64xf32, #tpu.memory_space<hbm>>
    %dma_wait3A_419 = tpu.memref_squeeze %dma_wait3A_418 : memref<1x200x64xf32, #tpu.memory_space<hbm>> -> memref<200x64xf32, #tpu.memory_space<hbm>>
    %dma_wait3A_420 = arith.constant 0 : i32
    %dma_wait3A_421 = arith.constant 0 : i32
    %dma_wait3A_422 = tpu.memref_slice %arg8[%dma_wait3A_404, %dma_wait3A_420, %dma_wait3A_421] : memref<4x200x64xf32, #tpu.memory_space<vmem>> -> memref<1x200x64xf32, #tpu.memory_space<vmem>>
    %dma_wait3A_423 = tpu.memref_squeeze %dma_wait3A_422 : memref<1x200x64xf32, #tpu.memory_space<vmem>> -> memref<200x64xf32, #tpu.memory_space<vmem>>
    tpu.wait_dma2 semaphore(%dma_wait3A_415 : memref<!tpu.dma_semaphore, #tpu.memory_space<semaphore_mem>>) src(%dma_wait3A_423 : memref<200x64xf32, #tpu.memory_space<vmem>>) dst(%dma_wait3A_419 : memref<200x64xf32, #tpu.memory_space<hbm>>)
    %add3A_424 = arith.constant 127 : i32
    %add3A_425 = arith.addi %mul3A_2, %add3A_424 : i32
    %dma_wait3A_426 = arith.constant 3 : i32
    %dma_wait3A_427 = arith.constant 3 : i32
    %dma_wait3A_428 = arith.constant 0 : i32
    %dma_wait3A_429 = arith.constant 0 : i32
    %dma_wait3A_430 = tpu.memref_slice %arg8[%dma_wait3A_426, %dma_wait3A_428, %dma_wait3A_429] : memref<4x200x64xf32, #tpu.memory_space<vmem>> -> memref<1x200x64xf32, #tpu.memory_space<vmem>>
    %dma_wait3A_431 = tpu.memref_squeeze %dma_wait3A_430 : memref<1x200x64xf32, #tpu.memory_space<vmem>> -> memref<200x64xf32, #tpu.memory_space<vmem>>
    %dma_wait3A_432 = arith.constant 0 : i32
    %dma_wait3A_433 = arith.constant 0 : i32
    %dma_wait3A_434 = tpu.memref_slice %arg5[%add3A_425, %dma_wait3A_432, %dma_wait3A_433] : memref<4096x200x64xf32, #tpu.memory_space<hbm>> -> memref<1x200x64xf32, #tpu.memory_space<hbm>>
    %dma_wait3A_435 = tpu.memref_squeeze %dma_wait3A_434 : memref<1x200x64xf32, #tpu.memory_space<hbm>> -> memref<200x64xf32, #tpu.memory_space<hbm>>
    %dma_wait3A_436 = tpu.memref_slice %arg10[%dma_wait3A_427] : memref<4x!tpu.dma_semaphore, #tpu.memory_space<semaphore_mem>> -> memref<1x!tpu.dma_semaphore, #tpu.memory_space<semaphore_mem>>
    %dma_wait3A_437 = tpu.memref_squeeze %dma_wait3A_436 : memref<1x!tpu.dma_semaphore, #tpu.memory_space<semaphore_mem>> -> memref<!tpu.dma_semaphore, #tpu.memory_space<semaphore_mem>>
    %dma_wait3A_438 = arith.constant 0 : i32
    %dma_wait3A_439 = arith.constant 0 : i32
    %dma_wait3A_440 = tpu.memref_slice %arg5[%add3A_425, %dma_wait3A_438, %dma_wait3A_439] : memref<4096x200x64xf32, #tpu.memory_space<hbm>> -> memref<1x200x64xf32, #tpu.memory_space<hbm>>
    %dma_wait3A_441 = tpu.memref_squeeze %dma_wait3A_440 : memref<1x200x64xf32, #tpu.memory_space<hbm>> -> memref<200x64xf32, #tpu.memory_space<hbm>>
    %dma_wait3A_442 = arith.constant 0 : i32
    %dma_wait3A_443 = arith.constant 0 : i32
    %dma_wait3A_444 = tpu.memref_slice %arg8[%dma_wait3A_426, %dma_wait3A_442, %dma_wait3A_443] : memref<4x200x64xf32, #tpu.memory_space<vmem>> -> memref<1x200x64xf32, #tpu.memory_space<vmem>>
    %dma_wait3A_445 = tpu.memref_squeeze %dma_wait3A_444 : memref<1x200x64xf32, #tpu.memory_space<vmem>> -> memref<200x64xf32, #tpu.memory_space<vmem>>
    tpu.wait_dma2 semaphore(%dma_wait3A_437 : memref<!tpu.dma_semaphore, #tpu.memory_space<semaphore_mem>>) src(%dma_wait3A_445 : memref<200x64xf32, #tpu.memory_space<vmem>>) dst(%dma_wait3A_441 : memref<200x64xf32, #tpu.memory_space<hbm>>)
    return
  }
}

</mosaic_0001>

<sc_bundles>
// kernel: kernel.3.cloned.1.call-start
scs
__scs_entry_jumppad:
0x0: {  	(pc) =	sbr.rel $0x88, $3  }
0x1: {  	(tag) =	ssettag $0x0;
	lr =	simm.s32 $0x1  }
0x2: {  	[smem:$0x3F9E] =	sst lr;
	_ =	strace $0xD0000000  }
0x3: {  	_ = 	snop  }
0x4: {  	_ = 	snop  }
0x5: {  	_ = 	snop  }
0x6: {  	_ = 	snop  }
0x7: {  	_ = 	snop  }
__scs_overlays_trampoline_lowered:
0x8: {  	[smem:$0x3FAD] =	sst s0  }
0x9: {  	[smem:$0x3FAE] =	sst s1  }
0xa: {  	[smem:$0x3FAF] =	sst s2  }
0xb: {  	[smem:$0x3FB0] =	sst s3  }
0xc: {  	[smem:$0x3FB1] =	sst s4  }
0xd: {  	[smem:$0x3FB2] =	sst s5  }
0xe: {  	[smem:$0x3FB3] =	sst s6  }
0xf: {  	[smem:$0x3FB4] =	sst s7  }
0x10: {  	[smem:$0x3FB5] =	sst s8  }
0x11: {  	[smem:$0x3FB6] =	sst s9;
	s0 =	simm.s32 @!p0 $0x0  }
0x12: {  	s1 =	sld [smem:$0x3F9C];
	s0 =	simm.s32 @p0 $0x1  }
0x13: {  	[smem:$0x3FB7] =	sst s0;
	s0 =	simm.s32 @!p1 $0x0  }
0x14: {  	s2 =	sld [smem:$0x3F9B];
	s0 =	simm.s32 @p1 $0x1  }
0x15: {  	[smem:$0x3FB8] =	sst s0;
	s0 =	simm.s32 @!p2 $0x0  }
0x16: {  	s3 =	sld [smem:$0x3FDB];
	s0 =	simm.s32 @p2 $0x1  }
0x17: {  	s4 =	simm.s32 $0x1BF5;
	[smem:$0x3FBA] =	sst s0  }
0x18: {  	s0 =	sld [smem:$0x3F9D];
	_ =	swait.ge [sflag:s4], $0x0  }
0x19: {  	s7 =	sld [smem:$0x3F9E]  }
0x1a: {  	s8 =	sadd.s32 $0xFFFFE003, lr  }
0x1b: {  	s9 =	sadd.s32 $0xFFFFFEF7, lr;
	s5 =	simm.s32 $0xFFFFFFFF;
	p2 =	slt.u32 s8, $0xFFFFF086  }
0x1c: {  	p1 =	slt.u32 s9, $0xF7A;
	s5 =	simm.s32 @!p2 $0x0  }
0x1d: {  	s5 =	simm.s32 @p1 $0x1;
	p0 =	seq.s32 s7, s2  }
0x1e: {  	s7 =	smul.u32 @!p0 $0xF7A, s2;
	p2 =	seq.s32 @!p0 s5, $0x0  }
0x1f: {  	s9 =	smul.u32 $0xF7A, s1;
	s8 =	simm.s32 @!p0 $0x1BF5;
	p2 =	por !p2, p0  }
0x20: {  	[sflag:s8] =	ssyncset.s32 @!p0 $0xFFFFF086;
	s6 =	sadd.s32 @!p0 s3, s7;
	s7 =	simm.s32 @!p0 $0x108  }
0x21: {  	s3 =	sadd.s32 s3, s9;
	s6 =	sadd.s32 @!p0 $0x88, s6;
	s7 =	simm.s32 @p2 $0x1082  }
0x22: {  	[simem:s7], [sflag:s8] =	dma.local @!p0 [hbm:s6], $0xF7A  }
0x23: {  	s9 =	sor.u32 $0xD0000000, s2;
	s6 =	simm.s32 $0x108;
	_ =	swait.ge @!p0 [sflag:s8], $0x0  }
0x24: {  	s3 =	sadd.s32 $0x88, s3;
	s6 =	simm.s32 @!p1 $0x1082;
	[sflag:s4] =	ssyncset.s32 $0xFFFFF086  }
0x25: {  	[simem:s6], [sflag:s4] =	dma.local [hbm:s3], $0xF7A  }
0x26: {  	[smem:$0x3F9E] =	sst s1;
	(tag) =	ssettag s2;
	_ =	strace s9  }
0x27: {  	s1 =	sld [smem:$0x3FAE]  }
0x28: {  	s2 =	sld [smem:$0x3FAF]  }
0x29: {  	s4 =	sld [smem:$0x3FB1]  }
0x2a: {  	p0 =	seq.s32 s5, $0x0;
	s5 =	sld [smem:$0x3FB2]  }
0x2b: {  	s6 =	sld [smem:$0x3FB3]  }
0x2c: {  	s7 =	sld [smem:$0x3FB4]  }
0x2d: {  	s3 =	simm.s32 $0x108;
	s8 =	sld [smem:$0x3FB5]  }
0x2e: {  	s3 =	simm.s32 @!p0 $0x1082;
	s9 =	sld [smem:$0x3FB6]  }
0x2f: {  	lr =	sadd.s32 s0, s3;
	s0 =	sld [smem:$0x3FAD]  }
0x30: {  	s3 =	sld [smem:$0x3FB0]  }
0x31: {  	[smem:$0x3FB9] =	sst s10  }
0x32: {  	s10 =	sld [smem:$0x3FB7];
	_ =	sdelay $0x3  }
0x33: {  	p0 =	seq.s32 s10, $0x1;
	s10 =	sld [smem:$0x3FB9];
	_ =	sdelay $0x3  }
0x34: {  	[smem:$0x3FB9] =	sst s10  }
0x35: {  	s10 =	sld [smem:$0x3FB8];
	_ =	sdelay $0x3  }
0x36: {  	p1 =	seq.s32 s10, $0x1;
	s10 =	sld [smem:$0x3FB9];
	_ =	sdelay $0x3  }
0x37: {  	[smem:$0x3FB9] =	sst s10  }
0x38: {  	s10 =	sld [smem:$0x3FBA]  }
0x39: {  	_ = 	snop;
	(pc) =	sbr.ind lr, $3  }
0x3a: {  	_ = 	snop  }
0x3b: {  	_ = 	snop  }
0x3c: {  	p2 =	seq.s32 s10, $0x1;
	s10 =	sld [smem:$0x3FB9]  }
0x3d: {  	_ =	shalt  }
0x3e: {  	_ =	shalt  }
0x3f: {  	_ =	shalt  }
0x40: {  	_ =	shalt  }
0x41: {  	_ =	shalt  }
0x42: {  	_ =	shalt  }
0x43: {  	_ =	shalt  }
0x44: {  	_ =	shalt  }
0x45: {  	_ =	shalt  }
0x46: {  	_ =	shalt  }
0x47: {  	_ =	shalt  }
0x48: {  	_ =	shalt  }
0x49: {  	_ =	shalt  }
0x4a: {  	_ =	shalt  }
0x4b: {  	_ =	shalt  }
0x4c: {  	_ =	shalt  }
0x4d: {  	_ =	shalt  }
0x4e: {  	_ =	shalt  }
0x4f: {  	_ =	shalt  }
0x50: {  	_ =	shalt  }
0x51: {  	_ =	shalt  }
0x52: {  	_ =	shalt  }
0x53: {  	_ =	shalt  }
0x54: {  	_ =	shalt  }
0x55: {  	_ =	shalt  }
0x56: {  	_ =	shalt  }
0x57: {  	_ =	shalt  }
0x58: {  	_ =	shalt  }
0x59: {  	_ =	shalt  }
0x5a: {  	_ =	shalt  }
0x5b: {  	_ =	shalt  }
0x5c: {  	_ =	shalt  }
0x5d: {  	_ =	shalt  }
0x5e: {  	_ =	shalt  }
0x5f: {  	_ =	shalt  }
0x60: {  	_ =	shalt  }
0x61: {  	_ =	shalt  }
0x62: {  	_ =	shalt  }
0x63: {  	_ =	shalt  }
0x64: {  	_ =	shalt  }
0x65: {  	_ =	shalt  }
0x66: {  	_ =	shalt  }
0x67: {  	_ =	shalt  }
0x68: {  	_ =	shalt  }
0x69: {  	_ =	shalt  }
0x6a: {  	_ =	shalt  }
0x6b: {  	_ =	shalt  }
0x6c: {  	_ =	shalt  }
0x6d: {  	_ =	shalt  }
0x6e: {  	_ =	shalt  }
0x6f: {  	_ =	shalt  }
0x70: {  	_ =	shalt  }
0x71: {  	_ =	shalt  }
0x72: {  	_ =	shalt  }
0x73: {  	_ =	shalt  }
0x74: {  	_ =	shalt  }
0x75: {  	_ =	shalt  }
0x76: {  	_ =	shalt  }
0x77: {  	_ =	shalt  }
0x78: {  	_ =	shalt  }
0x79: {  	_ =	shalt  }
0x7a: {  	_ =	shalt  }
0x7b: {  	_ =	shalt  }
0x7c: {  	_ =	shalt  }
0x7d: {  	_ =	shalt  }
0x7e: {  	_ =	shalt  }
0x7f: {  	_ =	shalt  }
0x80: {  	_ =	shalt  }
0x81: {  	_ =	shalt  }
0x82: {  	_ =	shalt  }
0x83: {  	_ =	shalt  }
0x84: {  	_ =	shalt  }
0x85: {  	_ =	shalt  }
0x86: {  	_ =	shalt  }
0x87: {  	_ =	shalt  }
.Lfunc_end0:
.L_simem_size_0:
called_computation.1_lowered:
.L_overlay_start_0:
0x88: {  	s2 =	sld [smem:$0x3FD9]  }
0x89: {  	s3 =	sld [smem:$0x3FFE];
	_ =	sdelay $0x1  }
0x8a: {  	s1 =	srdreg.scid  }
0x8b: {  	s0 =	sand.u32 $0x1, s1  }
0x8c: {  	s17 =	sshll.u32 s0, $0xA;
	s2 =	sadd.s32 s3, s2  }
0x8d: {  	s2 =	sadd.s32 s2, s17  }
0x8e: {  	[smem:$0x3FC5] =	sst s2  }
0x8f: {  	_ = 	snop  }
0x90: {  	s2 =	sld [smem:$0x3FD0];
	(tm) =	ssettm $0x1  }
0x91: {  	s18 =	sld [smem:$0x3FFB];
	_ =	sdelay $0x3  }
0x92: {  	_ =	strace s18  }
0x93: {  	s3 =	sld [smem:$0x3FFC];
	_ =	sdelay $0x3  }
0x94: {  	_ =	strace s3  }
0x95: {  	s3 =	sld [smem:$0x3FFD];
	_ =	sdelay $0x3  }
0x96: {  	_ =	strace s3  }
0x97: {  	_ =	strace $0x8FFFFFFF  }
0x98: {  	s19 =	sld [smem:$0x3FDB];
	_ =	sdelay $0x1  }
0x99: {  	s4 =	simm.s32 $_scs_section_size  }
0x9a: {  	s5 =	simm.s32 $_size__tile_overlayer_lowered;
	s6 =	simm.s32 $_tile_overlayer_lowered  }
0x9b: {  	s22 =	simm.s32 $0x1BFF;
	s21 =	sshll.u32 s6, $0x1;
	s3 =	sadd.s32 s4, s19  }
0x9c: {  	s7 =	simm.s32 $0x0;
	s20 =	sshll.u32 s5, $0x1;
	s5 =	sadd.s32 s21, s3  }
0x9d: {  	[timem:s7], [sflag:s22] =	dma.local [hbm:s5], s20  }
0x9e: {  	_ =	swait.ge [sflag:s22], s20  }
0x9f: {  	s4 =	ssub.s32 $0x0, s20;
	[sflag:s22] =	ssyncset.done $0x0  }
0xa0: {  	[sflag:s22] =	ssyncadd.s32 s4;
	_ =	sdelay $0x1  }
0xa1: {  	s23 =	simm.s32 $0x1B8B  }
0xa2: {  	_ =	swait.ge [sflag:s23], $0x1  }
0xa3: {  	[sflag:s23] =	ssyncset.done $0x0  }
0xa4: {  	s25 =	simm.s32 $0x1B8E;
	s24 =	sld [smem:$0x3FFE];
	[sflag:s23] =	ssyncadd.s32 $0xFFFFFFFF  }
0xa5: {  	s26 =	simm.s32 $execute0_lowered;
	[smem:$0x3FD2] =	sst s25  }
0xa6: {  	s5 =	sshll.u32 s26, $0x1;
	_ =	strace $0x80000046;
	[dreg:$0x1] =	wrdreg $0xFFFFFFFF  }
0xa7: {  	s28 =	simm.s32 $_size_execute0_lowered;
	s3 =	sadd.s32 s3, s5;
	[dreg:$0x0] =	wrdreg $0x0  }
0xa8: {  	s5 =	sshll.u32 s28, $0x1;
	[dreg:$0x2] =	wrdreg s3  }
0xa9: {  	[dreg:$0x3] =	wrdreg s5  }
0xaa: {  	[dreg:$0x4] =	wrdreg $0xC0  }
0xab: {  	_ =	task [dreg:s7], $0x5FFFF  }
0xac: {  	[dreg:$0x1] =	wrdreg $0xFFFFFFFF  }
0xad: {  	[dreg:$0x0] =	wrdreg $0x60  }
0xae: {  	[dreg:$0x2] =	wrdreg s24  }
0xaf: {  	[dreg:$0x3] =	wrdreg s2  }
0xb0: {  	[dreg:$0x4] =	wrdreg $0x9  }
0xb1: {  	_ =	task.clear_ibuf [dreg:s7], $0x5FFFF;
	_ =	strace $0x90000046  }
0xb2: {  	s29 =	simm.s32 $0x9;
	_ =	strace $0x80000048  }
0xb3: {  	_ =	swait.ge [sflag:s29], $0x1  }
0xb4: {  	[sflag:s29] =	ssyncadd.s32 $0xFFFFFFFF  }
0xb5: {  	_ =	strace $0x90000048  }
0xb6: {  	_ =	sfence  }
0xb7: {  	s30 =	sld [smem:$0x0];
	_ =	sdelay $0x2  }
0xb8: {  	s31 =	sshll.u32 s1, $0xD;
	s1 =	sshrl.u32 s1, $0x2  }
0xb9: {  	s3 =	sand.u32 $0x4000, s31;
	s1 =	sadd.s32 s1, s30  }
0xba: {  	s0 =	sor.u32 s3, s0;
	s1 =	sshll.u32 s1, $0x11  }
0xbb: {  	s0 =	sor.u32 s1, s0  }
0xbc: {  	s0 =	sadd.s32 $0x8F2B, s0  }
0xbd: {  	[sflag:s0] =	ssyncadd.remote.s32 $0x1  }
0xbe: {  	_ =	sfence.sel $0xFFFF  }
0xbf: {  	[dreg:$0x0] =	wrdreg $0xFFFFFFFF;
	(pc) =	sbr.abs _section_cstart, $3  }
0xc0: {  	[dreg:$0x1] =	wrdreg $0xFFFFFFFF  }
0xc1: {  	_ =	task.clear_ibuf [dreg:s7], $0x2FFFF;
	_ =	strace $0x9FFFFFFF  }
0xc2: {  	(tm) =	ssettm $0x7FFFFFFF  }
0xc3: {  	_ =	shalt  }
tec
execute0_lowered:
.L_overlay_start_1:
0x0: {  	(tag) =	ssettag $0x1  }
0x1: {  	s0 =	srdreg.scid;
	s2 =	stileid.u32  }
0x2: {  	s1 =	rddreg [dreg:$0x0];
	s13 =	simm.s32 $0x9;
	s15 =	simm.s32 $0x80  }
0x3: {  	s16 =	simm.s32 $0x9600;
	s17 =	simm.s32 $0x48;
	s18 =	simm.s32 $0xB600  }
0x4: {  	s20 =	simm.s32 $0xC800;
	s29 =	simm.s32 $0x12C00;
	s31 =	simm.s32 $0x14C00  }
0x5: {  	s14 =	simm.s32 $0x2;
	s19 =	simm.s32 $0x6;
	s0 =	sand.u32 $0x1, s0  }
0x6: {  	s21 =	simm.s32 $0x3;
	s3 =	sshll.u32 s2, $0x8;
	s4 =	sshll.u32 s0, $0x7  }
0x7: {  	s28 =	simm.s32 $0x8;
	s30 =	simm.s32 $0x0;
	s3 =	sor.u32 s4, s3  }
0x8: {  	s2 =	rddreg [dreg:$0x1];
	s4 =	simm.s32 $0x0;
	s5 =	smul.u32 $0x19, s3  }
0x9: {  	s0 =	ssub.s32 $0x2, s0;
	[smem:$0x7FF] =	sst s4;
	s6 =	smul.u32 $0x3200, s3  }
0xa: {  	s8 =	sshrl.u32 s0, $0x1;
	_ =	strace $0x80000047;
	s7 =	sadd.s32 s5, s1  }
0xb: {  	s5 =	sadd.s32 $0x1A000, s1;
	s6 =	sshrl.u32 s6, $0x3;
	s1 =	sadd.s32 $0x800, s1  }
0xc: {  	[dreg:$0x3] =	wrdreg s1;
	s22 =	sadd.s32 s2, s6;
	s23 =	sadd.s32 $0x1000, s7  }
0xd: {  	s0 =	ssub.s32 s0, s8;
	[dreg:$0x4] =	wrdreg s23;
	s24 =	sadd.s32 $0x30700, s22  }
0xe: {  	s12 =	smax.u32 s0, $0x1;
	s25 =	sadd.s32 $0x30D40, s22;
	[dreg:$0x5] =	wrdreg s24  }
0xf: {  	s0 =	simm.s32 $0x5;
	s26 =	sadd.s32 $0x31380, s22;
	[dreg:$0x6] =	wrdreg s25  }
0x10: {  	s1 =	sadd.s32 $0x319C0, s22;
	s22 =	simm.s32 $0xE800;
	[dreg:$0x7] =	wrdreg s26  }
0x11: {  	s23 =	simm.s32 $0x7;
	[dreg:$0x8] =	wrdreg s1;
	s24 =	simm.s32 $0xFA00  }
0x12: {  	s26 =	simm.s32 $0x11A00;
	s1 =	simm.s32 $0x1;
	s25 =	simm.s32 $0x4  }
.LBB2_1:
0x13: {  	s6 =	rddreg [dreg:$0x4]  }
0x14: {  	[tilespmem:s4], [sflag:$0x9] =	stream.linear.gather [hbm4b:s6+s4], $0x6400, $0x38;
	[tilespmem:$0x15E00] =	vst v63  }
0x15: {  	_ =	swait.ge [sflag:s13], $0x6400  }
0x16: {  	[sflag:s13] =	ssyncset.done $0x0  }
0x17: {  	s7 =	simm.s32 $0x6400;
	s10 =	rddreg [dreg:$0x3];
	[sflag:s13] =	ssyncadd.s32 $0xFFFF9C00  }
0x18: {  	[tilespmem:s7], [sflag:$0x9] =	stream.linear.gather [hbm4b:s10+s4], $0x3200, $0x38;
	[tilespmem:$0x15E00] =	vst v63  }
0x19: {  	_ =	swait.ge [sflag:s13], $0x3200  }
0x1a: {  	[sflag:s13] =	ssyncset.done $0x0  }
0x1b: {  	[sflag:s13] =	ssyncadd.s32 $0xFFFFCE00  }
0x1c: {  	[tilespmem:s16], [sflag:$0x1] =	stream.indirect.gather [hbm4b:s5+s15], $0x40, s4, s15, $0xb8;
	[tilespmem:$0x15E00] =	vst v63  }
0x1d: {  	_ = 	snop  }
0x1e: {  	[tilespmem:s18], [sflag:$0x1] =	stream.indirect.gather [hbm4b:s5+s17], $0x40, s15, s17, $0xb8;
	[tilespmem:$0x15E00] =	vst v63  }
0x1f: {  	s11 =	simm.s32 $0xC8  }
0x20: {  	[tilespmem:s20], [sflag:$0x2] =	stream.indirect.gather [hbm4b:s5+s15], $0x40, s11, s15, $0xb8;
	[tilespmem:$0x15E00] =	vst v63  }
0x21: {  	s7 =	simm.s32 $0x148  }
0x22: {  	[tilespmem:s22], [sflag:$0x2] =	stream.indirect.gather [hbm4b:s5+s17], $0x40, s7, s17, $0xb8;
	[tilespmem:$0x15E00] =	vst v63  }
0x23: {  	s8 =	simm.s32 $0x190  }
0x24: {  	[tilespmem:s24], [sflag:$0x3] =	stream.indirect.gather [hbm4b:s5+s15], $0x40, s8, s15, $0xb8;
	[tilespmem:$0x15E00] =	vst v63  }
0x25: {  	s9 =	simm.s32 $0x210  }
0x26: {  	[tilespmem:s26], [sflag:$0x3] =	stream.indirect.gather [hbm4b:s5+s17], $0x40, s9, s17, $0xb8;
	[tilespmem:$0x15E00] =	vst v63  }
0x27: {  	s10 =	simm.s32 $0x258  }
0x28: {  	[tilespmem:s29], [sflag:$0x4] =	stream.indirect.gather [hbm4b:s5+s15], $0x40, s10, s15, $0xb8;
	[tilespmem:$0x15E00] =	vst v63  }
0x29: {  	s6 =	simm.s32 $0x0;
	s11 =	simm.s32 $0x2D8  }
0x2a: {  	[tilespmem:s31], [sflag:$0x4] =	stream.indirect.gather [hbm4b:s5+s17], $0x40, s11, s17, $0xb8;
	[tilespmem:$0x15E00] =	vst v63  }
.LBB2_2:
0x2b: {  	_ =	swait.ge [sflag:s1], $0x2000  }
0x2c: {  	[sflag:s1] =	ssyncset.done $0x0  }
0x2d: {  	[sflag:s1] =	ssyncadd.s32 $0xFFFFE000  }
0x2e: {  	_ =	swait.ge [sflag:s1], $0x1200  }
0x2f: {  	[sflag:s1] =	ssyncset.done $0x0  }
0x30: {  	s7 =	simm.s32 $0x0;
	[sflag:s1] =	ssyncadd.s32 $0xFFFFEE00  }
0x31: {  	v5 =	vld [tilespmem:s7+$0x6400]  }
0x32: {  	v6 =	vld [tilespmem:s7+$0x6410]  }
0x33: {  	v1 =	vld [tilespmem:s7+$0x6420]  }
0x34: {  	v0 =	vld [tilespmem:s7+$0x6430]  }
0x35: {  	v3 =	vld [tilespmem:s7+$0x9600]  }
0x36: {  	v4 =	vld [tilespmem:s7+$0x9610]  }
0x37: {  	s8 =	simm.s32 $0x100;
	v2 =	vld [tilespmem:s7+$0x9620]  }
.LBB2_3:
0x38: {  	s9 =	sshra.s32 s8, $0x2;
	p0 =	sne.s32 s8, $0xC700;
	v7 =	vld [tilespmem:s7+$0x9630];
	v8 =	vmov v1  }
0x39: {  	v9 =	vld [tilespmem:s9+$0x6400];
	v10 =	vmov v0  }
0x3a: {  	v11 =	vld [tilespmem:s9+$0x6410];
	v3 =	vadd.f32 v5, v3  }
.Ltmp0:
0x3b: {  	v1 =	vld [tilespmem:s9+$0x6420];
	v4 =	vadd.f32 v6, v4;
	(pc) =	sbr.rel @p0 .LBB2_3-.Ltmp0, $4  }
0x3c: {  	v0 =	vld [tilespmem:s9+$0x6430];
	[tilespmem:s7+$0x9600] =	vst v3;
	v2 =	vadd.f32 v8, v2  }
0x3d: {  	v3 =	vld [tilespmem:s9+$0x9600];
	[tilespmem:s7+$0x9610] =	vst v4;
	v7 =	vadd.f32 v10, v7  }
0x3e: {  	v4 =	vld [tilespmem:s9+$0x9610];
	[tilespmem:s7+$0x9620] =	vst v2;
	v5 =	vmov v9  }
0x3f: {  	s8 =	sadd.s32 $0x100, s8;
	v2 =	vld [tilespmem:s9+$0x9620];
	[tilespmem:s7+$0x9630] =	vst v7;
	v6 =	vmov v11;
	s7 =	smov.u32 s9  }
0x40: {  	v7 =	vld [tilespmem:s7+$0x9630];
	_ =	sdelay $0x1  }
0x41: {  	v3 =	vadd.f32 v5, v3  }
0x42: {  	s8 =	sshll.u32 s6, $0x2;
	v4 =	vadd.f32 v6, v4  }
0x43: {  	s9 =	sadd.s32 s3, s8;
	[tilespmem:s7+$0x9600] =	vst v3;
	v1 =	vadd.f32 v1, v2  }
0x44: {  	s9 =	smul.u32 $0x640, s9;
	[tilespmem:s7+$0x9610] =	vst v4;
	v0 =	vadd.f32 v0, v7  }
0x45: {  	[tilespmem:s7+$0x9620] =	vst v1  }
0x46: {  	s11 =	simm.s32 $0x0;
	s10 =	sadd.s32 s2, s9;
	s9 =	smul.u32 $0xC80, s6;
	[tilespmem:s7+$0x9630] =	vst v0  }
0x47: {  	[hbm4b:s10+s11] =	stream.linear.scatter [tilespmem:s16], [sflag:$0x5], $0x3200, $0x38;
	[tilespmem:$0x15E00] =	vst v63  }
0x48: {  	_ =	swait.ge [sflag:s0], $0x3200  }
0x49: {  	s7 =	sshra.s32 s9, $0x2;
	[sflag:s0] =	ssyncset.done $0x0  }
0x4a: {  	s10 =	sadd.s32 $0x320, s7;
	[sflag:s0] =	ssyncadd.s32 $0xFFFFCE00  }
0x4b: {  	[tilespmem:s16], [sflag:$0x1] =	stream.indirect.gather [hbm4b:s5+s15], $0x40, s10, s15, $0xb8;
	[tilespmem:$0x15E00] =	vst v63  }
0x4c: {  	s11 =	sadd.s32 $0x3A0, s7  }
0x4d: {  	[tilespmem:s18], [sflag:$0x1] =	stream.indirect.gather [hbm4b:s5+s17], $0x40, s11, s17, $0xb8;
	[tilespmem:$0x15E00] =	vst v63  }
0x4e: {  	_ =	swait.ge [sflag:s14], $0x2000  }
0x4f: {  	[sflag:s14] =	ssyncset.done $0x0  }
0x50: {  	[sflag:s14] =	ssyncadd.s32 $0xFFFFE000  }
0x51: {  	_ =	swait.ge [sflag:s14], $0x1200  }
0x52: {  	[sflag:s14] =	ssyncset.done $0x0  }
0x53: {  	s9 =	simm.s32 $0x0;
	[sflag:s14] =	ssyncadd.s32 $0xFFFFEE00  }
0x54: {  	v5 =	vld [tilespmem:s9+$0x6400]  }
0x55: {  	v6 =	vld [tilespmem:s9+$0x6410]  }
0x56: {  	v1 =	vld [tilespmem:s9+$0x6420]  }
0x57: {  	v0 =	vld [tilespmem:s9+$0x6430]  }
0x58: {  	v3 =	vld [tilespmem:s9+$0xC800]  }
0x59: {  	v4 =	vld [tilespmem:s9+$0xC810]  }
0x5a: {  	s10 =	simm.s32 $0x100;
	v2 =	vld [tilespmem:s9+$0xC820]  }
.LBB2_5:
0x5b: {  	s11 =	sshra.s32 s10, $0x2;
	p0 =	sne.s32 s10, $0xC700;
	v7 =	vld [tilespmem:s9+$0xC830];
	v8 =	vmov v1  }
0x5c: {  	v9 =	vld [tilespmem:s11+$0x6400];
	v10 =	vmov v0  }
0x5d: {  	v11 =	vld [tilespmem:s11+$0x6410];
	v3 =	vadd.f32 v5, v3  }
.Ltmp1:
0x5e: {  	v1 =	vld [tilespmem:s11+$0x6420];
	v4 =	vadd.f32 v6, v4;
	(pc) =	sbr.rel @p0 .LBB2_5-.Ltmp1, $4  }
0x5f: {  	v0 =	vld [tilespmem:s11+$0x6430];
	[tilespmem:s9+$0xC800] =	vst v3;
	v2 =	vadd.f32 v8, v2  }
0x60: {  	v3 =	vld [tilespmem:s11+$0xC800];
	[tilespmem:s9+$0xC810] =	vst v4;
	v7 =	vadd.f32 v10, v7  }
0x61: {  	v4 =	vld [tilespmem:s11+$0xC810];
	[tilespmem:s9+$0xC820] =	vst v2;
	v5 =	vmov v9  }
0x62: {  	s10 =	sadd.s32 $0x100, s10;
	v2 =	vld [tilespmem:s11+$0xC820];
	[tilespmem:s9+$0xC830] =	vst v7;
	v6 =	vmov v11;
	s9 =	smov.u32 s11  }
0x63: {  	v7 =	vld [tilespmem:s9+$0xC830];
	_ =	sdelay $0x1  }
0x64: {  	v3 =	vadd.f32 v5, v3  }
0x65: {  	s8 =	sadd.s32 s8, s3;
	v4 =	vadd.f32 v6, v4  }
0x66: {  	s8 =	smul.u32 $0x640, s8;
	[tilespmem:s9+$0xC800] =	vst v3;
	v1 =	vadd.f32 v1, v2  }
0x67: {  	[tilespmem:s9+$0xC810] =	vst v4;
	v0 =	vadd.f32 v0, v7  }
0x68: {  	s8 =	sadd.s32 s2, s8;
	[tilespmem:s9+$0xC820] =	vst v1  }
0x69: {  	s10 =	simm.s32 $0x0;
	s11 =	sadd.s32 $0x640, s8;
	[tilespmem:s9+$0xC830] =	vst v0  }
0x6a: {  	[hbm4b:s11+s10] =	stream.linear.scatter [tilespmem:s20], [sflag:$0x6], $0x3200, $0x38;
	[tilespmem:$0x15E00] =	vst v63  }
0x6b: {  	_ =	swait.ge [sflag:s19], $0x3200  }
0x6c: {  	[sflag:s19] =	ssyncset.done $0x0  }
0x6d: {  	s10 =	sadd.s32 $0x3E8, s7;
	[sflag:s19] =	ssyncadd.s32 $0xFFFFCE00  }
0x6e: {  	[tilespmem:s20], [sflag:$0x2] =	stream.indirect.gather [hbm4b:s5+s15], $0x40, s10, s15, $0xb8;
	[tilespmem:$0x15E00] =	vst v63  }
0x6f: {  	s11 =	sadd.s32 $0x468, s7  }
0x70: {  	[tilespmem:s22], [sflag:$0x2] =	stream.indirect.gather [hbm4b:s5+s17], $0x40, s11, s17, $0xb8;
	[tilespmem:$0x15E00] =	vst v63  }
0x71: {  	_ =	swait.ge [sflag:s21], $0x2000  }
0x72: {  	[sflag:s21] =	ssyncset.done $0x0  }
0x73: {  	[sflag:s21] =	ssyncadd.s32 $0xFFFFE000  }
0x74: {  	_ =	swait.ge [sflag:s21], $0x1200  }
0x75: {  	[sflag:s21] =	ssyncset.done $0x0  }
0x76: {  	s9 =	simm.s32 $0x0;
	[sflag:s21] =	ssyncadd.s32 $0xFFFFEE00  }
0x77: {  	v5 =	vld [tilespmem:s9+$0x6400]  }
0x78: {  	v6 =	vld [tilespmem:s9+$0x6410]  }
0x79: {  	v1 =	vld [tilespmem:s9+$0x6420]  }
0x7a: {  	v0 =	vld [tilespmem:s9+$0x6430]  }
0x7b: {  	v2 =	vld [tilespmem:s9+$0xFA00]  }
0x7c: {  	v4 =	vld [tilespmem:s9+$0xFA10]  }
0x7d: {  	s10 =	simm.s32 $0x100;
	v3 =	vld [tilespmem:s9+$0xFA20]  }
.LBB2_7:
0x7e: {  	s11 =	sshra.s32 s10, $0x2;
	p0 =	sne.s32 s10, $0xC700;
	v7 =	vld [tilespmem:s9+$0xFA30];
	v8 =	vmov v1  }
0x7f: {  	v9 =	vld [tilespmem:s11+$0x6400];
	v10 =	vmov v0  }
0x80: {  	v11 =	vld [tilespmem:s11+$0x6410];
	v2 =	vadd.f32 v5, v2  }
.Ltmp2:
0x81: {  	v1 =	vld [tilespmem:s11+$0x6420];
	v4 =	vadd.f32 v6, v4;
	(pc) =	sbr.rel @p0 .LBB2_7-.Ltmp2, $4  }
0x82: {  	v0 =	vld [tilespmem:s11+$0x6430];
	[tilespmem:s9+$0xFA00] =	vst v2;
	v3 =	vadd.f32 v8, v3  }
0x83: {  	v2 =	vld [tilespmem:s11+$0xFA00];
	[tilespmem:s9+$0xFA10] =	vst v4;
	v7 =	vadd.f32 v10, v7  }
0x84: {  	v4 =	vld [tilespmem:s11+$0xFA10];
	[tilespmem:s9+$0xFA20] =	vst v3;
	v5 =	vmov v9  }
0x85: {  	s10 =	sadd.s32 $0x100, s10;
	v3 =	vld [tilespmem:s11+$0xFA20];
	[tilespmem:s9+$0xFA30] =	vst v7;
	v6 =	vmov v11;
	s9 =	smov.u32 s11  }
0x86: {  	v7 =	vld [tilespmem:s9+$0xFA30];
	_ =	sdelay $0x1  }
0x87: {  	v2 =	vadd.f32 v5, v2  }
0x88: {  	v4 =	vadd.f32 v6, v4  }
0x89: {  	[tilespmem:s9+$0xFA00] =	vst v2;
	v1 =	vadd.f32 v1, v3  }
0x8a: {  	[tilespmem:s9+$0xFA10] =	vst v4;
	v0 =	vadd.f32 v0, v7  }
0x8b: {  	[tilespmem:s9+$0xFA20] =	vst v1  }
0x8c: {  	s11 =	sadd.s32 $0xC80, s8;
	s10 =	simm.s32 $0x0;
	[tilespmem:s9+$0xFA30] =	vst v0  }
0x8d: {  	[hbm4b:s11+s10] =	stream.linear.scatter [tilespmem:s24], [sflag:$0x7], $0x3200, $0x38;
	[tilespmem:$0x15E00] =	vst v63  }
0x8e: {  	_ =	swait.ge [sflag:s23], $0x3200  }
0x8f: {  	[sflag:s23] =	ssyncset.done $0x0  }
0x90: {  	s10 =	sadd.s32 $0x4B0, s7;
	[sflag:s23] =	ssyncadd.s32 $0xFFFFCE00  }
0x91: {  	[tilespmem:s24], [sflag:$0x3] =	stream.indirect.gather [hbm4b:s5+s15], $0x40, s10, s15, $0xb8;
	[tilespmem:$0x15E00] =	vst v63  }
0x92: {  	s11 =	sadd.s32 $0x530, s7  }
0x93: {  	[tilespmem:s26], [sflag:$0x3] =	stream.indirect.gather [hbm4b:s5+s17], $0x40, s11, s17, $0xb8;
	[tilespmem:$0x15E00] =	vst v63  }
0x94: {  	_ =	swait.ge [sflag:s25], $0x2000  }
0x95: {  	[sflag:s25] =	ssyncset.done $0x0  }
0x96: {  	[sflag:s25] =	ssyncadd.s32 $0xFFFFE000  }
0x97: {  	_ =	swait.ge [sflag:s25], $0x1200  }
0x98: {  	[sflag:s25] =	ssyncset.done $0x0  }
0x99: {  	s9 =	simm.s32 $0x0;
	[sflag:s25] =	ssyncadd.s32 $0xFFFFEE00  }
0x9a: {  	v5 =	vld [tilespmem:s9+$0x6400]  }
0x9b: {  	v6 =	vld [tilespmem:s9+$0x6410]  }
0x9c: {  	v1 =	vld [tilespmem:s9+$0x6420]  }
0x9d: {  	v0 =	vld [tilespmem:s9+$0x6430]  }
0x9e: {  	v2 =	vld [tilespmem:s9+$0x12C00]  }
0x9f: {  	v4 =	vld [tilespmem:s9+$0x12C10]  }
0xa0: {  	s10 =	simm.s32 $0x100;
	v3 =	vld [tilespmem:s9+$0x12C20]  }
.LBB2_9:
0xa1: {  	s11 =	sshra.s32 s10, $0x2;
	p0 =	sne.s32 s10, $0xC700;
	v7 =	vld [tilespmem:s9+$0x12C30];
	v8 =	vmov v1  }
0xa2: {  	v9 =	vld [tilespmem:s11+$0x6400];
	v10 =	vmov v0  }
0xa3: {  	v11 =	vld [tilespmem:s11+$0x6410];
	v2 =	vadd.f32 v5, v2  }
.Ltmp3:
0xa4: {  	v1 =	vld [tilespmem:s11+$0x6420];
	v4 =	vadd.f32 v6, v4;
	(pc) =	sbr.rel @p0 .LBB2_9-.Ltmp3, $4  }
0xa5: {  	v0 =	vld [tilespmem:s11+$0x6430];
	[tilespmem:s9+$0x12C00] =	vst v2;
	v3 =	vadd.f32 v8, v3  }
0xa6: {  	v2 =	vld [tilespmem:s11+$0x12C00];
	[tilespmem:s9+$0x12C10] =	vst v4;
	v7 =	vadd.f32 v10, v7  }
0xa7: {  	v4 =	vld [tilespmem:s11+$0x12C10];
	[tilespmem:s9+$0x12C20] =	vst v3;
	v5 =	vmov v9  }
0xa8: {  	s10 =	sadd.s32 $0x100, s10;
	v3 =	vld [tilespmem:s11+$0x12C20];
	[tilespmem:s9+$0x12C30] =	vst v7;
	v6 =	vmov v11;
	s9 =	smov.u32 s11  }
0xa9: {  	v7 =	vld [tilespmem:s9+$0x12C30];
	_ =	sdelay $0x1  }
0xaa: {  	v2 =	vadd.f32 v5, v2  }
0xab: {  	v4 =	vadd.f32 v6, v4  }
0xac: {  	[tilespmem:s9+$0x12C00] =	vst v2;
	v1 =	vadd.f32 v1, v3  }
0xad: {  	[tilespmem:s9+$0x12C10] =	vst v4;
	v0 =	vadd.f32 v0, v7  }
0xae: {  	[tilespmem:s9+$0x12C20] =	vst v1  }
0xaf: {  	s8 =	sadd.s32 $0x12C0, s8;
	s6 =	sadd.s32 $0x1, s6;
	[tilespmem:s9+$0x12C30] =	vst v0  }
0xb0: {  	[hbm4b:s8+s4] =	stream.linear.scatter [tilespmem:s29], [sflag:$0x8], $0x3200, $0x38;
	[tilespmem:$0x15E00] =	vst v63  }
0xb1: {  	p0 =	sne.s32 s6, $0x1F;
	_ =	swait.ge [sflag:s28], $0x3200  }
.Ltmp4:
0xb2: {  	[sflag:s28] =	ssyncset.done $0x0;
	(pc) =	sbr.rel @p0 .LBB2_2-.Ltmp4, $4  }
0xb3: {  	s10 =	sadd.s32 $0x578, s7;
	[sflag:s28] =	ssyncadd.s32 $0xFFFFCE00  }
0xb4: {  	[tilespmem:s29], [sflag:$0x4] =	stream.indirect.gather [hbm4b:s5+s15], $0x40, s10, s15, $0xb8;
	[tilespmem:$0x15E00] =	vst v63  }
0xb5: {  	s11 =	sadd.s32 $0x5F8, s7  }
0xb6: {  	[tilespmem:s31], [sflag:$0x4] =	stream.indirect.gather [hbm4b:s5+s17], $0x40, s11, s17, $0xb8;
	[tilespmem:$0x15E00] =	vst v63  }
0xb7: {  	_ =	swait.ge [sflag:s1], $0x2000  }
0xb8: {  	[sflag:s1] =	ssyncset.done $0x0  }
0xb9: {  	[sflag:s1] =	ssyncadd.s32 $0xFFFFE000  }
0xba: {  	_ =	swait.ge [sflag:s1], $0x1200  }
0xbb: {  	[sflag:s1] =	ssyncset.done $0x0  }
0xbc: {  	s6 =	simm.s32 $0x0;
	[sflag:s1] =	ssyncadd.s32 $0xFFFFEE00  }
0xbd: {  	v5 =	vld [tilespmem:s6+$0x6400]  }
0xbe: {  	v6 =	vld [tilespmem:s6+$0x6410]  }
0xbf: {  	v1 =	vld [tilespmem:s6+$0x6420]  }
0xc0: {  	v0 =	vld [tilespmem:s6+$0x6430]  }
0xc1: {  	v2 =	vld [tilespmem:s6+$0x9600]  }
0xc2: {  	v4 =	vld [tilespmem:s6+$0x9610]  }
0xc3: {  	s7 =	simm.s32 $0x100;
	v3 =	vld [tilespmem:s6+$0x9620]  }
.LBB2_12:
0xc4: {  	s8 =	sshra.s32 s7, $0x2;
	p0 =	sne.s32 s7, $0xC700;
	v7 =	vld [tilespmem:s6+$0x9630];
	v8 =	vmov v1  }
0xc5: {  	v9 =	vld [tilespmem:s8+$0x6400];
	v10 =	vmov v0  }
0xc6: {  	v11 =	vld [tilespmem:s8+$0x6410];
	v2 =	vadd.f32 v5, v2  }
.Ltmp5:
0xc7: {  	v1 =	vld [tilespmem:s8+$0x6420];
	v4 =	vadd.f32 v6, v4;
	(pc) =	sbr.rel @p0 .LBB2_12-.Ltmp5, $4  }
0xc8: {  	v0 =	vld [tilespmem:s8+$0x6430];
	[tilespmem:s6+$0x9600] =	vst v2;
	v3 =	vadd.f32 v8, v3  }
0xc9: {  	v2 =	vld [tilespmem:s8+$0x9600];
	[tilespmem:s6+$0x9610] =	vst v4;
	v7 =	vadd.f32 v10, v7  }
0xca: {  	v4 =	vld [tilespmem:s8+$0x9610];
	[tilespmem:s6+$0x9620] =	vst v3;
	v5 =	vmov v9  }
0xcb: {  	s7 =	sadd.s32 $0x100, s7;
	v3 =	vld [tilespmem:s8+$0x9620];
	[tilespmem:s6+$0x9630] =	vst v7;
	v6 =	vmov v11;
	s6 =	smov.u32 s8  }
0xcc: {  	v7 =	vld [tilespmem:s6+$0x9630];
	_ =	sdelay $0x1  }
0xcd: {  	v2 =	vadd.f32 v5, v2  }
0xce: {  	v4 =	vadd.f32 v6, v4  }
0xcf: {  	[tilespmem:s6+$0x9600] =	vst v2;
	v1 =	vadd.f32 v1, v3  }
0xd0: {  	[tilespmem:s6+$0x9610] =	vst v4;
	v0 =	vadd.f32 v0, v7  }
0xd1: {  	[tilespmem:s6+$0x9620] =	vst v1  }
0xd2: {  	s11 =	simm.s32 $0x0;
	s7 =	rddreg [dreg:$0x5];
	[tilespmem:s6+$0x9630] =	vst v0  }
0xd3: {  	[hbm4b:s7+s11] =	stream.linear.scatter [tilespmem:s16], [sflag:$0x5], $0x3200, $0x38;
	[tilespmem:$0x15E00] =	vst v63  }
0xd4: {  	_ =	swait.ge [sflag:s14], $0x2000  }
0xd5: {  	[sflag:s14] =	ssyncset.done $0x0  }
0xd6: {  	[sflag:s14] =	ssyncadd.s32 $0xFFFFE000  }
0xd7: {  	_ =	swait.ge [sflag:s14], $0x1200  }
0xd8: {  	[sflag:s14] =	ssyncset.done $0x0  }
0xd9: {  	s6 =	simm.s32 $0x0;
	[sflag:s14] =	ssyncadd.s32 $0xFFFFEE00  }
0xda: {  	v5 =	vld [tilespmem:s6+$0x6400]  }
0xdb: {  	v6 =	vld [tilespmem:s6+$0x6410]  }
0xdc: {  	v1 =	vld [tilespmem:s6+$0x6420]  }
0xdd: {  	v0 =	vld [tilespmem:s6+$0x6430]  }
0xde: {  	v2 =	vld [tilespmem:s6+$0xC800]  }
0xdf: {  	v4 =	vld [tilespmem:s6+$0xC810]  }
0xe0: {  	s7 =	simm.s32 $0x100;
	v3 =	vld [tilespmem:s6+$0xC820]  }
.LBB2_14:
0xe1: {  	s8 =	sshra.s32 s7, $0x2;
	p0 =	sne.s32 s7, $0xC700;
	v7 =	vld [tilespmem:s6+$0xC830];
	v8 =	vmov v1  }
0xe2: {  	v9 =	vld [tilespmem:s8+$0x6400];
	v10 =	vmov v0  }
0xe3: {  	v11 =	vld [tilespmem:s8+$0x6410];
	v2 =	vadd.f32 v5, v2  }
.Ltmp6:
0xe4: {  	v1 =	vld [tilespmem:s8+$0x6420];
	v4 =	vadd.f32 v6, v4;
	(pc) =	sbr.rel @p0 .LBB2_14-.Ltmp6, $4  }
0xe5: {  	v0 =	vld [tilespmem:s8+$0x6430];
	[tilespmem:s6+$0xC800] =	vst v2;
	v3 =	vadd.f32 v8, v3  }
0xe6: {  	v2 =	vld [tilespmem:s8+$0xC800];
	[tilespmem:s6+$0xC810] =	vst v4;
	v7 =	vadd.f32 v10, v7  }
0xe7: {  	v4 =	vld [tilespmem:s8+$0xC810];
	[tilespmem:s6+$0xC820] =	vst v3;
	v5 =	vmov v9  }
0xe8: {  	s7 =	sadd.s32 $0x100, s7;
	v3 =	vld [tilespmem:s8+$0xC820];
	[tilespmem:s6+$0xC830] =	vst v7;
	v6 =	vmov v11;
	s6 =	smov.u32 s8  }
0xe9: {  	v7 =	vld [tilespmem:s6+$0xC830];
	_ =	sdelay $0x1  }
0xea: {  	v2 =	vadd.f32 v5, v2  }
0xeb: {  	v4 =	vadd.f32 v6, v4  }
0xec: {  	[tilespmem:s6+$0xC800] =	vst v2;
	v1 =	vadd.f32 v1, v3  }
0xed: {  	[tilespmem:s6+$0xC810] =	vst v4;
	v0 =	vadd.f32 v0, v7  }
0xee: {  	[tilespmem:s6+$0xC820] =	vst v1  }
0xef: {  	s11 =	simm.s32 $0x0;
	s7 =	rddreg [dreg:$0x6];
	[tilespmem:s6+$0xC830] =	vst v0  }
0xf0: {  	[hbm4b:s7+s11] =	stream.linear.scatter [tilespmem:s20], [sflag:$0x6], $0x3200, $0x38;
	[tilespmem:$0x15E00] =	vst v63  }
0xf1: {  	_ =	swait.ge [sflag:s21], $0x2000  }
0xf2: {  	[sflag:s21] =	ssyncset.done $0x0  }
0xf3: {  	[sflag:s21] =	ssyncadd.s32 $0xFFFFE000  }
0xf4: {  	_ =	swait.ge [sflag:s21], $0x1200  }
0xf5: {  	[sflag:s21] =	ssyncset.done $0x0  }
0xf6: {  	s6 =	simm.s32 $0x0;
	[sflag:s21] =	ssyncadd.s32 $0xFFFFEE00  }
0xf7: {  	v5 =	vld [tilespmem:s6+$0x6400]  }
0xf8: {  	v6 =	vld [tilespmem:s6+$0x6410]  }
0xf9: {  	v1 =	vld [tilespmem:s6+$0x6420]  }
0xfa: {  	v0 =	vld [tilespmem:s6+$0x6430]  }
0xfb: {  	v2 =	vld [tilespmem:s6+$0xFA00]  }
0xfc: {  	v4 =	vld [tilespmem:s6+$0xFA10]  }
0xfd: {  	s7 =	simm.s32 $0x100;
	v3 =	vld [tilespmem:s6+$0xFA20]  }
.LBB2_16:
0xfe: {  	s8 =	sshra.s32 s7, $0x2;
	p0 =	sne.s32 s7, $0xC700;
	v7 =	vld [tilespmem:s6+$0xFA30];
	v8 =	vmov v1  }
0xff: {  	v9 =	vld [tilespmem:s8+$0x6400];
	v10 =	vmov v0  }
0x100: {  	v11 =	vld [tilespmem:s8+$0x6410];
	v2 =	vadd.f32 v5, v2  }
.Ltmp7:
0x101: {  	v1 =	vld [tilespmem:s8+$0x6420];
	v4 =	vadd.f32 v6, v4;
	(pc) =	sbr.rel @p0 .LBB2_16-.Ltmp7, $4  }
0x102: {  	v0 =	vld [tilespmem:s8+$0x6430];
	[tilespmem:s6+$0xFA00] =	vst v2;
	v3 =	vadd.f32 v8, v3  }
0x103: {  	v2 =	vld [tilespmem:s8+$0xFA00];
	[tilespmem:s6+$0xFA10] =	vst v4;
	v7 =	vadd.f32 v10, v7  }
0x104: {  	v4 =	vld [tilespmem:s8+$0xFA10];
	[tilespmem:s6+$0xFA20] =	vst v3;
	v5 =	vmov v9  }
0x105: {  	s7 =	sadd.s32 $0x100, s7;
	v3 =	vld [tilespmem:s8+$0xFA20];
	[tilespmem:s6+$0xFA30] =	vst v7;
	v6 =	vmov v11;
	s6 =	smov.u32 s8  }
0x106: {  	v7 =	vld [tilespmem:s6+$0xFA30];
	_ =	sdelay $0x1  }
0x107: {  	v2 =	vadd.f32 v5, v2  }
0x108: {  	v4 =	vadd.f32 v6, v4  }
0x109: {  	[tilespmem:s6+$0xFA00] =	vst v2;
	v1 =	vadd.f32 v1, v3  }
0x10a: {  	[tilespmem:s6+$0xFA10] =	vst v4;
	v0 =	vadd.f32 v0, v7  }
0x10b: {  	[tilespmem:s6+$0xFA20] =	vst v1  }
0x10c: {  	s11 =	simm.s32 $0x0;
	s7 =	rddreg [dreg:$0x7];
	[tilespmem:s6+$0xFA30] =	vst v0  }
0x10d: {  	[hbm4b:s7+s11] =	stream.linear.scatter [tilespmem:s24], [sflag:$0x7], $0x3200, $0x38;
	[tilespmem:$0x15E00] =	vst v63  }
0x10e: {  	_ =	swait.ge [sflag:s25], $0x2000  }
0x10f: {  	[sflag:s25] =	ssyncset.done $0x0  }
0x110: {  	[sflag:s25] =	ssyncadd.s32 $0xFFFFE000  }
0x111: {  	_ =	swait.ge [sflag:s25], $0x1200  }
0x112: {  	[sflag:s25] =	ssyncset.done $0x0  }
0x113: {  	s6 =	simm.s32 $0x0;
	[sflag:s25] =	ssyncadd.s32 $0xFFFFEE00  }
0x114: {  	v5 =	vld [tilespmem:s6+$0x6400]  }
0x115: {  	v6 =	vld [tilespmem:s6+$0x6410]  }
0x116: {  	v1 =	vld [tilespmem:s6+$0x6420]  }
0x117: {  	v0 =	vld [tilespmem:s6+$0x6430]  }
0x118: {  	v2 =	vld [tilespmem:s6+$0x12C00]  }
0x119: {  	v4 =	vld [tilespmem:s6+$0x12C10]  }
0x11a: {  	s7 =	simm.s32 $0x100;
	v3 =	vld [tilespmem:s6+$0x12C20]  }
.LBB2_18:
0x11b: {  	s8 =	sshra.s32 s7, $0x2;
	p0 =	sne.s32 s7, $0xC700;
	v7 =	vld [tilespmem:s6+$0x12C30];
	v8 =	vmov v1  }
0x11c: {  	v9 =	vld [tilespmem:s8+$0x6400];
	v10 =	vmov v0  }
0x11d: {  	v11 =	vld [tilespmem:s8+$0x6410];
	v2 =	vadd.f32 v5, v2  }
.Ltmp8:
0x11e: {  	v1 =	vld [tilespmem:s8+$0x6420];
	v4 =	vadd.f32 v6, v4;
	(pc) =	sbr.rel @p0 .LBB2_18-.Ltmp8, $4  }
0x11f: {  	v0 =	vld [tilespmem:s8+$0x6430];
	[tilespmem:s6+$0x12C00] =	vst v2;
	v3 =	vadd.f32 v8, v3  }
0x120: {  	v2 =	vld [tilespmem:s8+$0x12C00];
	[tilespmem:s6+$0x12C10] =	vst v4;
	v7 =	vadd.f32 v10, v7  }
0x121: {  	v4 =	vld [tilespmem:s8+$0x12C10];
	[tilespmem:s6+$0x12C20] =	vst v3;
	v5 =	vmov v9  }
0x122: {  	s7 =	sadd.s32 $0x100, s7;
	v3 =	vld [tilespmem:s8+$0x12C20];
	[tilespmem:s6+$0x12C30] =	vst v7;
	v6 =	vmov v11;
	s6 =	smov.u32 s8  }
0x123: {  	v7 =	vld [tilespmem:s6+$0x12C30];
	_ =	sdelay $0x1  }
0x124: {  	v2 =	vadd.f32 v5, v2  }
0x125: {  	v4 =	vadd.f32 v6, v4  }
0x126: {  	[tilespmem:s6+$0x12C00] =	vst v2;
	v1 =	vadd.f32 v1, v3  }
0x127: {  	[tilespmem:s6+$0x12C10] =	vst v4;
	v0 =	vadd.f32 v0, v7  }
0x128: {  	[tilespmem:s6+$0x12C20] =	vst v1  }
0x129: {  	s11 =	rddreg [dreg:$0x8];
	[tilespmem:s6+$0x12C30] =	vst v0  }
0x12a: {  	[hbm4b:s11+s4] =	stream.linear.scatter [tilespmem:s29], [sflag:$0x8], $0x3200, $0x38;
	[tilespmem:$0x15E00] =	vst v63  }
0x12b: {  	_ =	swait.ge [sflag:s0], $0x3200  }
0x12c: {  	[sflag:s0] =	ssyncset.done $0x0  }
0x12d: {  	[sflag:s0] =	ssyncadd.s32 $0xFFFFCE00  }
0x12e: {  	_ =	swait.ge [sflag:s19], $0x3200  }
0x12f: {  	[sflag:s19] =	ssyncset.done $0x0  }
0x130: {  	s30 =	sadd.s32 $0x1, s30;
	[sflag:s19] =	ssyncadd.s32 $0xFFFFCE00  }
0x131: {  	p0 =	sne.s32 s30, s12;
	_ =	swait.ge [sflag:s23], $0x3200  }
.Ltmp9:
0x132: {  	[sflag:s23] =	ssyncset.done $0x0;
	(pc) =	sbr.rel @p0 .LBB2_1-.Ltmp9, $4  }
0x133: {  	[sflag:s23] =	ssyncadd.s32 $0xFFFFCE00  }
0x134: {  	_ =	swait.ge [sflag:s28], $0x3200  }
0x135: {  	[sflag:s28] =	ssyncset.done $0x0  }
0x136: {  	[sflag:s28] =	ssyncadd.s32 $0xFFFFCE00  }
0x137: {  	_ =	sfence.sel $0x180000  }
0x138: {  	[bflag:$0x0] =	sbarrier.arrive $0xFFFF  }
0x139: {  	_ =	strace $0x90000047  }
0x13a: {  	s0 =	stileid.u32;
	[bflag:$0x2] =	sbarrier.arrive $0xFFFF  }
0x13b: {  	p0 =	sne.s32 s0, $0x0;
	s0 =	rddreg [dreg:$0x2]  }
0x13c: {  	s0 =	sadd.s32 @!p0 $0x100000, s0  }
0x13d: {  	[sflag:s0] =	ssyncadd.tile.s32 @!p0 $0x1;
	_ =	shalt  }
.Lfunc_end2:
_tile_overlayer_lowered:
.L_overlay_start_2:
0x13e: {  	(tag) =	ssettag $0x2  }
0x13f: {  	s0 =	rddreg [dreg:$0x0];
	s2 =	stileid.u32  }
0x140: {  	s1 =	rddreg [dreg:$0x1];
	p0 =	sne.s32 s2, $0x0  }
0x141: {  	s3 =	rddreg [dreg:$0x2];
	[bflag:$0x3] =	sbarrier.arrive $0xFFFF;
	s2 =	simm.s32 @!p0 $0x1C09  }
0x142: {  	[timem:s3], [sflag:s2] =	dma.local @!p0 [hbm:s0], s1  }
0x143: {  	s0 =	simm.s32 @!p0 $0x9  }
0x144: {  	_ =	swait.ge @!p0 [sflag:s0], s1  }
0x145: {  	s1 =	ssub.s32 @!p0 $0x0, s1;
	[sflag:s0] =	ssyncset.done @!p0 $0x0  }
0x146: {  	[sflag:s0] =	ssyncadd.s32 @!p0 s1  }
0x147: {  	[bflag:$0x3] =	sbarrier.arrive $0xFFFF  }
0x148: {  	_ =	shalt  }

// kernel: sparse-core-data-format-call.cloned.1.call-start
scs
called_computation_lowered:
.L_overlay_start_0:
0x0: {  	s2 =	sld [smem:$0x3FD9]  }
0x1: {  	s3 =	sld [smem:$0x3FFE];
	_ =	sdelay $0x1  }
0x2: {  	s1 =	srdreg.scid  }
0x3: {  	s0 =	sand.u32 $0x1, s1  }
0x4: {  	s18 =	sshll.u32 s0, $0xA;
	s2 =	sadd.s32 s3, s2  }
0x5: {  	s2 =	sadd.s32 s2, s18  }
0x6: {  	[smem:$0x3FC5] =	sst s2  }
0x7: {  	_ = 	snop  }
0x8: {  	s2 =	sld [smem:$0x3FD0];
	(tm) =	ssettm $0x1  }
0x9: {  	s19 =	sld [smem:$0x3FFB];
	_ =	sdelay $0x3  }
0xa: {  	_ =	strace s19  }
0xb: {  	s3 =	sld [smem:$0x3FFC];
	_ =	sdelay $0x3  }
0xc: {  	_ =	strace s3  }
0xd: {  	s3 =	sld [smem:$0x3FFD];
	_ =	sdelay $0x3  }
0xe: {  	_ =	strace s3  }
0xf: {  	_ =	strace $0x8FFFFFFF  }
0x10: {  	s20 =	sld [smem:$0x3FDB];
	_ =	sdelay $0x1  }
0x11: {  	s4 =	simm.s32 $_scs_section_size  }
0x12: {  	s5 =	simm.s32 $_size__tile_overlayer_lowered;
	s6 =	simm.s32 $_tile_overlayer_lowered  }
0x13: {  	s23 =	simm.s32 $0x1BFF;
	s22 =	sshll.u32 s6, $0x1;
	s3 =	sadd.s32 s4, s20  }
0x14: {  	s7 =	simm.s32 $0x0;
	s21 =	sshll.u32 s5, $0x1;
	s5 =	sadd.s32 s22, s3  }
0x15: {  	[timem:s7], [sflag:s23] =	dma.local [hbm:s5], s21  }
0x16: {  	_ =	swait.ge [sflag:s23], s21  }
0x17: {  	s4 =	ssub.s32 $0x0, s21;
	[sflag:s23] =	ssyncset.done $0x0  }
0x18: {  	[sflag:s23] =	ssyncadd.s32 s4;
	_ =	sdelay $0x1  }
0x19: {  	s24 =	simm.s32 $0x1B8B  }
0x1a: {  	_ =	swait.ge [sflag:s24], $0x1  }
0x1b: {  	[sflag:s24] =	ssyncset.done $0x0  }
0x1c: {  	s26 =	simm.s32 $0x1B8E;
	s25 =	sld [smem:$0x3FFE];
	[sflag:s24] =	ssyncadd.s32 $0xFFFFFFFF  }
0x1d: {  	s27 =	simm.s32 $execute0_lowered;
	[smem:$0x3FD2] =	sst s26  }
0x1e: {  	s5 =	sshll.u32 s27, $0x1;
	_ =	strace $0x80000049;
	[dreg:$0x1] =	wrdreg $0xFFFFFFFF  }
0x1f: {  	s28 =	simm.s32 $_size_execute0_lowered;
	s3 =	sadd.s32 s3, s5;
	[dreg:$0x0] =	wrdreg $0x0  }
0x20: {  	s5 =	sshll.u32 s28, $0x1;
	[dreg:$0x2] =	wrdreg s3  }
0x21: {  	[dreg:$0x3] =	wrdreg s5  }
0x22: {  	[dreg:$0x4] =	wrdreg $0xC0  }
0x23: {  	_ =	task [dreg:s7], $0x5FFFF  }
0x24: {  	[dreg:$0x1] =	wrdreg $0xFFFFFFFF  }
0x25: {  	[dreg:$0x0] =	wrdreg $0x60  }
0x26: {  	[dreg:$0x2] =	wrdreg s25  }
0x27: {  	[dreg:$0x3] =	wrdreg s2  }
0x28: {  	[dreg:$0x4] =	wrdreg $0x9  }
0x29: {  	_ =	task.clear_ibuf [dreg:s7], $0x5FFFF;
	_ =	strace $0x90000049  }
0x2a: {  	s29 =	simm.s32 $0x9;
	_ =	strace $0x8000004B  }
0x2b: {  	_ =	swait.ge [sflag:s29], $0x1  }
0x2c: {  	[sflag:s29] =	ssyncadd.s32 $0xFFFFFFFF  }
0x2d: {  	_ =	strace $0x9000004B  }
0x2e: {  	_ =	sfence  }
0x2f: {  	s30 =	sld [smem:$0x0];
	_ =	sdelay $0x2  }
0x30: {  	s31 =	sshll.u32 s1, $0xD;
	s1 =	sshrl.u32 s1, $0x2  }
0x31: {  	s3 =	sand.u32 $0x4000, s31;
	s1 =	sadd.s32 s1, s30  }
0x32: {  	s0 =	sor.u32 s3, s0;
	s1 =	sshll.u32 s1, $0x11  }
0x33: {  	s0 =	sor.u32 s1, s0  }
0x34: {  	s0 =	sadd.s32 $0x8F2B, s0  }
0x35: {  	[sflag:s0] =	ssyncadd.remote.s32 $0x1  }
0x36: {  	_ =	sfence.sel $0xFFFF  }
0x37: {  	[dreg:$0x0] =	wrdreg $0xFFFFFFFF;
	(pc) =	sbr.abs _section_cstart, $3  }
0x38: {  	[dreg:$0x1] =	wrdreg $0xFFFFFFFF  }
0x39: {  	_ =	task.clear_ibuf [dreg:s7], $0x2FFFF;
	_ =	strace $0x9FFFFFFF  }
0x3a: {  	(tm) =	ssettm $0x7FFFFFFF  }
0x3b: {  	_ =	shalt  }
tec
execute0_lowered:
.L_overlay_start_1:
0x0: {  	(tag) =	ssettag $0x1  }
0x1: {  	s0 =	srdreg.scid  }
0x2: {  	s1 =	sshll.u32 s0, $0x4  }
0x3: {  	s0 =	stileid.u32;
	s1 =	sand.u32 $0x10, s1  }
0x4: {  	s1 =	sor.u32 s0, s1  }
0x5: {  	s6 =	rddreg [dreg:$0x0];
	s4 =	simm.s32 $0x1;
	s2 =	sshll.u32 s1, $0x7  }
0x6: {  	s7 =	simm.s32 $0x2;
	s12 =	simm.s32 $0x0;
	s1 =	ssub.s32 $0x1000, s2  }
0x7: {  	s8 =	simm.s32 $0x8000;
	s13 =	simm.s32 $0x0;
	s3 =	sand.u32 $0xF80, s1  }
0x8: {  	s9 =	simm.s32 $0x0;
	s5 =	sshrl.u32 s1, $0xC;
	p0 =	sne.s32 s3, $0x0  }
.Ltmp0:
0x9: {  	s1 =	rddreg [dreg:$0x2];
	s4 =	simm.s32 @!p0 $0x0;
	(pc) =	sbr.rel .LBB1_1-.Ltmp0, $4  }
0xa: {  	s11 =	simm.s32 $0x0;
	s3 =	rddreg [dreg:$0x1];
	s5 =	sadd.s32 s4, s5  }
0xb: {  	_ =	strace $0x8000004A;
	s4 =	simm.s32 $0x1;
	s5 =	smul.u32 $0xC8, s5  }
0xc: {  	s6 =	sadd.s32 $0x800, s6;
	s10 =	smov.u32 s2;
	[sflag:s4] =	ssyncpa.u1 $0x0  }
0xd: {  	p0 =	por $0x0, $0x0;
	[sflag:s7] =	ssyncpa.u1 $0x0;
	s7 =	sor.u32 $0x1, s5  }
.LBB1_4:
0xe: {  	s16 =	sshll.u32 s13, $0x3;
	s17 =	sand.u32 $0x78, s13  }
0xf: {  	s30 =	sand.u32 $0x7E00, s13;
	s12 =	sshll.u32 s12, $0xF;
	s16 =	sand.u32 $0xC00, s16  }
0x10: {  	[tilespmem:s15+$0x810 ss:$0x81] =	vst.msk $0xffff, v2;
	s31 =	sand.u32 $0x7, s13;
	s16 =	sor.u32 s17, s16;
	s17 =	sadd.s32 s3, s30  }
0x11: {  	[tilespmem:s15+$0x1020 ss:$0x81] =	vst.msk $0xffff, v0;
	s13 =	sshll.u32 s31, $0x12;
	s12 =	sadd.s32 s12, s17;
	s16 =	sshrl.u32 s16, $0x3  }
0x12: {  	[tilespmem:s15+$0x0 ss:$0x81] =	vst.msk $0xffff, v1;
	s13 =	sor.u32 $0x400, s13;
	s12 =	sadd.s32 s16, s12  }
0x13: {  	[hbm4b:s12+s13] =	stream.strided.scatter [tilespmem:s14], [sflag:$0x2], $0x2000, s8, s13, $0x20;
	[tilespmem:$0x8080] =	vst v63  }
.LBB1_5:
0x14: {  	s14 =	sadd.s32 $0x1, s9  }
0x15: {  	s12 =	sadd.s32 $0x1000, s10;
	s16 =	smov.u32 s10;
	p2 =	sgt.s32 s14, $0xC7  }
0x16: {  	s16 =	smov.u32 @p2 s12  }
0x17: {  	s14 =	simm.s32 @p2 $0x0;
	p2 =	sgt.s32 s16, $0xFFF  }
0x18: {  	s16 =	smov.u32 @p2 s2;
	p2 =	sne.s32 s11, s7  }
.Ltmp1:
0x19: {  	p1 =	slt.u32 s11, $0x2;
	(pc) =	sbr.rel @!p2 .LBB1_6-.Ltmp1, $4  }
0x1a: {  	s15 =	simm.s32 @!p1 $0x2  }
0x1b: {  	s13 =	smov.u32 s10;
	p0 =	por !p0, !p0;
	_ =	swait.ge @!p1 [sflag:s15], $0x2000  }
0x1c: {  	s12 =	smov.u32 s9;
	[sflag:s15] =	ssyncset.done @!p1 $0x0;
	s9 =	smov.u32 s14  }
0x1d: {  	s11 =	sadd.s32 $0x1, s11;
	[sflag:s15] =	ssyncadd.s32 @!p1 $0xFFFFE000;
	s10 =	smov.u32 s16  }
.LBB1_1:
0x1e: {  	p1 =	sge.u32 s11, s5  }
0x1f: {  	s14 =	sand.u32 @!p1 $0x1FFFFFF, s9  }
0x20: {  	s15 =	smulhi.u32 @!p1 $0x147AE15, s14;
	_ =	sdelay $0x1  }
0x21: {  	s15 =	smul.u32 @!p1 $0xC8, s15  }
0x22: {  	s16 =	sxor.u32 @!p1 $0xFFFFFFFF, s11;
	s17 =	smul.u32 @!p1 $0xC80, s10  }
0x23: {  	s31 =	sadd.s32 $0xFFFFFFFF, s11;
	s16 =	sshll.u32 @!p1 s16, $0xD;
	s14 =	ssub.s32 @!p1 s14, s15  }
0x24: {  	s15 =	sand.u32 @!p1 $0x2000, s16;
	s16 =	sadd.s32 @!p1 s6, s17;
	s14 =	sshll.u32 @!p1 s14, $0x4  }
0x25: {  	s17 =	simm.s32 @!p1 $0x6400;
	s14 =	sadd.s32 @!p1 s14, s16;
	s16 =	simm.s32 @!p1 $0x40  }
0x26: {  	[tilespmem:s15], [sflag:$0x1] =	stream.strided.gather @!p1 [hbm4b:s14+s16], $0x2000, s17, s16, $0x38;
	[tilespmem:$0x8080] =	vst v63  }
0x27: {  	p1 =	sge.u32 s31, s5  }
.Ltmp2:
0x28: {  	_ = 	snop;
	(pc) =	sbr.rel @p1 .LBB1_5-.Ltmp2, $1  }
0x29: {  	_ =	sdelay $0x3  }
0x2a: {  	s14 =	simm.s32 $0x1  }
0x2b: {  	_ =	swait.ge [sflag:s4], $0x2000;
	s14 =	simm.s32 @!p0 $0x0  }
0x2c: {  	[sflag:s4] =	ssyncset.done $0x0;
	s15 =	sshll.u32 s14, $0xD  }
0x2d: {  	[sflag:s4] =	ssyncadd.s32 $0xFFFFE000;
	s18 =	sor.u32 $0x20, s15  }
0x2e: {  	s14 =	smul.u32 $0x8100, s14;
	v3 =	vld [tilespmem:s18+$0x10]  }
0x2f: {  	s30 =	sand.u32 $0x1, s11;
	v2 =	vld [tilespmem:s18+$0xFFFFFFF0]  }
0x30: {  	s15 =	smul.u32 $0x8100, s30;
	s14 =	sshrl.u32 s14, $0x2;
	v0 =	vld [tilespmem:s18+$0x0]  }
0x31: {  	v1 =	vld [tilespmem:s18+$0xFFFFFFE0];
	s16 =	sor.u32 $0x4000, s14  }
0x32: {  	s31 =	sshrl.u32 s15, $0x2;
	s15 =	sadd.s32 $0x0, s16  }
0x33: {  	s17 =	simm.s32 $0x4;
	s18 =	sadd.s32 $0x40, s18;
	s14 =	sor.u32 $0x4000, s31;
	[tilespmem:s15+$0x1830 ss:$0x81] =	vst.msk $0xffff, v3  }
.LBB1_3:
0x34: {  	v3 =	vld [tilespmem:s18+$0x10];
	p1 =	sne.s32 s17, $0x1FC;
	[tilespmem:s15+$0x810 ss:$0x81] =	vst.msk $0xffff, v2;
	s19 =	smov.u32 s17;
	s17 =	sadd.s32 $0x4, s17  }
.Ltmp3:
0x35: {  	v2 =	vld [tilespmem:s18+$0xFFFFFFF0];
	[tilespmem:s15+$0x1020 ss:$0x81] =	vst.msk $0xffff, v0;
	(pc) =	sbr.rel @p1 .LBB1_3-.Ltmp3, $4  }
0x36: {  	v0 =	vld [tilespmem:s18+$0x0];
	[tilespmem:s15+$0x0 ss:$0x81] =	vst.msk $0xffff, v1  }
0x37: {  	s15 =	sshra.s32 s19, $0x2;
	v1 =	vld [tilespmem:s18+$0xFFFFFFE0]  }
0x38: {  	s15 =	sadd.s32 s15, s16  }
0x39: {  	s18 =	sadd.s32 $0x40, s18;
	[tilespmem:s15+$0x1830 ss:$0x81] =	vst.msk $0xffff, v3  }
.Ltmp4:
0x3a: {  	_ = 	snop;
	(pc) =	sbr.rel .LBB1_4-.Ltmp4, $1  }
0x3b: {  	_ =	sdelay $0x3  }
.LBB1_6:
0x3c: {  	_ =	sfence.sel $0x180000  }
0x3d: {  	s2 =	simm.s32 $0x1;
	[bflag:$0x0] =	sbarrier.arrive $0xFFFF  }
0x3e: {  	s31 =	simm.s32 $0x2;
	[sflag:s2] =	ssyncpa.u1 $0x1  }
0x3f: {  	[sflag:s31] =	ssyncpa.u1 $0x1  }
0x40: {  	p0 =	sne.s32 s0, $0x0;
	_ =	strace $0x9000004A  }
0x41: {  	s0 =	sadd.s32 @!p0 $0x100000, s1;
	[bflag:$0x2] =	sbarrier.arrive $0xFFFF  }
0x42: {  	[sflag:s0] =	ssyncadd.tile.s32 @!p0 $0x1;
	_ =	shalt  }
.Lfunc_end1:
_tile_overlayer_lowered:
.L_overlay_start_2:
0x43: {  	(tag) =	ssettag $0x2  }
0x44: {  	s0 =	rddreg [dreg:$0x0];
	s2 =	stileid.u32  }
0x45: {  	s1 =	rddreg [dreg:$0x1];
	p0 =	sne.s32 s2, $0x0  }
0x46: {  	s3 =	rddreg [dreg:$0x2];
	[bflag:$0x3] =	sbarrier.arrive $0xFFFF;
	s2 =	simm.s32 @!p0 $0x1C01  }
0x47: {  	[timem:s3], [sflag:s2] =	dma.local @!p0 [hbm:s0], s1  }
0x48: {  	s0 =	simm.s32 @!p0 $0x1  }
0x49: {  	_ =	swait.ge @!p0 [sflag:s0], s1  }
0x4a: {  	s1 =	ssub.s32 @!p0 $0x0, s1;
	[sflag:s0] =	ssyncset.done @!p0 $0x0  }
0x4b: {  	[sflag:s0] =	ssyncadd.s32 @!p0 s1  }
0x4c: {  	[bflag:$0x3] =	sbarrier.arrive $0xFFFF  }
0x4d: {  	_ =	shalt  }

</sc_bundles>
